<compile_context>
chip_gen: v7x
topology: tpu7x:2x2x1
jax: 0.10.2.dev20260603
libtpu: 0.0.44.dev20260713+nightly
codegen_flags: <defaults>
</compile_context>

<pallas_src>
import functools

import jax
import jax.numpy as jnp
from jax import lax
from jax.experimental import pallas as pl
from jax.experimental.pallas import tpu as pltpu
from jax.experimental.pallas import tpu_sc as plsc

N = 10000
NPAD = 10240
E = 160000
G = 64
NC = 2
NS = 16
NW = NC * NS
CH = 128
NCHROWS = 1280
CPW = NCHROWS // NS
EPAD = NCHROWS * CH
EPW = EPAD // NW
RPT = NPAD // NS
RB = 512
NBLK = NPAD // RB

_mesh = plsc.VectorSubcoreMesh(core_axis_name="c", subcore_axis_name="s")


@functools.partial(
    pl.kernel,
    out_type=jax.ShapeDtypeStruct((NW, NPAD), jnp.float32),
    mesh=_mesh,
    scratch_types=[
        pltpu.VMEM((EPW,), jnp.int32),
        pltpu.VMEM((NPAD,), jnp.float32),
    ],
    compiler_params=pltpu.CompilerParams(needs_layout_passes=False),
)
def _deg_kernel(dst_hbm, out_hbm, dstv, deg):
    cid = lax.axis_index("c")
    sid = lax.axis_index("s")
    wid = cid * NS + sid

    zeros16 = jnp.zeros((16,), jnp.float32)

    def zero_step(i, carry):
        deg[pl.ds(i * 16, 16)] = zeros16
        return carry

    lax.fori_loop(0, NPAD // 16, zero_step, 0)

    base = pl.multiple_of(wid * EPW, EPW)
    pltpu.sync_copy(dst_hbm.at[pl.ds(base, EPW)], dstv)

    ones16 = jnp.ones((16,), jnp.float32)

    def count_step(i, carry):
        idx = dstv[pl.ds(i * 16, 16)]
        plsc.addupdate_scatter(deg, [idx], ones16)
        return carry

    lax.fori_loop(0, EPW // 16, count_step, 0)
    pltpu.sync_copy(deg, out_hbm.at[wid])


def _make_agg(d_half, nbuf):
    @functools.partial(
        pl.kernel,
        out_type=jax.ShapeDtypeStruct((NC, NPAD, d_half), jnp.float32),
        mesh=_mesh,
        scratch_types=[
            pltpu.VMEM((CPW, CH), jnp.int32),
            pltpu.VMEM((CPW, CH), jnp.int32),
            pltpu.VMEM((nbuf, CH, d_half), jnp.float32),
            pltpu.VMEM_SHARED((NPAD, d_half), jnp.float32),
        ] + [pltpu.SemaphoreType.DMA] * nbuf,
        compiler_params=pltpu.CompilerParams(use_tc_tiling_on_sc=False),
    )
    def _agg_kernel(hs_hbm, src_hbm, dst_hbm, out_hbm, sv, dv, rows,
                    acc, *sems):
        cid = lax.axis_index("c")
        sid = lax.axis_index("s")
        start = pl.multiple_of(sid * CPW, CPW)

        pltpu.sync_copy(src_hbm.at[cid, pl.ds(start, CPW)], sv)
        pltpu.sync_copy(dst_hbm.at[pl.ds(start, CPW)], dv)

        for b in range(nbuf):
            pltpu.async_copy(hs_hbm.at[sv.at[b]], rows.at[b], sems[b])

        r0 = pl.multiple_of(sid * RPT, RPT)
        pltpu.sync_copy(hs_hbm.at[pl.ds(cid * NPAD + r0, RPT)],
                        acc.at[pl.ds(r0, RPT)])
        plsc.subcore_barrier()

        def group(g, carry):
            for b in range(nbuf):
                j = g * nbuf + b
                pltpu.make_async_copy(
                    hs_hbm.at[sv.at[j]], rows.at[b], sems[b]).wait()
                pltpu.sync_copy(rows.at[b], acc.at[dv.at[j]], add=True)

                @pl.when(j + nbuf < CPW)
                def _():
                    pltpu.async_copy(
                        hs_hbm.at[sv.at[j + nbuf]], rows.at[b], sems[b])
            return carry

        lax.fori_loop(0, CPW // nbuf, group, 0)
        plsc.subcore_barrier()
        pltpu.sync_copy(acc.at[pl.ds(r0, RPT)], out_hbm.at[cid, pl.ds(r0, RPT)])

    return _agg_kernel


_agg128 = _make_agg(64, 8)
_agg64 = _make_agg(32, 8)


def _mm1_body(x_ref, w_ref, degp_ref, h_ref):
    deg = jnp.sum(degp_ref[...], axis=0) + 1.0
    dinv = lax.rsqrt(deg)
    h = jnp.dot(x_ref[...], w_ref[...], preferred_element_type=jnp.float32)
    hs = h * dinv[:, None]
    h_ref[0] = hs[:, :64]
    h_ref[1] = hs[:, 64:]


def _mm1(xp, w1, degp):
    return pl.pallas_call(
        _mm1_body,
        grid=(NBLK,),
        in_specs=[
            pl.BlockSpec((RB, 384), lambda i: (i, 0)),
            pl.BlockSpec((384, 128), lambda i: (0, 0)),
            pl.BlockSpec((NW, RB), lambda i: (0, i)),
        ],
        out_specs=pl.BlockSpec((2, RB, 64), lambda i: (0, i, 0)),
        out_shape=jax.ShapeDtypeStruct((2, NPAD, 64), jnp.float32),
    )(xp, w1, degp)


def _mid_body(p0_ref, p1_ref, degp_ref, w_ref, b_ref, o_ref):
    deg = jnp.sum(degp_ref[...], axis=0) + 1.0
    dinv = lax.rsqrt(deg)
    agg = jnp.concatenate([p0_ref[0], p1_ref[0]], axis=1)
    a = jnp.maximum(agg * dinv[:, None] + b_ref[...], 0.0)
    h = jnp.dot(a, w_ref[...], preferred_element_type=jnp.float32)
    hs = h * dinv[:, None]
    o_ref[0] = hs[:, :32]
    o_ref[1] = hs[:, 32:]


def _mid(p, degp, w2, b1):
    return pl.pallas_call(
        _mid_body,
        grid=(NBLK,),
        in_specs=[
            pl.BlockSpec((1, RB, 64), lambda i: (0, i, 0)),
            pl.BlockSpec((1, RB, 64), lambda i: (1, i, 0)),
            pl.BlockSpec((NW, RB), lambda i: (0, i)),
            pl.BlockSpec((128, 64), lambda i: (0, 0)),
            pl.BlockSpec((1, 128), lambda i: (0, 0)),
        ],
        out_specs=pl.BlockSpec((2, RB, 32), lambda i: (0, i, 0)),
        out_shape=jax.ShapeDtypeStruct((2, NPAD, 32), jnp.float32),
    )(p, p, degp, w2, b1)


def _pool_body(q0_ref, q1_ref, degp_ref, b_ref, batch_ref, wl_ref,
               bl_ref, out_ref, acc_ref):
    i = pl.program_id(0)
    deg = jnp.sum(degp_ref[...], axis=0) + 1.0
    dinv = lax.rsqrt(deg)
    agg = jnp.concatenate([q0_ref[0], q1_ref[0]], axis=1)
    a = jnp.maximum(agg * dinv[:, None] + b_ref[...], 0.0)
    b = batch_ref[0, 0, :]
    onehot = (b[None, :] == lax.broadcasted_iota(jnp.int32, (G, RB), 0)
              ).astype(jnp.float32)
    aug = jnp.concatenate([a, jnp.ones((RB, 64), jnp.float32)], axis=1)
    part = jnp.dot(onehot, aug, preferred_element_type=jnp.float32)

    @pl.when(i == 0)
    def _():
        acc_ref[...] = part

    @pl.when(i > 0)
    def _():
        acc_ref[...] += part

    @pl.when(i == NBLK - 1)
    def _():
        pool = acc_ref[:, :64]
        cnt = jnp.maximum(acc_ref[:, 64:65], 1.0)
        mean = pool / cnt
        out_ref[...] = (
            jnp.dot(mean, wl_ref[...], preferred_element_type=jnp.float32)
            + bl_ref[...]
        )


def _pool(q, degp, b2, batchp, wl, bl):
    return pl.pallas_call(
        _pool_body,
        grid=(NBLK,),
        in_specs=[
            pl.BlockSpec((1, RB, 32), lambda i: (0, i, 0)),
            pl.BlockSpec((1, RB, 32), lambda i: (1, i, 0)),
            pl.BlockSpec((NW, RB), lambda i: (0, i)),
            pl.BlockSpec((1, 64), lambda i: (0, 0)),
            pl.BlockSpec((1, 1, RB), lambda i: (i, 0, 0)),
            pl.BlockSpec((64, 2), lambda i: (0, 0)),
            pl.BlockSpec((1, 2), lambda i: (0, 0)),
        ],
        out_specs=pl.BlockSpec((G, 2), lambda i: (0, 0)),
        out_shape=jax.ShapeDtypeStruct((G, 2), jnp.float32),
        scratch_shapes=[pltpu.VMEM((G, 128), jnp.float32)],
    )(q, q, degp, b2, batchp, wl, bl)


@jax.jit
def kernel(x, edge_index, batch, W1, b1, W2, b2, Wl, bl):
    src = edge_index[0].astype(jnp.int32)
    dst = edge_index[1].astype(jnp.int32)
    srcp = jnp.concatenate([src, jnp.zeros((EPAD - E,), jnp.int32)])
    dstp = jnp.concatenate([dst, jnp.full((EPAD - E,), N, jnp.int32)])
    srcc = srcp.reshape(NCHROWS, CH)
    src2 = jnp.stack([srcc, srcc + NPAD])
    dstc = dstp.reshape(NCHROWS, CH)
    xp = jnp.pad(x, ((0, NPAD - N), (0, 0)))
    batchp = jnp.concatenate(
        [batch.astype(jnp.int32), jnp.full((NPAD - N,), G, jnp.int32)]
    ).reshape(NBLK, 1, RB)

    degp = _deg_kernel(dstp)
    hs1 = _mm1(xp, W1, degp)
    p = _agg128(hs1.reshape(2 * NPAD, 64), src2, dstc)
    hs2 = _mid(p, degp, W2, b1.reshape(1, 128))
    q = _agg64(hs2.reshape(2 * NPAD, 32), src2, dstc)
    return _pool(q, degp, b2.reshape(1, 64), batchp,
                 Wl, bl.reshape(1, 2))

# --- scband reference (transcript-rebuilt; emitter-appended) ---
"""Pipeline reference for scband-gcn-10737418240588 (READ-ONLY COPY).

The authoritative reference and input builder live on the scoring server;
editing this copy changes nothing except your own understanding.
"""

import jax, jax.numpy as jnp
import numpy as np

N_NODES = 10000
N_EDGES = 160000
NUM_GRAPHS = 64


def setup_inputs(seed: int = 0) -> dict:
    key = jax.random.key(seed)
    k = jax.random.split(key, 10)
    x = jax.random.normal(k[0], (N_NODES, 384), dtype=jnp.float32)
    edge_index = jax.random.randint(k[1], (2, N_EDGES), 0, N_NODES, dtype=jnp.int64)
    batch = jnp.sort(jax.random.randint(k[2], (N_NODES,), 0, NUM_GRAPHS, dtype=jnp.int64))
    W1 = jax.random.normal(k[3], (384, 128), dtype=jnp.float32) * (1.0 / np.sqrt(384))
    b1 = jnp.zeros((128,), dtype=jnp.float32)
    W2 = jax.random.normal(k[4], (128, 64), dtype=jnp.float32) * (1.0 / np.sqrt(128))
    b2 = jnp.zeros((64,), dtype=jnp.float32)
    Wl = jax.random.normal(k[5], (64, 2), dtype=jnp.float32) * (1.0 / np.sqrt(64))
    bl = jnp.zeros((2,), dtype=jnp.float32)
    return {"x": x, "edge_index": edge_index, "batch": batch,
            "W1": W1, "b1": b1, "W2": W2, "b2": b2, "Wl": Wl, "bl": bl}


def gcn_conv(x, edge_index, W, b, num_nodes):
    # PyG GCNConv: add self-loops, symmetric normalization, x' = A_norm (x W) + b
    src = edge_index[0]
    dst = edge_index[1]
    loop = jnp.arange(num_nodes, dtype=src.dtype)
    src = jnp.concatenate([src, loop])
    dst = jnp.concatenate([dst, loop])
    deg = jnp.zeros((num_nodes,), dtype=x.dtype).at[dst].add(1.0)
    dinv = jnp.where(deg > 0, deg ** -0.5, 0.0)
    norm = dinv[src] * dinv[dst]
    h = x @ W
    msg = h[src] * norm[:, None]
    out = jnp.zeros((num_nodes, W.shape[1]), dtype=h.dtype).at[dst].add(msg)
    return out + b


def global_mean_pool(x, batch, num_graphs):
    sums = jax.ops.segment_sum(x, batch, num_segments=num_graphs)
    counts = jax.ops.segment_sum(jnp.ones((x.shape[0],), dtype=x.dtype), batch, num_segments=num_graphs)
    return sums / jnp.maximum(counts, 1.0)[:, None]


def reference(x, edge_index, batch, W1, b1, W2, b2, Wl, bl):
    num_nodes = x.shape[0]
    h = gcn_conv(x, edge_index, W1, b1, num_nodes)
    h = jax.nn.relu(h)
    h = gcn_conv(h, edge_index, W2, b2, num_nodes)
    h = jax.nn.relu(h)
    g = global_mean_pool(h, batch, NUM_GRAPHS)
    # dropout is identity in eval / deterministic reference
    return g @ Wl + bl

if __name__ == "__main__":
    import jax
    _d = setup_inputs()
    print(jax.jit(kernel)(*tuple(_d.values())))

</pallas_src>

<mosaic_0001>
#map = affine_map<(d0, d1) -> (0, 0)>
#map1 = affine_map<(d0, d1) -> (0, 0, 0)>
module attributes {stable_mosaic.version = 14 : i64} {
  func.func @_agg_kernel(%arg0: i32, %arg1: i32, %arg2: memref<20480x64xf32, #tpu.memory_space<hbm>>, %arg3: memref<2x1280x128xi32, #tpu.memory_space<hbm>>, %arg4: memref<1280x128xi32, #tpu.memory_space<hbm>>, %arg5: memref<2x10240x64xf32, #tpu.memory_space<hbm>>, %arg6: memref<80x128xi32, #tpu.memory_space<vmem>>, %arg7: memref<80x128xi32, #tpu.memory_space<vmem>>, %arg8: memref<8x128x64xf32, #tpu.memory_space<vmem>>, %arg9: memref<10240x64xf32, #tpu.memory_space<vmem_shared>>, %arg10: memref<!tpu.dma_semaphore, #tpu.memory_space<semaphore_mem>>, %arg11: memref<!tpu.dma_semaphore, #tpu.memory_space<semaphore_mem>>, %arg12: memref<!tpu.dma_semaphore, #tpu.memory_space<semaphore_mem>>, %arg13: memref<!tpu.dma_semaphore, #tpu.memory_space<semaphore_mem>>, %arg14: memref<!tpu.dma_semaphore, #tpu.memory_space<semaphore_mem>>, %arg15: memref<!tpu.dma_semaphore, #tpu.memory_space<semaphore_mem>>, %arg16: memref<!tpu.dma_semaphore, #tpu.memory_space<semaphore_mem>>, %arg17: memref<!tpu.dma_semaphore, #tpu.memory_space<semaphore_mem>>) attributes {dimension_semantics = [#tpu.dimension_semantics<core_parallel>, #tpu.dimension_semantics<subcore_parallel>], iteration_bounds = array<i64: 2, 16>, scalar_prefetch = 0 : i64, scratch_operands = 12 : i64, tpu.core_type = #tpu.core_type<sc_vector_subcore>, window_params = [{transform_indices = #map}, {transform_indices = #map1}, {transform_indices = #map}, {transform_indices = #map1}]} {
    %mul3A = arith.constant 80 : i32
    %mul3A_0 = arith.muli %arg1, %mul3A : i32
    %multiple_of3A = tpu.assume_multiple %mul3A_0, 80 : i32
    "tpu.region"() ({
      %run_scoped3A = tpu.sem_alloc : memref<!tpu.dma_semaphore, #tpu.memory_space<semaphore_mem>>
      %dma_start3A_107 = arith.constant 0 : i32
      %dma_start3A_108 = tpu.memref_slice %arg3[%arg0, %multiple_of3A, %dma_start3A_107] : memref<2x1280x128xi32, #tpu.memory_space<hbm>> -> memref<1x80x128xi32, #tpu.memory_space<hbm>>
      %dma_start3A_109 = tpu.memref_squeeze %dma_start3A_108 : memref<1x80x128xi32, #tpu.memory_space<hbm>> -> memref<80x128xi32, #tpu.memory_space<hbm>>
      %dma_start3A_110 = arith.constant 0 : i32
      %dma_start3A_111 = tpu.memref_slice %arg3[%arg0, %multiple_of3A, %dma_start3A_110] : memref<2x1280x128xi32, #tpu.memory_space<hbm>> -> memref<1x80x128xi32, #tpu.memory_space<hbm>>
      %dma_start3A_112 = tpu.memref_squeeze %dma_start3A_111 : memref<1x80x128xi32, #tpu.memory_space<hbm>> -> memref<80x128xi32, #tpu.memory_space<hbm>>
      tpu.enqueue_dma source(%dma_start3A_112 : memref<80x128xi32, #tpu.memory_space<hbm>>) target(%arg6 : memref<80x128xi32, #tpu.memory_space<vmem>>) target_semaphore(%run_scoped3A : memref<!tpu.dma_semaphore, #tpu.memory_space<semaphore_mem>>)
      %dma_wait3A = arith.constant 0 : i32
      %dma_wait3A_113 = tpu.memref_slice %arg3[%arg0, %multiple_of3A, %dma_wait3A] : memref<2x1280x128xi32, #tpu.memory_space<hbm>> -> memref<1x80x128xi32, #tpu.memory_space<hbm>>
      %dma_wait3A_114 = tpu.memref_squeeze %dma_wait3A_113 : memref<1x80x128xi32, #tpu.memory_space<hbm>> -> memref<80x128xi32, #tpu.memory_space<hbm>>
      %dma_wait3A_115 = arith.constant 0 : i32
      %dma_wait3A_116 = tpu.memref_slice %arg3[%arg0, %multiple_of3A, %dma_wait3A_115] : memref<2x1280x128xi32, #tpu.memory_space<hbm>> -> memref<1x80x128xi32, #tpu.memory_space<hbm>>
      %dma_wait3A_117 = tpu.memref_squeeze %dma_wait3A_116 : memref<1x80x128xi32, #tpu.memory_space<hbm>> -> memref<80x128xi32, #tpu.memory_space<hbm>>
      tpu.wait_dma2 semaphore(%run_scoped3A : memref<!tpu.dma_semaphore, #tpu.memory_space<semaphore_mem>>) src(%dma_wait3A_117 : memref<80x128xi32, #tpu.memory_space<hbm>>) dst(%arg6 : memref<80x128xi32, #tpu.memory_space<vmem>>)
      tpu.yield
    }) : () -> ()
    "tpu.region"() ({
      %run_scoped3A = tpu.sem_alloc : memref<!tpu.dma_semaphore, #tpu.memory_space<semaphore_mem>>
      %dma_start3A_107 = arith.constant 0 : i32
      %dma_start3A_108 = tpu.memref_slice %arg4[%multiple_of3A, %dma_start3A_107] : memref<1280x128xi32, #tpu.memory_space<hbm>> -> memref<80x128xi32, #tpu.memory_space<hbm>>
      %dma_start3A_109 = arith.constant 0 : i32
      %dma_start3A_110 = tpu.memref_slice %arg4[%multiple_of3A, %dma_start3A_109] : memref<1280x128xi32, #tpu.memory_space<hbm>> -> memref<80x128xi32, #tpu.memory_space<hbm>>
      tpu.enqueue_dma source(%dma_start3A_110 : memref<80x128xi32, #tpu.memory_space<hbm>>) target(%arg7 : memref<80x128xi32, #tpu.memory_space<vmem>>) target_semaphore(%run_scoped3A : memref<!tpu.dma_semaphore, #tpu.memory_space<semaphore_mem>>)
      %dma_wait3A = arith.constant 0 : i32
      %dma_wait3A_111 = tpu.memref_slice %arg4[%multiple_of3A, %dma_wait3A] : memref<1280x128xi32, #tpu.memory_space<hbm>> -> memref<80x128xi32, #tpu.memory_space<hbm>>
      %dma_wait3A_112 = arith.constant 0 : i32
      %dma_wait3A_113 = tpu.memref_slice %arg4[%multiple_of3A, %dma_wait3A_112] : memref<1280x128xi32, #tpu.memory_space<hbm>> -> memref<80x128xi32, #tpu.memory_space<hbm>>
      tpu.wait_dma2 semaphore(%run_scoped3A : memref<!tpu.dma_semaphore, #tpu.memory_space<semaphore_mem>>) src(%dma_wait3A_113 : memref<80x128xi32, #tpu.memory_space<hbm>>) dst(%arg7 : memref<80x128xi32, #tpu.memory_space<vmem>>)
      tpu.yield
    }) : () -> ()
    %dma_start3A = arith.constant 0 : i32
    %dma_start3A_1 = arith.constant 0 : i32
    %dma_start3A_2 = arith.constant 0 : i32
    %dma_start3A_3 = arith.constant 0 : i32
    %dma_start3A_4 = tpu.memref_slice %arg8[%dma_start3A_1, %dma_start3A_2, %dma_start3A_3] : memref<8x128x64xf32, #tpu.memory_space<vmem>> -> memref<1x128x64xf32, #tpu.memory_space<vmem>>
    %dma_start3A_5 = tpu.memref_squeeze %dma_start3A_4 : memref<1x128x64xf32, #tpu.memory_space<vmem>> -> memref<128x64xf32, #tpu.memory_space<vmem>>
    %dma_start3A_6 = arith.constant 0 : i32
    %dma_start3A_7 = tpu.memref_slice %arg6[%dma_start3A, %dma_start3A_6] : memref<80x128xi32, #tpu.memory_space<vmem>> -> memref<1x128xi32, #tpu.memory_space<vmem>>
    %dma_start3A_8 = tpu.memref_squeeze %dma_start3A_7 : memref<1x128xi32, #tpu.memory_space<vmem>> -> memref<128xi32, #tpu.memory_space<vmem>>
    %dma_start3A_9 = arith.constant 0 : i32
    %dma_start3A_10 = arith.constant 0 : i32
    %dma_start3A_11 = tpu.memref_slice %arg2[%dma_start3A_9, %dma_start3A_10] : memref<20480x64xf32, #tpu.memory_space<hbm>> -> memref<20480x64xf32, #tpu.memory_space<hbm>>
    tpu.enqueue_indirect_dma source(%dma_start3A_11 : memref<20480x64xf32, #tpu.memory_space<hbm>>) target(%dma_start3A_5 : memref<128x64xf32, #tpu.memory_space<vmem>>) offsets(%dma_start3A_8 : memref<128xi32, #tpu.memory_space<vmem>>) semaphore(%arg10 : memref<!tpu.dma_semaphore, #tpu.memory_space<semaphore_mem>>)
    %dma_start3A_12 = arith.constant 1 : i32
    %dma_start3A_13 = arith.constant 1 : i32
    %dma_start3A_14 = arith.constant 0 : i32
    %dma_start3A_15 = arith.constant 0 : i32
    %dma_start3A_16 = tpu.memref_slice %arg8[%dma_start3A_13, %dma_start3A_14, %dma_start3A_15] : memref<8x128x64xf32, #tpu.memory_space<vmem>> -> memref<1x128x64xf32, #tpu.memory_space<vmem>>
    %dma_start3A_17 = tpu.memref_squeeze %dma_start3A_16 : memref<1x128x64xf32, #tpu.memory_space<vmem>> -> memref<128x64xf32, #tpu.memory_space<vmem>>
    %dma_start3A_18 = arith.constant 0 : i32
    %dma_start3A_19 = tpu.memref_slice %arg6[%dma_start3A_12, %dma_start3A_18] : memref<80x128xi32, #tpu.memory_space<vmem>> -> memref<1x128xi32, #tpu.memory_space<vmem>>
    %dma_start3A_20 = tpu.memref_squeeze %dma_start3A_19 : memref<1x128xi32, #tpu.memory_space<vmem>> -> memref<128xi32, #tpu.memory_space<vmem>>
    %dma_start3A_21 = arith.constant 0 : i32
    %dma_start3A_22 = arith.constant 0 : i32
    %dma_start3A_23 = tpu.memref_slice %arg2[%dma_start3A_21, %dma_start3A_22] : memref<20480x64xf32, #tpu.memory_space<hbm>> -> memref<20480x64xf32, #tpu.memory_space<hbm>>
    tpu.enqueue_indirect_dma source(%dma_start3A_23 : memref<20480x64xf32, #tpu.memory_space<hbm>>) target(%dma_start3A_17 : memref<128x64xf32, #tpu.memory_space<vmem>>) offsets(%dma_start3A_20 : memref<128xi32, #tpu.memory_space<vmem>>) semaphore(%arg11 : memref<!tpu.dma_semaphore, #tpu.memory_space<semaphore_mem>>)
    %dma_start3A_24 = arith.constant 2 : i32
    %dma_start3A_25 = arith.constant 2 : i32
    %dma_start3A_26 = arith.constant 0 : i32
    %dma_start3A_27 = arith.constant 0 : i32
    %dma_start3A_28 = tpu.memref_slice %arg8[%dma_start3A_25, %dma_start3A_26, %dma_start3A_27] : memref<8x128x64xf32, #tpu.memory_space<vmem>> -> memref<1x128x64xf32, #tpu.memory_space<vmem>>
    %dma_start3A_29 = tpu.memref_squeeze %dma_start3A_28 : memref<1x128x64xf32, #tpu.memory_space<vmem>> -> memref<128x64xf32, #tpu.memory_space<vmem>>
    %dma_start3A_30 = arith.constant 0 : i32
    %dma_start3A_31 = tpu.memref_slice %arg6[%dma_start3A_24, %dma_start3A_30] : memref<80x128xi32, #tpu.memory_space<vmem>> -> memref<1x128xi32, #tpu.memory_space<vmem>>
    %dma_start3A_32 = tpu.memref_squeeze %dma_start3A_31 : memref<1x128xi32, #tpu.memory_space<vmem>> -> memref<128xi32, #tpu.memory_space<vmem>>
    %dma_start3A_33 = arith.constant 0 : i32
    %dma_start3A_34 = arith.constant 0 : i32
    %dma_start3A_35 = tpu.memref_slice %arg2[%dma_start3A_33, %dma_start3A_34] : memref<20480x64xf32, #tpu.memory_space<hbm>> -> memref<20480x64xf32, #tpu.memory_space<hbm>>
    tpu.enqueue_indirect_dma source(%dma_start3A_35 : memref<20480x64xf32, #tpu.memory_space<hbm>>) target(%dma_start3A_29 : memref<128x64xf32, #tpu.memory_space<vmem>>) offsets(%dma_start3A_32 : memref<128xi32, #tpu.memory_space<vmem>>) semaphore(%arg12 : memref<!tpu.dma_semaphore, #tpu.memory_space<semaphore_mem>>)
    %dma_start3A_36 = arith.constant 3 : i32
    %dma_start3A_37 = arith.constant 3 : i32
    %dma_start3A_38 = arith.constant 0 : i32
    %dma_start3A_39 = arith.constant 0 : i32
    %dma_start3A_40 = tpu.memref_slice %arg8[%dma_start3A_37, %dma_start3A_38, %dma_start3A_39] : memref<8x128x64xf32, #tpu.memory_space<vmem>> -> memref<1x128x64xf32, #tpu.memory_space<vmem>>
    %dma_start3A_41 = tpu.memref_squeeze %dma_start3A_40 : memref<1x128x64xf32, #tpu.memory_space<vmem>> -> memref<128x64xf32, #tpu.memory_space<vmem>>
    %dma_start3A_42 = arith.constant 0 : i32
    %dma_start3A_43 = tpu.memref_slice %arg6[%dma_start3A_36, %dma_start3A_42] : memref<80x128xi32, #tpu.memory_space<vmem>> -> memref<1x128xi32, #tpu.memory_space<vmem>>
    %dma_start3A_44 = tpu.memref_squeeze %dma_start3A_43 : memref<1x128xi32, #tpu.memory_space<vmem>> -> memref<128xi32, #tpu.memory_space<vmem>>
    %dma_start3A_45 = arith.constant 0 : i32
    %dma_start3A_46 = arith.constant 0 : i32
    %dma_start3A_47 = tpu.memref_slice %arg2[%dma_start3A_45, %dma_start3A_46] : memref<20480x64xf32, #tpu.memory_space<hbm>> -> memref<20480x64xf32, #tpu.memory_space<hbm>>
    tpu.enqueue_indirect_dma source(%dma_start3A_47 : memref<20480x64xf32, #tpu.memory_space<hbm>>) target(%dma_start3A_41 : memref<128x64xf32, #tpu.memory_space<vmem>>) offsets(%dma_start3A_44 : memref<128xi32, #tpu.memory_space<vmem>>) semaphore(%arg13 : memref<!tpu.dma_semaphore, #tpu.memory_space<semaphore_mem>>)
    %dma_start3A_48 = arith.constant 4 : i32
    %dma_start3A_49 = arith.constant 4 : i32
    %dma_start3A_50 = arith.constant 0 : i32
    %dma_start3A_51 = arith.constant 0 : i32
    %dma_start3A_52 = tpu.memref_slice %arg8[%dma_start3A_49, %dma_start3A_50, %dma_start3A_51] : memref<8x128x64xf32, #tpu.memory_space<vmem>> -> memref<1x128x64xf32, #tpu.memory_space<vmem>>
    %dma_start3A_53 = tpu.memref_squeeze %dma_start3A_52 : memref<1x128x64xf32, #tpu.memory_space<vmem>> -> memref<128x64xf32, #tpu.memory_space<vmem>>
    %dma_start3A_54 = arith.constant 0 : i32
    %dma_start3A_55 = tpu.memref_slice %arg6[%dma_start3A_48, %dma_start3A_54] : memref<80x128xi32, #tpu.memory_space<vmem>> -> memref<1x128xi32, #tpu.memory_space<vmem>>
    %dma_start3A_56 = tpu.memref_squeeze %dma_start3A_55 : memref<1x128xi32, #tpu.memory_space<vmem>> -> memref<128xi32, #tpu.memory_space<vmem>>
    %dma_start3A_57 = arith.constant 0 : i32
    %dma_start3A_58 = arith.constant 0 : i32
    %dma_start3A_59 = tpu.memref_slice %arg2[%dma_start3A_57, %dma_start3A_58] : memref<20480x64xf32, #tpu.memory_space<hbm>> -> memref<20480x64xf32, #tpu.memory_space<hbm>>
    tpu.enqueue_indirect_dma source(%dma_start3A_59 : memref<20480x64xf32, #tpu.memory_space<hbm>>) target(%dma_start3A_53 : memref<128x64xf32, #tpu.memory_space<vmem>>) offsets(%dma_start3A_56 : memref<128xi32, #tpu.memory_space<vmem>>) semaphore(%arg14 : memref<!tpu.dma_semaphore, #tpu.memory_space<semaphore_mem>>)
    %dma_start3A_60 = arith.constant 5 : i32
    %dma_start3A_61 = arith.constant 5 : i32
    %dma_start3A_62 = arith.constant 0 : i32
    %dma_start3A_63 = arith.constant 0 : i32
    %dma_start3A_64 = tpu.memref_slice %arg8[%dma_start3A_61, %dma_start3A_62, %dma_start3A_63] : memref<8x128x64xf32, #tpu.memory_space<vmem>> -> memref<1x128x64xf32, #tpu.memory_space<vmem>>
    %dma_start3A_65 = tpu.memref_squeeze %dma_start3A_64 : memref<1x128x64xf32, #tpu.memory_space<vmem>> -> memref<128x64xf32, #tpu.memory_space<vmem>>
    %dma_start3A_66 = arith.constant 0 : i32
    %dma_start3A_67 = tpu.memref_slice %arg6[%dma_start3A_60, %dma_start3A_66] : memref<80x128xi32, #tpu.memory_space<vmem>> -> memref<1x128xi32, #tpu.memory_space<vmem>>
    %dma_start3A_68 = tpu.memref_squeeze %dma_start3A_67 : memref<1x128xi32, #tpu.memory_space<vmem>> -> memref<128xi32, #tpu.memory_space<vmem>>
    %dma_start3A_69 = arith.constant 0 : i32
    %dma_start3A_70 = arith.constant 0 : i32
    %dma_start3A_71 = tpu.memref_slice %arg2[%dma_start3A_69, %dma_start3A_70] : memref<20480x64xf32, #tpu.memory_space<hbm>> -> memref<20480x64xf32, #tpu.memory_space<hbm>>
    tpu.enqueue_indirect_dma source(%dma_start3A_71 : memref<20480x64xf32, #tpu.memory_space<hbm>>) target(%dma_start3A_65 : memref<128x64xf32, #tpu.memory_space<vmem>>) offsets(%dma_start3A_68 : memref<128xi32, #tpu.memory_space<vmem>>) semaphore(%arg15 : memref<!tpu.dma_semaphore, #tpu.memory_space<semaphore_mem>>)
    %dma_start3A_72 = arith.constant 6 : i32
    %dma_start3A_73 = arith.constant 6 : i32
    %dma_start3A_74 = arith.constant 0 : i32
    %dma_start3A_75 = arith.constant 0 : i32
    %dma_start3A_76 = tpu.memref_slice %arg8[%dma_start3A_73, %dma_start3A_74, %dma_start3A_75] : memref<8x128x64xf32, #tpu.memory_space<vmem>> -> memref<1x128x64xf32, #tpu.memory_space<vmem>>
    %dma_start3A_77 = tpu.memref_squeeze %dma_start3A_76 : memref<1x128x64xf32, #tpu.memory_space<vmem>> -> memref<128x64xf32, #tpu.memory_space<vmem>>
    %dma_start3A_78 = arith.constant 0 : i32
    %dma_start3A_79 = tpu.memref_slice %arg6[%dma_start3A_72, %dma_start3A_78] : memref<80x128xi32, #tpu.memory_space<vmem>> -> memref<1x128xi32, #tpu.memory_space<vmem>>
    %dma_start3A_80 = tpu.memref_squeeze %dma_start3A_79 : memref<1x128xi32, #tpu.memory_space<vmem>> -> memref<128xi32, #tpu.memory_space<vmem>>
    %dma_start3A_81 = arith.constant 0 : i32
    %dma_start3A_82 = arith.constant 0 : i32
    %dma_start3A_83 = tpu.memref_slice %arg2[%dma_start3A_81, %dma_start3A_82] : memref<20480x64xf32, #tpu.memory_space<hbm>> -> memref<20480x64xf32, #tpu.memory_space<hbm>>
    tpu.enqueue_indirect_dma source(%dma_start3A_83 : memref<20480x64xf32, #tpu.memory_space<hbm>>) target(%dma_start3A_77 : memref<128x64xf32, #tpu.memory_space<vmem>>) offsets(%dma_start3A_80 : memref<128xi32, #tpu.memory_space<vmem>>) semaphore(%arg16 : memref<!tpu.dma_semaphore, #tpu.memory_space<semaphore_mem>>)
    %dma_start3A_84 = arith.constant 7 : i32
    %dma_start3A_85 = arith.constant 7 : i32
    %dma_start3A_86 = arith.constant 0 : i32
    %dma_start3A_87 = arith.constant 0 : i32
    %dma_start3A_88 = tpu.memref_slice %arg8[%dma_start3A_85, %dma_start3A_86, %dma_start3A_87] : memref<8x128x64xf32, #tpu.memory_space<vmem>> -> memref<1x128x64xf32, #tpu.memory_space<vmem>>
    %dma_start3A_89 = tpu.memref_squeeze %dma_start3A_88 : memref<1x128x64xf32, #tpu.memory_space<vmem>> -> memref<128x64xf32, #tpu.memory_space<vmem>>
    %dma_start3A_90 = arith.constant 0 : i32
    %dma_start3A_91 = tpu.memref_slice %arg6[%dma_start3A_84, %dma_start3A_90] : memref<80x128xi32, #tpu.memory_space<vmem>> -> memref<1x128xi32, #tpu.memory_space<vmem>>
    %dma_start3A_92 = tpu.memref_squeeze %dma_start3A_91 : memref<1x128xi32, #tpu.memory_space<vmem>> -> memref<128xi32, #tpu.memory_space<vmem>>
    %dma_start3A_93 = arith.constant 0 : i32
    %dma_start3A_94 = arith.constant 0 : i32
    %dma_start3A_95 = tpu.memref_slice %arg2[%dma_start3A_93, %dma_start3A_94] : memref<20480x64xf32, #tpu.memory_space<hbm>> -> memref<20480x64xf32, #tpu.memory_space<hbm>>
    tpu.enqueue_indirect_dma source(%dma_start3A_95 : memref<20480x64xf32, #tpu.memory_space<hbm>>) target(%dma_start3A_89 : memref<128x64xf32, #tpu.memory_space<vmem>>) offsets(%dma_start3A_92 : memref<128xi32, #tpu.memory_space<vmem>>) semaphore(%arg17 : memref<!tpu.dma_semaphore, #tpu.memory_space<semaphore_mem>>)
    %mul3A_96 = arith.constant 640 : i32
    %mul3A_97 = arith.muli %arg1, %mul3A_96 : i32
    %multiple_of3A_98 = tpu.assume_multiple %mul3A_97, 640 : i32
    %mul3A_99 = arith.constant 10240 : i32
    %mul3A_100 = arith.muli %arg0, %mul3A_99 : i32
    %add3A = arith.addi %mul3A_100, %multiple_of3A_98 : i32
    "tpu.region"() ({
      %run_scoped3A = tpu.sem_alloc : memref<!tpu.dma_semaphore, #tpu.memory_space<semaphore_mem>>
      %dma_start3A_107 = arith.constant 0 : i32
      %dma_start3A_108 = tpu.memref_slice %arg9[%multiple_of3A_98, %dma_start3A_107] : memref<10240x64xf32, #tpu.memory_space<vmem_shared>> -> memref<640x64xf32, #tpu.memory_space<vmem_shared>>
      %dma_start3A_109 = arith.constant 0 : i32
      %dma_start3A_110 = tpu.memref_slice %arg2[%add3A, %dma_start3A_109] : memref<20480x64xf32, #tpu.memory_space<hbm>> -> memref<640x64xf32, #tpu.memory_space<hbm>>
      tpu.enqueue_dma source(%dma_start3A_110 : memref<640x64xf32, #tpu.memory_space<hbm>>) target(%dma_start3A_108 : memref<640x64xf32, #tpu.memory_space<vmem_shared>>) target_semaphore(%run_scoped3A : memref<!tpu.dma_semaphore, #tpu.memory_space<semaphore_mem>>)
      %dma_wait3A = arith.constant 0 : i32
      %dma_wait3A_111 = tpu.memref_slice %arg9[%multiple_of3A_98, %dma_wait3A] : memref<10240x64xf32, #tpu.memory_space<vmem_shared>> -> memref<640x64xf32, #tpu.memory_space<vmem_shared>>
      %dma_wait3A_112 = arith.constant 0 : i32
      %dma_wait3A_113 = tpu.memref_slice %arg2[%add3A, %dma_wait3A_112] : memref<20480x64xf32, #tpu.memory_space<hbm>> -> memref<640x64xf32, #tpu.memory_space<hbm>>
      tpu.wait_dma2 semaphore(%run_scoped3A : memref<!tpu.dma_semaphore, #tpu.memory_space<semaphore_mem>>) src(%dma_wait3A_113 : memref<640x64xf32, #tpu.memory_space<hbm>>) dst(%dma_wait3A_111 : memref<640x64xf32, #tpu.memory_space<vmem_shared>>)
      tpu.yield
    }) : () -> ()
    %barrier3A = arith.constant 0 : index
    tpu.barrier barrier_id(%barrier3A)
    %scan3A = arith.constant 0 : i32
    %scan3A_101 = arith.constant 0 : i32
    %scan3A_102 = arith.constant 10 : i32
    %scan3A_103 = arith.addi %scan3A_101, %scan3A_102 : i32
    %scan3A_104 = arith.constant 1 : i32
    scf.for %scan3A_107 = %scan3A_101 to %scan3A_103 step %scan3A_104  : i32 {
      %mul3A_108 = arith.constant 8 : i32
      %mul3A_109 = arith.muli %scan3A_107, %mul3A_108 : i32
      %add3A_110 = arith.constant 0 : i32
      %add3A_111 = arith.addi %mul3A_109, %add3A_110 : i32
      %dma_wait3A = arith.constant 0 : i32
      %dma_wait3A_112 = arith.constant 0 : i32
      %dma_wait3A_113 = arith.constant 0 : i32
      %dma_wait3A_114 = tpu.memref_slice %arg8[%dma_wait3A, %dma_wait3A_112, %dma_wait3A_113] : memref<8x128x64xf32, #tpu.memory_space<vmem>> -> memref<1x128x64xf32, #tpu.memory_space<vmem>>
      %dma_wait3A_115 = tpu.memref_squeeze %dma_wait3A_114 : memref<1x128x64xf32, #tpu.memory_space<vmem>> -> memref<128x64xf32, #tpu.memory_space<vmem>>
      %dma_wait3A_116 = arith.constant 0 : i32
      %dma_wait3A_117 = tpu.memref_slice %arg6[%add3A_111, %dma_wait3A_116] : memref<80x128xi32, #tpu.memory_space<vmem>> -> memref<1x128xi32, #tpu.memory_space<vmem>>
      %dma_wait3A_118 = tpu.memref_squeeze %dma_wait3A_117 : memref<1x128xi32, #tpu.memory_space<vmem>> -> memref<128xi32, #tpu.memory_space<vmem>>
      %dma_wait3A_119 = arith.constant 0 : i32
      %dma_wait3A_120 = arith.constant 0 : i32
      %dma_wait3A_121 = tpu.memref_slice %arg2[%dma_wait3A_119, %dma_wait3A_120] : memref<20480x64xf32, #tpu.memory_space<hbm>> -> memref<20480x64xf32, #tpu.memory_space<hbm>>
      tpu.wait_indirect_dma semaphore(%arg10 : memref<!tpu.dma_semaphore, #tpu.memory_space<semaphore_mem>>) src(%dma_wait3A_121 : memref<20480x64xf32, #tpu.memory_space<hbm>>) dst(%dma_wait3A_115 : memref<128x64xf32, #tpu.memory_space<vmem>>)
      %run_scoped3A = arith.constant 0 : i32
      "tpu.region"() ({
        %run_scoped3A_287 = tpu.sem_alloc : memref<!tpu.dma_semaphore, #tpu.memory_space<semaphore_mem>>
        %dma_start3A_288 = arith.constant 0 : i32
        %dma_start3A_289 = arith.constant 0 : i32
        %dma_start3A_290 = tpu.memref_slice %arg8[%run_scoped3A, %dma_start3A_288, %dma_start3A_289] : memref<8x128x64xf32, #tpu.memory_space<vmem>> -> memref<1x128x64xf32, #tpu.memory_space<vmem>>
        %dma_start3A_291 = tpu.memref_squeeze %dma_start3A_290 : memref<1x128x64xf32, #tpu.memory_space<vmem>> -> memref<128x64xf32, #tpu.memory_space<vmem>>
        %dma_start3A_292 = arith.constant 0 : i32
        %dma_start3A_293 = tpu.memref_slice %arg7[%add3A_111, %dma_start3A_292] : memref<80x128xi32, #tpu.memory_space<vmem>> -> memref<1x128xi32, #tpu.memory_space<vmem>>
        %dma_start3A_294 = tpu.memref_squeeze %dma_start3A_293 : memref<1x128xi32, #tpu.memory_space<vmem>> -> memref<128xi32, #tpu.memory_space<vmem>>
        %dma_start3A_295 = arith.constant 0 : i32
        %dma_start3A_296 = arith.constant 0 : i32
        %dma_start3A_297 = tpu.memref_slice %arg9[%dma_start3A_295, %dma_start3A_296] : memref<10240x64xf32, #tpu.memory_space<vmem_shared>> -> memref<10240x64xf32, #tpu.memory_space<vmem_shared>>
        tpu.enqueue_indirect_dma source(%dma_start3A_291 : memref<128x64xf32, #tpu.memory_space<vmem>>) target(%dma_start3A_297 : memref<10240x64xf32, #tpu.memory_space<vmem_shared>>) offsets(%dma_start3A_294 : memref<128xi32, #tpu.memory_space<vmem>>) semaphore(%run_scoped3A_287 : memref<!tpu.dma_semaphore, #tpu.memory_space<semaphore_mem>>) {add = true}
        %dma_wait3A_298 = arith.constant 0 : i32
        %dma_wait3A_299 = arith.constant 0 : i32
        %dma_wait3A_300 = tpu.memref_slice %arg8[%run_scoped3A, %dma_wait3A_298, %dma_wait3A_299] : memref<8x128x64xf32, #tpu.memory_space<vmem>> -> memref<1x128x64xf32, #tpu.memory_space<vmem>>
        %dma_wait3A_301 = tpu.memref_squeeze %dma_wait3A_300 : memref<1x128x64xf32, #tpu.memory_space<vmem>> -> memref<128x64xf32, #tpu.memory_space<vmem>>
        %dma_wait3A_302 = arith.constant 0 : i32
        %dma_wait3A_303 = tpu.memref_slice %arg7[%add3A_111, %dma_wait3A_302] : memref<80x128xi32, #tpu.memory_space<vmem>> -> memref<1x128xi32, #tpu.memory_space<vmem>>
        %dma_wait3A_304 = tpu.memref_squeeze %dma_wait3A_303 : memref<1x128xi32, #tpu.memory_space<vmem>> -> memref<128xi32, #tpu.memory_space<vmem>>
        %dma_wait3A_305 = arith.constant 0 : i32
        %dma_wait3A_306 = arith.constant 0 : i32
        %dma_wait3A_307 = tpu.memref_slice %arg9[%dma_wait3A_305, %dma_wait3A_306] : memref<10240x64xf32, #tpu.memory_space<vmem_shared>> -> memref<10240x64xf32, #tpu.memory_space<vmem_shared>>
        tpu.wait_indirect_dma semaphore(%run_scoped3A_287 : memref<!tpu.dma_semaphore, #tpu.memory_space<semaphore_mem>>) src(%dma_wait3A_301 : memref<128x64xf32, #tpu.memory_space<vmem>>) dst(%dma_wait3A_307 : memref<10240x64xf32, #tpu.memory_space<vmem_shared>>)
        tpu.yield
      }) : () -> ()
      %add3A_122 = arith.constant 8 : i32
      %add3A_123 = arith.addi %add3A_111, %add3A_122 : i32
      %lt3A = arith.constant 80 : i32
      %lt3A_124 = arith.cmpi slt, %add3A_123, %lt3A : i32
      %convert_element_type3A = arith.extui %lt3A_124 : i1 to i32
      %cond3A = arith.constant 0 : i32
      %cond3A_125 = arith.cmpi ne, %convert_element_type3A, %cond3A : i32
      scf.if %cond3A_125 {
        %add3A_287 = arith.constant 8 : i32
        %add3A_288 = arith.addi %add3A_111, %add3A_287 : i32
        %dma_start3A_289 = arith.constant 0 : i32
        %dma_start3A_290 = arith.constant 0 : i32
        %dma_start3A_291 = arith.constant 0 : i32
        %dma_start3A_292 = tpu.memref_slice %arg8[%dma_start3A_289, %dma_start3A_290, %dma_start3A_291] : memref<8x128x64xf32, #tpu.memory_space<vmem>> -> memref<1x128x64xf32, #tpu.memory_space<vmem>>
        %dma_start3A_293 = tpu.memref_squeeze %dma_start3A_292 : memref<1x128x64xf32, #tpu.memory_space<vmem>> -> memref<128x64xf32, #tpu.memory_space<vmem>>
        %dma_start3A_294 = arith.constant 0 : i32
        %dma_start3A_295 = tpu.memref_slice %arg6[%add3A_288, %dma_start3A_294] : memref<80x128xi32, #tpu.memory_space<vmem>> -> memref<1x128xi32, #tpu.memory_space<vmem>>
        %dma_start3A_296 = tpu.memref_squeeze %dma_start3A_295 : memref<1x128xi32, #tpu.memory_space<vmem>> -> memref<128xi32, #tpu.memory_space<vmem>>
        %dma_start3A_297 = arith.constant 0 : i32
        %dma_start3A_298 = arith.constant 0 : i32
        %dma_start3A_299 = tpu.memref_slice %arg2[%dma_start3A_297, %dma_start3A_298] : memref<20480x64xf32, #tpu.memory_space<hbm>> -> memref<20480x64xf32, #tpu.memory_space<hbm>>
        tpu.enqueue_indirect_dma source(%dma_start3A_299 : memref<20480x64xf32, #tpu.memory_space<hbm>>) target(%dma_start3A_293 : memref<128x64xf32, #tpu.memory_space<vmem>>) offsets(%dma_start3A_296 : memref<128xi32, #tpu.memory_space<vmem>>) semaphore(%arg10 : memref<!tpu.dma_semaphore, #tpu.memory_space<semaphore_mem>>)
      } else {
      }
      %mul3A_126 = arith.constant 8 : i32
      %mul3A_127 = arith.muli %scan3A_107, %mul3A_126 : i32
      %add3A_128 = arith.constant 1 : i32
      %add3A_129 = arith.addi %mul3A_127, %add3A_128 : i32
      %dma_wait3A_130 = arith.constant 1 : i32
      %dma_wait3A_131 = arith.constant 0 : i32
      %dma_wait3A_132 = arith.constant 0 : i32
      %dma_wait3A_133 = tpu.memref_slice %arg8[%dma_wait3A_130, %dma_wait3A_131, %dma_wait3A_132] : memref<8x128x64xf32, #tpu.memory_space<vmem>> -> memref<1x128x64xf32, #tpu.memory_space<vmem>>
      %dma_wait3A_134 = tpu.memref_squeeze %dma_wait3A_133 : memref<1x128x64xf32, #tpu.memory_space<vmem>> -> memref<128x64xf32, #tpu.memory_space<vmem>>
      %dma_wait3A_135 = arith.constant 0 : i32
      %dma_wait3A_136 = tpu.memref_slice %arg6[%add3A_129, %dma_wait3A_135] : memref<80x128xi32, #tpu.memory_space<vmem>> -> memref<1x128xi32, #tpu.memory_space<vmem>>
      %dma_wait3A_137 = tpu.memref_squeeze %dma_wait3A_136 : memref<1x128xi32, #tpu.memory_space<vmem>> -> memref<128xi32, #tpu.memory_space<vmem>>
      %dma_wait3A_138 = arith.constant 0 : i32
      %dma_wait3A_139 = arith.constant 0 : i32
      %dma_wait3A_140 = tpu.memref_slice %arg2[%dma_wait3A_138, %dma_wait3A_139] : memref<20480x64xf32, #tpu.memory_space<hbm>> -> memref<20480x64xf32, #tpu.memory_space<hbm>>
      tpu.wait_indirect_dma semaphore(%arg11 : memref<!tpu.dma_semaphore, #tpu.memory_space<semaphore_mem>>) src(%dma_wait3A_140 : memref<20480x64xf32, #tpu.memory_space<hbm>>) dst(%dma_wait3A_134 : memref<128x64xf32, #tpu.memory_space<vmem>>)
      %run_scoped3A_141 = arith.constant 1 : i32
      "tpu.region"() ({
        %run_scoped3A_287 = tpu.sem_alloc : memref<!tpu.dma_semaphore, #tpu.memory_space<semaphore_mem>>
        %dma_start3A_288 = arith.constant 0 : i32
        %dma_start3A_289 = arith.constant 0 : i32
        %dma_start3A_290 = tpu.memref_slice %arg8[%run_scoped3A_141, %dma_start3A_288, %dma_start3A_289] : memref<8x128x64xf32, #tpu.memory_space<vmem>> -> memref<1x128x64xf32, #tpu.memory_space<vmem>>
        %dma_start3A_291 = tpu.memref_squeeze %dma_start3A_290 : memref<1x128x64xf32, #tpu.memory_space<vmem>> -> memref<128x64xf32, #tpu.memory_space<vmem>>
        %dma_start3A_292 = arith.constant 0 : i32
        %dma_start3A_293 = tpu.memref_slice %arg7[%add3A_129, %dma_start3A_292] : memref<80x128xi32, #tpu.memory_space<vmem>> -> memref<1x128xi32, #tpu.memory_space<vmem>>
        %dma_start3A_294 = tpu.memref_squeeze %dma_start3A_293 : memref<1x128xi32, #tpu.memory_space<vmem>> -> memref<128xi32, #tpu.memory_space<vmem>>
        %dma_start3A_295 = arith.constant 0 : i32
        %dma_start3A_296 = arith.constant 0 : i32
        %dma_start3A_297 = tpu.memref_slice %arg9[%dma_start3A_295, %dma_start3A_296] : memref<10240x64xf32, #tpu.memory_space<vmem_shared>> -> memref<10240x64xf32, #tpu.memory_space<vmem_shared>>
        tpu.enqueue_indirect_dma source(%dma_start3A_291 : memref<128x64xf32, #tpu.memory_space<vmem>>) target(%dma_start3A_297 : memref<10240x64xf32, #tpu.memory_space<vmem_shared>>) offsets(%dma_start3A_294 : memref<128xi32, #tpu.memory_space<vmem>>) semaphore(%run_scoped3A_287 : memref<!tpu.dma_semaphore, #tpu.memory_space<semaphore_mem>>) {add = true}
        %dma_wait3A_298 = arith.constant 0 : i32
        %dma_wait3A_299 = arith.constant 0 : i32
        %dma_wait3A_300 = tpu.memref_slice %arg8[%run_scoped3A_141, %dma_wait3A_298, %dma_wait3A_299] : memref<8x128x64xf32, #tpu.memory_space<vmem>> -> memref<1x128x64xf32, #tpu.memory_space<vmem>>
        %dma_wait3A_301 = tpu.memref_squeeze %dma_wait3A_300 : memref<1x128x64xf32, #tpu.memory_space<vmem>> -> memref<128x64xf32, #tpu.memory_space<vmem>>
        %dma_wait3A_302 = arith.constant 0 : i32
        %dma_wait3A_303 = tpu.memref_slice %arg7[%add3A_129, %dma_wait3A_302] : memref<80x128xi32, #tpu.memory_space<vmem>> -> memref<1x128xi32, #tpu.memory_space<vmem>>
        %dma_wait3A_304 = tpu.memref_squeeze %dma_wait3A_303 : memref<1x128xi32, #tpu.memory_space<vmem>> -> memref<128xi32, #tpu.memory_space<vmem>>
        %dma_wait3A_305 = arith.constant 0 : i32
        %dma_wait3A_306 = arith.constant 0 : i32
        %dma_wait3A_307 = tpu.memref_slice %arg9[%dma_wait3A_305, %dma_wait3A_306] : memref<10240x64xf32, #tpu.memory_space<vmem_shared>> -> memref<10240x64xf32, #tpu.memory_space<vmem_shared>>
        tpu.wait_indirect_dma semaphore(%run_scoped3A_287 : memref<!tpu.dma_semaphore, #tpu.memory_space<semaphore_mem>>) src(%dma_wait3A_301 : memref<128x64xf32, #tpu.memory_space<vmem>>) dst(%dma_wait3A_307 : memref<10240x64xf32, #tpu.memory_space<vmem_shared>>)
        tpu.yield
      }) : () -> ()
      %add3A_142 = arith.constant 8 : i32
      %add3A_143 = arith.addi %add3A_129, %add3A_142 : i32
      %lt3A_144 = arith.constant 80 : i32
      %lt3A_145 = arith.cmpi slt, %add3A_143, %lt3A_144 : i32
      %convert_element_type3A_146 = arith.extui %lt3A_145 : i1 to i32
      %cond3A_147 = arith.constant 0 : i32
      %cond3A_148 = arith.cmpi ne, %convert_element_type3A_146, %cond3A_147 : i32
      scf.if %cond3A_148 {
        %add3A_287 = arith.constant 8 : i32
        %add3A_288 = arith.addi %add3A_129, %add3A_287 : i32
        %dma_start3A_289 = arith.constant 1 : i32
        %dma_start3A_290 = arith.constant 0 : i32
        %dma_start3A_291 = arith.constant 0 : i32
        %dma_start3A_292 = tpu.memref_slice %arg8[%dma_start3A_289, %dma_start3A_290, %dma_start3A_291] : memref<8x128x64xf32, #tpu.memory_space<vmem>> -> memref<1x128x64xf32, #tpu.memory_space<vmem>>
        %dma_start3A_293 = tpu.memref_squeeze %dma_start3A_292 : memref<1x128x64xf32, #tpu.memory_space<vmem>> -> memref<128x64xf32, #tpu.memory_space<vmem>>
        %dma_start3A_294 = arith.constant 0 : i32
        %dma_start3A_295 = tpu.memref_slice %arg6[%add3A_288, %dma_start3A_294] : memref<80x128xi32, #tpu.memory_space<vmem>> -> memref<1x128xi32, #tpu.memory_space<vmem>>
        %dma_start3A_296 = tpu.memref_squeeze %dma_start3A_295 : memref<1x128xi32, #tpu.memory_space<vmem>> -> memref<128xi32, #tpu.memory_space<vmem>>
        %dma_start3A_297 = arith.constant 0 : i32
        %dma_start3A_298 = arith.constant 0 : i32
        %dma_start3A_299 = tpu.memref_slice %arg2[%dma_start3A_297, %dma_start3A_298] : memref<20480x64xf32, #tpu.memory_space<hbm>> -> memref<20480x64xf32, #tpu.memory_space<hbm>>
        tpu.enqueue_indirect_dma source(%dma_start3A_299 : memref<20480x64xf32, #tpu.memory_space<hbm>>) target(%dma_start3A_293 : memref<128x64xf32, #tpu.memory_space<vmem>>) offsets(%dma_start3A_296 : memref<128xi32, #tpu.memory_space<vmem>>) semaphore(%arg11 : memref<!tpu.dma_semaphore, #tpu.memory_space<semaphore_mem>>)
      } else {
      }
      %mul3A_149 = arith.constant 8 : i32
      %mul3A_150 = arith.muli %scan3A_107, %mul3A_149 : i32
      %add3A_151 = arith.constant 2 : i32
      %add3A_152 = arith.addi %mul3A_150, %add3A_151 : i32
      %dma_wait3A_153 = arith.constant 2 : i32
      %dma_wait3A_154 = arith.constant 0 : i32
      %dma_wait3A_155 = arith.constant 0 : i32
      %dma_wait3A_156 = tpu.memref_slice %arg8[%dma_wait3A_153, %dma_wait3A_154, %dma_wait3A_155] : memref<8x128x64xf32, #tpu.memory_space<vmem>> -> memref<1x128x64xf32, #tpu.memory_space<vmem>>
      %dma_wait3A_157 = tpu.memref_squeeze %dma_wait3A_156 : memref<1x128x64xf32, #tpu.memory_space<vmem>> -> memref<128x64xf32, #tpu.memory_space<vmem>>
      %dma_wait3A_158 = arith.constant 0 : i32
      %dma_wait3A_159 = tpu.memref_slice %arg6[%add3A_152, %dma_wait3A_158] : memref<80x128xi32, #tpu.memory_space<vmem>> -> memref<1x128xi32, #tpu.memory_space<vmem>>
      %dma_wait3A_160 = tpu.memref_squeeze %dma_wait3A_159 : memref<1x128xi32, #tpu.memory_space<vmem>> -> memref<128xi32, #tpu.memory_space<vmem>>
      %dma_wait3A_161 = arith.constant 0 : i32
      %dma_wait3A_162 = arith.constant 0 : i32
      %dma_wait3A_163 = tpu.memref_slice %arg2[%dma_wait3A_161, %dma_wait3A_162] : memref<20480x64xf32, #tpu.memory_space<hbm>> -> memref<20480x64xf32, #tpu.memory_space<hbm>>
      tpu.wait_indirect_dma semaphore(%arg12 : memref<!tpu.dma_semaphore, #tpu.memory_space<semaphore_mem>>) src(%dma_wait3A_163 : memref<20480x64xf32, #tpu.memory_space<hbm>>) dst(%dma_wait3A_157 : memref<128x64xf32, #tpu.memory_space<vmem>>)
      %run_scoped3A_164 = arith.constant 2 : i32
      "tpu.region"() ({
        %run_scoped3A_287 = tpu.sem_alloc : memref<!tpu.dma_semaphore, #tpu.memory_space<semaphore_mem>>
        %dma_start3A_288 = arith.constant 0 : i32
        %dma_start3A_289 = arith.constant 0 : i32
        %dma_start3A_290 = tpu.memref_slice %arg8[%run_scoped3A_164, %dma_start3A_288, %dma_start3A_289] : memref<8x128x64xf32, #tpu.memory_space<vmem>> -> memref<1x128x64xf32, #tpu.memory_space<vmem>>
        %dma_start3A_291 = tpu.memref_squeeze %dma_start3A_290 : memref<1x128x64xf32, #tpu.memory_space<vmem>> -> memref<128x64xf32, #tpu.memory_space<vmem>>
        %dma_start3A_292 = arith.constant 0 : i32
        %dma_start3A_293 = tpu.memref_slice %arg7[%add3A_152, %dma_start3A_292] : memref<80x128xi32, #tpu.memory_space<vmem>> -> memref<1x128xi32, #tpu.memory_space<vmem>>
        %dma_start3A_294 = tpu.memref_squeeze %dma_start3A_293 : memref<1x128xi32, #tpu.memory_space<vmem>> -> memref<128xi32, #tpu.memory_space<vmem>>
        %dma_start3A_295 = arith.constant 0 : i32
        %dma_start3A_296 = arith.constant 0 : i32
        %dma_start3A_297 = tpu.memref_slice %arg9[%dma_start3A_295, %dma_start3A_296] : memref<10240x64xf32, #tpu.memory_space<vmem_shared>> -> memref<10240x64xf32, #tpu.memory_space<vmem_shared>>
        tpu.enqueue_indirect_dma source(%dma_start3A_291 : memref<128x64xf32, #tpu.memory_space<vmem>>) target(%dma_start3A_297 : memref<10240x64xf32, #tpu.memory_space<vmem_shared>>) offsets(%dma_start3A_294 : memref<128xi32, #tpu.memory_space<vmem>>) semaphore(%run_scoped3A_287 : memref<!tpu.dma_semaphore, #tpu.memory_space<semaphore_mem>>) {add = true}
        %dma_wait3A_298 = arith.constant 0 : i32
        %dma_wait3A_299 = arith.constant 0 : i32
        %dma_wait3A_300 = tpu.memref_slice %arg8[%run_scoped3A_164, %dma_wait3A_298, %dma_wait3A_299] : memref<8x128x64xf32, #tpu.memory_space<vmem>> -> memref<1x128x64xf32, #tpu.memory_space<vmem>>
        %dma_wait3A_301 = tpu.memref_squeeze %dma_wait3A_300 : memref<1x128x64xf32, #tpu.memory_space<vmem>> -> memref<128x64xf32, #tpu.memory_space<vmem>>
        %dma_wait3A_302 = arith.constant 0 : i32
        %dma_wait3A_303 = tpu.memref_slice %arg7[%add3A_152, %dma_wait3A_302] : memref<80x128xi32, #tpu.memory_space<vmem>> -> memref<1x128xi32, #tpu.memory_space<vmem>>
        %dma_wait3A_304 = tpu.memref_squeeze %dma_wait3A_303 : memref<1x128xi32, #tpu.memory_space<vmem>> -> memref<128xi32, #tpu.memory_space<vmem>>
        %dma_wait3A_305 = arith.constant 0 : i32
        %dma_wait3A_306 = arith.constant 0 : i32
        %dma_wait3A_307 = tpu.memref_slice %arg9[%dma_wait3A_305, %dma_wait3A_306] : memref<10240x64xf32, #tpu.memory_space<vmem_shared>> -> memref<10240x64xf32, #tpu.memory_space<vmem_shared>>
        tpu.wait_indirect_dma semaphore(%run_scoped3A_287 : memref<!tpu.dma_semaphore, #tpu.memory_space<semaphore_mem>>) src(%dma_wait3A_301 : memref<128x64xf32, #tpu.memory_space<vmem>>) dst(%dma_wait3A_307 : memref<10240x64xf32, #tpu.memory_space<vmem_shared>>)
        tpu.yield
      }) : () -> ()
      %add3A_165 = arith.constant 8 : i32
      %add3A_166 = arith.addi %add3A_152, %add3A_165 : i32
      %lt3A_167 = arith.constant 80 : i32
      %lt3A_168 = arith.cmpi slt, %add3A_166, %lt3A_167 : i32
      %convert_element_type3A_169 = arith.extui %lt3A_168 : i1 to i32
      %cond3A_170 = arith.constant 0 : i32
      %cond3A_171 = arith.cmpi ne, %convert_element_type3A_169, %cond3A_170 : i32
      scf.if %cond3A_171 {
        %add3A_287 = arith.constant 8 : i32
        %add3A_288 = arith.addi %add3A_152, %add3A_287 : i32
        %dma_start3A_289 = arith.constant 2 : i32
        %dma_start3A_290 = arith.constant 0 : i32
        %dma_start3A_291 = arith.constant 0 : i32
        %dma_start3A_292 = tpu.memref_slice %arg8[%dma_start3A_289, %dma_start3A_290, %dma_start3A_291] : memref<8x128x64xf32, #tpu.memory_space<vmem>> -> memref<1x128x64xf32, #tpu.memory_space<vmem>>
        %dma_start3A_293 = tpu.memref_squeeze %dma_start3A_292 : memref<1x128x64xf32, #tpu.memory_space<vmem>> -> memref<128x64xf32, #tpu.memory_space<vmem>>
        %dma_start3A_294 = arith.constant 0 : i32
        %dma_start3A_295 = tpu.memref_slice %arg6[%add3A_288, %dma_start3A_294] : memref<80x128xi32, #tpu.memory_space<vmem>> -> memref<1x128xi32, #tpu.memory_space<vmem>>
        %dma_start3A_296 = tpu.memref_squeeze %dma_start3A_295 : memref<1x128xi32, #tpu.memory_space<vmem>> -> memref<128xi32, #tpu.memory_space<vmem>>
        %dma_start3A_297 = arith.constant 0 : i32
        %dma_start3A_298 = arith.constant 0 : i32
        %dma_start3A_299 = tpu.memref_slice %arg2[%dma_start3A_297, %dma_start3A_298] : memref<20480x64xf32, #tpu.memory_space<hbm>> -> memref<20480x64xf32, #tpu.memory_space<hbm>>
        tpu.enqueue_indirect_dma source(%dma_start3A_299 : memref<20480x64xf32, #tpu.memory_space<hbm>>) target(%dma_start3A_293 : memref<128x64xf32, #tpu.memory_space<vmem>>) offsets(%dma_start3A_296 : memref<128xi32, #tpu.memory_space<vmem>>) semaphore(%arg12 : memref<!tpu.dma_semaphore, #tpu.memory_space<semaphore_mem>>)
      } else {
      }
      %mul3A_172 = arith.constant 8 : i32
      %mul3A_173 = arith.muli %scan3A_107, %mul3A_172 : i32
      %add3A_174 = arith.constant 3 : i32
      %add3A_175 = arith.addi %mul3A_173, %add3A_174 : i32
      %dma_wait3A_176 = arith.constant 3 : i32
      %dma_wait3A_177 = arith.constant 0 : i32
      %dma_wait3A_178 = arith.constant 0 : i32
      %dma_wait3A_179 = tpu.memref_slice %arg8[%dma_wait3A_176, %dma_wait3A_177, %dma_wait3A_178] : memref<8x128x64xf32, #tpu.memory_space<vmem>> -> memref<1x128x64xf32, #tpu.memory_space<vmem>>
      %dma_wait3A_180 = tpu.memref_squeeze %dma_wait3A_179 : memref<1x128x64xf32, #tpu.memory_space<vmem>> -> memref<128x64xf32, #tpu.memory_space<vmem>>
      %dma_wait3A_181 = arith.constant 0 : i32
      %dma_wait3A_182 = tpu.memref_slice %arg6[%add3A_175, %dma_wait3A_181] : memref<80x128xi32, #tpu.memory_space<vmem>> -> memref<1x128xi32, #tpu.memory_space<vmem>>
      %dma_wait3A_183 = tpu.memref_squeeze %dma_wait3A_182 : memref<1x128xi32, #tpu.memory_space<vmem>> -> memref<128xi32, #tpu.memory_space<vmem>>
      %dma_wait3A_184 = arith.constant 0 : i32
      %dma_wait3A_185 = arith.constant 0 : i32
      %dma_wait3A_186 = tpu.memref_slice %arg2[%dma_wait3A_184, %dma_wait3A_185] : memref<20480x64xf32, #tpu.memory_space<hbm>> -> memref<20480x64xf32, #tpu.memory_space<hbm>>
      tpu.wait_indirect_dma semaphore(%arg13 : memref<!tpu.dma_semaphore, #tpu.memory_space<semaphore_mem>>) src(%dma_wait3A_186 : memref<20480x64xf32, #tpu.memory_space<hbm>>) dst(%dma_wait3A_180 : memref<128x64xf32, #tpu.memory_space<vmem>>)
      %run_scoped3A_187 = arith.constant 3 : i32
      "tpu.region"() ({
        %run_scoped3A_287 = tpu.sem_alloc : memref<!tpu.dma_semaphore, #tpu.memory_space<semaphore_mem>>
        %dma_start3A_288 = arith.constant 0 : i32
        %dma_start3A_289 = arith.constant 0 : i32
        %dma_start3A_290 = tpu.memref_slice %arg8[%run_scoped3A_187, %dma_start3A_288, %dma_start3A_289] : memref<8x128x64xf32, #tpu.memory_space<vmem>> -> memref<1x128x64xf32, #tpu.memory_space<vmem>>
        %dma_start3A_291 = tpu.memref_squeeze %dma_start3A_290 : memref<1x128x64xf32, #tpu.memory_space<vmem>> -> memref<128x64xf32, #tpu.memory_space<vmem>>
        %dma_start3A_292 = arith.constant 0 : i32
        %dma_start3A_293 = tpu.memref_slice %arg7[%add3A_175, %dma_start3A_292] : memref<80x128xi32, #tpu.memory_space<vmem>> -> memref<1x128xi32, #tpu.memory_space<vmem>>
        %dma_start3A_294 = tpu.memref_squeeze %dma_start3A_293 : memref<1x128xi32, #tpu.memory_space<vmem>> -> memref<128xi32, #tpu.memory_space<vmem>>
        %dma_start3A_295 = arith.constant 0 : i32
        %dma_start3A_296 = arith.constant 0 : i32
        %dma_start3A_297 = tpu.memref_slice %arg9[%dma_start3A_295, %dma_start3A_296] : memref<10240x64xf32, #tpu.memory_space<vmem_shared>> -> memref<10240x64xf32, #tpu.memory_space<vmem_shared>>
        tpu.enqueue_indirect_dma source(%dma_start3A_291 : memref<128x64xf32, #tpu.memory_space<vmem>>) target(%dma_start3A_297 : memref<10240x64xf32, #tpu.memory_space<vmem_shared>>) offsets(%dma_start3A_294 : memref<128xi32, #tpu.memory_space<vmem>>) semaphore(%run_scoped3A_287 : memref<!tpu.dma_semaphore, #tpu.memory_space<semaphore_mem>>) {add = true}
        %dma_wait3A_298 = arith.constant 0 : i32
        %dma_wait3A_299 = arith.constant 0 : i32
        %dma_wait3A_300 = tpu.memref_slice %arg8[%run_scoped3A_187, %dma_wait3A_298, %dma_wait3A_299] : memref<8x128x64xf32, #tpu.memory_space<vmem>> -> memref<1x128x64xf32, #tpu.memory_space<vmem>>
        %dma_wait3A_301 = tpu.memref_squeeze %dma_wait3A_300 : memref<1x128x64xf32, #tpu.memory_space<vmem>> -> memref<128x64xf32, #tpu.memory_space<vmem>>
        %dma_wait3A_302 = arith.constant 0 : i32
        %dma_wait3A_303 = tpu.memref_slice %arg7[%add3A_175, %dma_wait3A_302] : memref<80x128xi32, #tpu.memory_space<vmem>> -> memref<1x128xi32, #tpu.memory_space<vmem>>
        %dma_wait3A_304 = tpu.memref_squeeze %dma_wait3A_303 : memref<1x128xi32, #tpu.memory_space<vmem>> -> memref<128xi32, #tpu.memory_space<vmem>>
        %dma_wait3A_305 = arith.constant 0 : i32
        %dma_wait3A_306 = arith.constant 0 : i32
        %dma_wait3A_307 = tpu.memref_slice %arg9[%dma_wait3A_305, %dma_wait3A_306] : memref<10240x64xf32, #tpu.memory_space<vmem_shared>> -> memref<10240x64xf32, #tpu.memory_space<vmem_shared>>
        tpu.wait_indirect_dma semaphore(%run_scoped3A_287 : memref<!tpu.dma_semaphore, #tpu.memory_space<semaphore_mem>>) src(%dma_wait3A_301 : memref<128x64xf32, #tpu.memory_space<vmem>>) dst(%dma_wait3A_307 : memref<10240x64xf32, #tpu.memory_space<vmem_shared>>)
        tpu.yield
      }) : () -> ()
      %add3A_188 = arith.constant 8 : i32
      %add3A_189 = arith.addi %add3A_175, %add3A_188 : i32
      %lt3A_190 = arith.constant 80 : i32
      %lt3A_191 = arith.cmpi slt, %add3A_189, %lt3A_190 : i32
      %convert_element_type3A_192 = arith.extui %lt3A_191 : i1 to i32
      %cond3A_193 = arith.constant 0 : i32
      %cond3A_194 = arith.cmpi ne, %convert_element_type3A_192, %cond3A_193 : i32
      scf.if %cond3A_194 {
        %add3A_287 = arith.constant 8 : i32
        %add3A_288 = arith.addi %add3A_175, %add3A_287 : i32
        %dma_start3A_289 = arith.constant 3 : i32
        %dma_start3A_290 = arith.constant 0 : i32
        %dma_start3A_291 = arith.constant 0 : i32
        %dma_start3A_292 = tpu.memref_slice %arg8[%dma_start3A_289, %dma_start3A_290, %dma_start3A_291] : memref<8x128x64xf32, #tpu.memory_space<vmem>> -> memref<1x128x64xf32, #tpu.memory_space<vmem>>
        %dma_start3A_293 = tpu.memref_squeeze %dma_start3A_292 : memref<1x128x64xf32, #tpu.memory_space<vmem>> -> memref<128x64xf32, #tpu.memory_space<vmem>>
        %dma_start3A_294 = arith.constant 0 : i32
        %dma_start3A_295 = tpu.memref_slice %arg6[%add3A_288, %dma_start3A_294] : memref<80x128xi32, #tpu.memory_space<vmem>> -> memref<1x128xi32, #tpu.memory_space<vmem>>
        %dma_start3A_296 = tpu.memref_squeeze %dma_start3A_295 : memref<1x128xi32, #tpu.memory_space<vmem>> -> memref<128xi32, #tpu.memory_space<vmem>>
        %dma_start3A_297 = arith.constant 0 : i32
        %dma_start3A_298 = arith.constant 0 : i32
        %dma_start3A_299 = tpu.memref_slice %arg2[%dma_start3A_297, %dma_start3A_298] : memref<20480x64xf32, #tpu.memory_space<hbm>> -> memref<20480x64xf32, #tpu.memory_space<hbm>>
        tpu.enqueue_indirect_dma source(%dma_start3A_299 : memref<20480x64xf32, #tpu.memory_space<hbm>>) target(%dma_start3A_293 : memref<128x64xf32, #tpu.memory_space<vmem>>) offsets(%dma_start3A_296 : memref<128xi32, #tpu.memory_space<vmem>>) semaphore(%arg13 : memref<!tpu.dma_semaphore, #tpu.memory_space<semaphore_mem>>)
      } else {
      }
      %mul3A_195 = arith.constant 8 : i32
      %mul3A_196 = arith.muli %scan3A_107, %mul3A_195 : i32
      %add3A_197 = arith.constant 4 : i32
      %add3A_198 = arith.addi %mul3A_196, %add3A_197 : i32
      %dma_wait3A_199 = arith.constant 4 : i32
      %dma_wait3A_200 = arith.constant 0 : i32
      %dma_wait3A_201 = arith.constant 0 : i32
      %dma_wait3A_202 = tpu.memref_slice %arg8[%dma_wait3A_199, %dma_wait3A_200, %dma_wait3A_201] : memref<8x128x64xf32, #tpu.memory_space<vmem>> -> memref<1x128x64xf32, #tpu.memory_space<vmem>>
      %dma_wait3A_203 = tpu.memref_squeeze %dma_wait3A_202 : memref<1x128x64xf32, #tpu.memory_space<vmem>> -> memref<128x64xf32, #tpu.memory_space<vmem>>
      %dma_wait3A_204 = arith.constant 0 : i32
      %dma_wait3A_205 = tpu.memref_slice %arg6[%add3A_198, %dma_wait3A_204] : memref<80x128xi32, #tpu.memory_space<vmem>> -> memref<1x128xi32, #tpu.memory_space<vmem>>
      %dma_wait3A_206 = tpu.memref_squeeze %dma_wait3A_205 : memref<1x128xi32, #tpu.memory_space<vmem>> -> memref<128xi32, #tpu.memory_space<vmem>>
      %dma_wait3A_207 = arith.constant 0 : i32
      %dma_wait3A_208 = arith.constant 0 : i32
      %dma_wait3A_209 = tpu.memref_slice %arg2[%dma_wait3A_207, %dma_wait3A_208] : memref<20480x64xf32, #tpu.memory_space<hbm>> -> memref<20480x64xf32, #tpu.memory_space<hbm>>
      tpu.wait_indirect_dma semaphore(%arg14 : memref<!tpu.dma_semaphore, #tpu.memory_space<semaphore_mem>>) src(%dma_wait3A_209 : memref<20480x64xf32, #tpu.memory_space<hbm>>) dst(%dma_wait3A_203 : memref<128x64xf32, #tpu.memory_space<vmem>>)
      %run_scoped3A_210 = arith.constant 4 : i32
      "tpu.region"() ({
        %run_scoped3A_287 = tpu.sem_alloc : memref<!tpu.dma_semaphore, #tpu.memory_space<semaphore_mem>>
        %dma_start3A_288 = arith.constant 0 : i32
        %dma_start3A_289 = arith.constant 0 : i32
        %dma_start3A_290 = tpu.memref_slice %arg8[%run_scoped3A_210, %dma_start3A_288, %dma_start3A_289] : memref<8x128x64xf32, #tpu.memory_space<vmem>> -> memref<1x128x64xf32, #tpu.memory_space<vmem>>
        %dma_start3A_291 = tpu.memref_squeeze %dma_start3A_290 : memref<1x128x64xf32, #tpu.memory_space<vmem>> -> memref<128x64xf32, #tpu.memory_space<vmem>>
        %dma_start3A_292 = arith.constant 0 : i32
        %dma_start3A_293 = tpu.memref_slice %arg7[%add3A_198, %dma_start3A_292] : memref<80x128xi32, #tpu.memory_space<vmem>> -> memref<1x128xi32, #tpu.memory_space<vmem>>
        %dma_start3A_294 = tpu.memref_squeeze %dma_start3A_293 : memref<1x128xi32, #tpu.memory_space<vmem>> -> memref<128xi32, #tpu.memory_space<vmem>>
        %dma_start3A_295 = arith.constant 0 : i32
        %dma_start3A_296 = arith.constant 0 : i32
        %dma_start3A_297 = tpu.memref_slice %arg9[%dma_start3A_295, %dma_start3A_296] : memref<10240x64xf32, #tpu.memory_space<vmem_shared>> -> memref<10240x64xf32, #tpu.memory_space<vmem_shared>>
        tpu.enqueue_indirect_dma source(%dma_start3A_291 : memref<128x64xf32, #tpu.memory_space<vmem>>) target(%dma_start3A_297 : memref<10240x64xf32, #tpu.memory_space<vmem_shared>>) offsets(%dma_start3A_294 : memref<128xi32, #tpu.memory_space<vmem>>) semaphore(%run_scoped3A_287 : memref<!tpu.dma_semaphore, #tpu.memory_space<semaphore_mem>>) {add = true}
        %dma_wait3A_298 = arith.constant 0 : i32
        %dma_wait3A_299 = arith.constant 0 : i32
        %dma_wait3A_300 = tpu.memref_slice %arg8[%run_scoped3A_210, %dma_wait3A_298, %dma_wait3A_299] : memref<8x128x64xf32, #tpu.memory_space<vmem>> -> memref<1x128x64xf32, #tpu.memory_space<vmem>>
        %dma_wait3A_301 = tpu.memref_squeeze %dma_wait3A_300 : memref<1x128x64xf32, #tpu.memory_space<vmem>> -> memref<128x64xf32, #tpu.memory_space<vmem>>
        %dma_wait3A_302 = arith.constant 0 : i32
        %dma_wait3A_303 = tpu.memref_slice %arg7[%add3A_198, %dma_wait3A_302] : memref<80x128xi32, #tpu.memory_space<vmem>> -> memref<1x128xi32, #tpu.memory_space<vmem>>
        %dma_wait3A_304 = tpu.memref_squeeze %dma_wait3A_303 : memref<1x128xi32, #tpu.memory_space<vmem>> -> memref<128xi32, #tpu.memory_space<vmem>>
        %dma_wait3A_305 = arith.constant 0 : i32
        %dma_wait3A_306 = arith.constant 0 : i32
        %dma_wait3A_307 = tpu.memref_slice %arg9[%dma_wait3A_305, %dma_wait3A_306] : memref<10240x64xf32, #tpu.memory_space<vmem_shared>> -> memref<10240x64xf32, #tpu.memory_space<vmem_shared>>
        tpu.wait_indirect_dma semaphore(%run_scoped3A_287 : memref<!tpu.dma_semaphore, #tpu.memory_space<semaphore_mem>>) src(%dma_wait3A_301 : memref<128x64xf32, #tpu.memory_space<vmem>>) dst(%dma_wait3A_307 : memref<10240x64xf32, #tpu.memory_space<vmem_shared>>)
        tpu.yield
      }) : () -> ()
      %add3A_211 = arith.constant 8 : i32
      %add3A_212 = arith.addi %add3A_198, %add3A_211 : i32
      %lt3A_213 = arith.constant 80 : i32
      %lt3A_214 = arith.cmpi slt, %add3A_212, %lt3A_213 : i32
      %convert_element_type3A_215 = arith.extui %lt3A_214 : i1 to i32
      %cond3A_216 = arith.constant 0 : i32
      %cond3A_217 = arith.cmpi ne, %convert_element_type3A_215, %cond3A_216 : i32
      scf.if %cond3A_217 {
        %add3A_287 = arith.constant 8 : i32
        %add3A_288 = arith.addi %add3A_198, %add3A_287 : i32
        %dma_start3A_289 = arith.constant 4 : i32
        %dma_start3A_290 = arith.constant 0 : i32
        %dma_start3A_291 = arith.constant 0 : i32
        %dma_start3A_292 = tpu.memref_slice %arg8[%dma_start3A_289, %dma_start3A_290, %dma_start3A_291] : memref<8x128x64xf32, #tpu.memory_space<vmem>> -> memref<1x128x64xf32, #tpu.memory_space<vmem>>
        %dma_start3A_293 = tpu.memref_squeeze %dma_start3A_292 : memref<1x128x64xf32, #tpu.memory_space<vmem>> -> memref<128x64xf32, #tpu.memory_space<vmem>>
        %dma_start3A_294 = arith.constant 0 : i32
        %dma_start3A_295 = tpu.memref_slice %arg6[%add3A_288, %dma_start3A_294] : memref<80x128xi32, #tpu.memory_space<vmem>> -> memref<1x128xi32, #tpu.memory_space<vmem>>
        %dma_start3A_296 = tpu.memref_squeeze %dma_start3A_295 : memref<1x128xi32, #tpu.memory_space<vmem>> -> memref<128xi32, #tpu.memory_space<vmem>>
        %dma_start3A_297 = arith.constant 0 : i32
        %dma_start3A_298 = arith.constant 0 : i32
        %dma_start3A_299 = tpu.memref_slice %arg2[%dma_start3A_297, %dma_start3A_298] : memref<20480x64xf32, #tpu.memory_space<hbm>> -> memref<20480x64xf32, #tpu.memory_space<hbm>>
        tpu.enqueue_indirect_dma source(%dma_start3A_299 : memref<20480x64xf32, #tpu.memory_space<hbm>>) target(%dma_start3A_293 : memref<128x64xf32, #tpu.memory_space<vmem>>) offsets(%dma_start3A_296 : memref<128xi32, #tpu.memory_space<vmem>>) semaphore(%arg14 : memref<!tpu.dma_semaphore, #tpu.memory_space<semaphore_mem>>)
      } else {
      }
      %mul3A_218 = arith.constant 8 : i32
      %mul3A_219 = arith.muli %scan3A_107, %mul3A_218 : i32
      %add3A_220 = arith.constant 5 : i32
      %add3A_221 = arith.addi %mul3A_219, %add3A_220 : i32
      %dma_wait3A_222 = arith.constant 5 : i32
      %dma_wait3A_223 = arith.constant 0 : i32
      %dma_wait3A_224 = arith.constant 0 : i32
      %dma_wait3A_225 = tpu.memref_slice %arg8[%dma_wait3A_222, %dma_wait3A_223, %dma_wait3A_224] : memref<8x128x64xf32, #tpu.memory_space<vmem>> -> memref<1x128x64xf32, #tpu.memory_space<vmem>>
      %dma_wait3A_226 = tpu.memref_squeeze %dma_wait3A_225 : memref<1x128x64xf32, #tpu.memory_space<vmem>> -> memref<128x64xf32, #tpu.memory_space<vmem>>
      %dma_wait3A_227 = arith.constant 0 : i32
      %dma_wait3A_228 = tpu.memref_slice %arg6[%add3A_221, %dma_wait3A_227] : memref<80x128xi32, #tpu.memory_space<vmem>> -> memref<1x128xi32, #tpu.memory_space<vmem>>
      %dma_wait3A_229 = tpu.memref_squeeze %dma_wait3A_228 : memref<1x128xi32, #tpu.memory_space<vmem>> -> memref<128xi32, #tpu.memory_space<vmem>>
      %dma_wait3A_230 = arith.constant 0 : i32
      %dma_wait3A_231 = arith.constant 0 : i32
      %dma_wait3A_232 = tpu.memref_slice %arg2[%dma_wait3A_230, %dma_wait3A_231] : memref<20480x64xf32, #tpu.memory_space<hbm>> -> memref<20480x64xf32, #tpu.memory_space<hbm>>
      tpu.wait_indirect_dma semaphore(%arg15 : memref<!tpu.dma_semaphore, #tpu.memory_space<semaphore_mem>>) src(%dma_wait3A_232 : memref<20480x64xf32, #tpu.memory_space<hbm>>) dst(%dma_wait3A_226 : memref<128x64xf32, #tpu.memory_space<vmem>>)
      %run_scoped3A_233 = arith.constant 5 : i32
      "tpu.region"() ({
        %run_scoped3A_287 = tpu.sem_alloc : memref<!tpu.dma_semaphore, #tpu.memory_space<semaphore_mem>>
        %dma_start3A_288 = arith.constant 0 : i32
        %dma_start3A_289 = arith.constant 0 : i32
        %dma_start3A_290 = tpu.memref_slice %arg8[%run_scoped3A_233, %dma_start3A_288, %dma_start3A_289] : memref<8x128x64xf32, #tpu.memory_space<vmem>> -> memref<1x128x64xf32, #tpu.memory_space<vmem>>
        %dma_start3A_291 = tpu.memref_squeeze %dma_start3A_290 : memref<1x128x64xf32, #tpu.memory_space<vmem>> -> memref<128x64xf32, #tpu.memory_space<vmem>>
        %dma_start3A_292 = arith.constant 0 : i32
        %dma_start3A_293 = tpu.memref_slice %arg7[%add3A_221, %dma_start3A_292] : memref<80x128xi32, #tpu.memory_space<vmem>> -> memref<1x128xi32, #tpu.memory_space<vmem>>
        %dma_start3A_294 = tpu.memref_squeeze %dma_start3A_293 : memref<1x128xi32, #tpu.memory_space<vmem>> -> memref<128xi32, #tpu.memory_space<vmem>>
        %dma_start3A_295 = arith.constant 0 : i32
        %dma_start3A_296 = arith.constant 0 : i32
        %dma_start3A_297 = tpu.memref_slice %arg9[%dma_start3A_295, %dma_start3A_296] : memref<10240x64xf32, #tpu.memory_space<vmem_shared>> -> memref<10240x64xf32, #tpu.memory_space<vmem_shared>>
        tpu.enqueue_indirect_dma source(%dma_start3A_291 : memref<128x64xf32, #tpu.memory_space<vmem>>) target(%dma_start3A_297 : memref<10240x64xf32, #tpu.memory_space<vmem_shared>>) offsets(%dma_start3A_294 : memref<128xi32, #tpu.memory_space<vmem>>) semaphore(%run_scoped3A_287 : memref<!tpu.dma_semaphore, #tpu.memory_space<semaphore_mem>>) {add = true}
        %dma_wait3A_298 = arith.constant 0 : i32
        %dma_wait3A_299 = arith.constant 0 : i32
        %dma_wait3A_300 = tpu.memref_slice %arg8[%run_scoped3A_233, %dma_wait3A_298, %dma_wait3A_299] : memref<8x128x64xf32, #tpu.memory_space<vmem>> -> memref<1x128x64xf32, #tpu.memory_space<vmem>>
        %dma_wait3A_301 = tpu.memref_squeeze %dma_wait3A_300 : memref<1x128x64xf32, #tpu.memory_space<vmem>> -> memref<128x64xf32, #tpu.memory_space<vmem>>
        %dma_wait3A_302 = arith.constant 0 : i32
        %dma_wait3A_303 = tpu.memref_slice %arg7[%add3A_221, %dma_wait3A_302] : memref<80x128xi32, #tpu.memory_space<vmem>> -> memref<1x128xi32, #tpu.memory_space<vmem>>
        %dma_wait3A_304 = tpu.memref_squeeze %dma_wait3A_303 : memref<1x128xi32, #tpu.memory_space<vmem>> -> memref<128xi32, #tpu.memory_space<vmem>>
        %dma_wait3A_305 = arith.constant 0 : i32
        %dma_wait3A_306 = arith.constant 0 : i32
        %dma_wait3A_307 = tpu.memref_slice %arg9[%dma_wait3A_305, %dma_wait3A_306] : memref<10240x64xf32, #tpu.memory_space<vmem_shared>> -> memref<10240x64xf32, #tpu.memory_space<vmem_shared>>
        tpu.wait_indirect_dma semaphore(%run_scoped3A_287 : memref<!tpu.dma_semaphore, #tpu.memory_space<semaphore_mem>>) src(%dma_wait3A_301 : memref<128x64xf32, #tpu.memory_space<vmem>>) dst(%dma_wait3A_307 : memref<10240x64xf32, #tpu.memory_space<vmem_shared>>)
        tpu.yield
      }) : () -> ()
      %add3A_234 = arith.constant 8 : i32
      %add3A_235 = arith.addi %add3A_221, %add3A_234 : i32
      %lt3A_236 = arith.constant 80 : i32
      %lt3A_237 = arith.cmpi slt, %add3A_235, %lt3A_236 : i32
      %convert_element_type3A_238 = arith.extui %lt3A_237 : i1 to i32
      %cond3A_239 = arith.constant 0 : i32
      %cond3A_240 = arith.cmpi ne, %convert_element_type3A_238, %cond3A_239 : i32
      scf.if %cond3A_240 {
        %add3A_287 = arith.constant 8 : i32
        %add3A_288 = arith.addi %add3A_221, %add3A_287 : i32
        %dma_start3A_289 = arith.constant 5 : i32
        %dma_start3A_290 = arith.constant 0 : i32
        %dma_start3A_291 = arith.constant 0 : i32
        %dma_start3A_292 = tpu.memref_slice %arg8[%dma_start3A_289, %dma_start3A_290, %dma_start3A_291] : memref<8x128x64xf32, #tpu.memory_space<vmem>> -> memref<1x128x64xf32, #tpu.memory_space<vmem>>
        %dma_start3A_293 = tpu.memref_squeeze %dma_start3A_292 : memref<1x128x64xf32, #tpu.memory_space<vmem>> -> memref<128x64xf32, #tpu.memory_space<vmem>>
        %dma_start3A_294 = arith.constant 0 : i32
        %dma_start3A_295 = tpu.memref_slice %arg6[%add3A_288, %dma_start3A_294] : memref<80x128xi32, #tpu.memory_space<vmem>> -> memref<1x128xi32, #tpu.memory_space<vmem>>
        %dma_start3A_296 = tpu.memref_squeeze %dma_start3A_295 : memref<1x128xi32, #tpu.memory_space<vmem>> -> memref<128xi32, #tpu.memory_space<vmem>>
        %dma_start3A_297 = arith.constant 0 : i32
        %dma_start3A_298 = arith.constant 0 : i32
        %dma_start3A_299 = tpu.memref_slice %arg2[%dma_start3A_297, %dma_start3A_298] : memref<20480x64xf32, #tpu.memory_space<hbm>> -> memref<20480x64xf32, #tpu.memory_space<hbm>>
        tpu.enqueue_indirect_dma source(%dma_start3A_299 : memref<20480x64xf32, #tpu.memory_space<hbm>>) target(%dma_start3A_293 : memref<128x64xf32, #tpu.memory_space<vmem>>) offsets(%dma_start3A_296 : memref<128xi32, #tpu.memory_space<vmem>>) semaphore(%arg15 : memref<!tpu.dma_semaphore, #tpu.memory_space<semaphore_mem>>)
      } else {
      }
      %mul3A_241 = arith.constant 8 : i32
      %mul3A_242 = arith.muli %scan3A_107, %mul3A_241 : i32
      %add3A_243 = arith.constant 6 : i32
      %add3A_244 = arith.addi %mul3A_242, %add3A_243 : i32
      %dma_wait3A_245 = arith.constant 6 : i32
      %dma_wait3A_246 = arith.constant 0 : i32
      %dma_wait3A_247 = arith.constant 0 : i32
      %dma_wait3A_248 = tpu.memref_slice %arg8[%dma_wait3A_245, %dma_wait3A_246, %dma_wait3A_247] : memref<8x128x64xf32, #tpu.memory_space<vmem>> -> memref<1x128x64xf32, #tpu.memory_space<vmem>>
      %dma_wait3A_249 = tpu.memref_squeeze %dma_wait3A_248 : memref<1x128x64xf32, #tpu.memory_space<vmem>> -> memref<128x64xf32, #tpu.memory_space<vmem>>
      %dma_wait3A_250 = arith.constant 0 : i32
      %dma_wait3A_251 = tpu.memref_slice %arg6[%add3A_244, %dma_wait3A_250] : memref<80x128xi32, #tpu.memory_space<vmem>> -> memref<1x128xi32, #tpu.memory_space<vmem>>
      %dma_wait3A_252 = tpu.memref_squeeze %dma_wait3A_251 : memref<1x128xi32, #tpu.memory_space<vmem>> -> memref<128xi32, #tpu.memory_space<vmem>>
      %dma_wait3A_253 = arith.constant 0 : i32
      %dma_wait3A_254 = arith.constant 0 : i32
      %dma_wait3A_255 = tpu.memref_slice %arg2[%dma_wait3A_253, %dma_wait3A_254] : memref<20480x64xf32, #tpu.memory_space<hbm>> -> memref<20480x64xf32, #tpu.memory_space<hbm>>
      tpu.wait_indirect_dma semaphore(%arg16 : memref<!tpu.dma_semaphore, #tpu.memory_space<semaphore_mem>>) src(%dma_wait3A_255 : memref<20480x64xf32, #tpu.memory_space<hbm>>) dst(%dma_wait3A_249 : memref<128x64xf32, #tpu.memory_space<vmem>>)
      %run_scoped3A_256 = arith.constant 6 : i32
      "tpu.region"() ({
        %run_scoped3A_287 = tpu.sem_alloc : memref<!tpu.dma_semaphore, #tpu.memory_space<semaphore_mem>>
        %dma_start3A_288 = arith.constant 0 : i32
        %dma_start3A_289 = arith.constant 0 : i32
        %dma_start3A_290 = tpu.memref_slice %arg8[%run_scoped3A_256, %dma_start3A_288, %dma_start3A_289] : memref<8x128x64xf32, #tpu.memory_space<vmem>> -> memref<1x128x64xf32, #tpu.memory_space<vmem>>
        %dma_start3A_291 = tpu.memref_squeeze %dma_start3A_290 : memref<1x128x64xf32, #tpu.memory_space<vmem>> -> memref<128x64xf32, #tpu.memory_space<vmem>>
        %dma_start3A_292 = arith.constant 0 : i32
        %dma_start3A_293 = tpu.memref_slice %arg7[%add3A_244, %dma_start3A_292] : memref<80x128xi32, #tpu.memory_space<vmem>> -> memref<1x128xi32, #tpu.memory_space<vmem>>
        %dma_start3A_294 = tpu.memref_squeeze %dma_start3A_293 : memref<1x128xi32, #tpu.memory_space<vmem>> -> memref<128xi32, #tpu.memory_space<vmem>>
        %dma_start3A_295 = arith.constant 0 : i32
        %dma_start3A_296 = arith.constant 0 : i32
        %dma_start3A_297 = tpu.memref_slice %arg9[%dma_start3A_295, %dma_start3A_296] : memref<10240x64xf32, #tpu.memory_space<vmem_shared>> -> memref<10240x64xf32, #tpu.memory_space<vmem_shared>>
        tpu.enqueue_indirect_dma source(%dma_start3A_291 : memref<128x64xf32, #tpu.memory_space<vmem>>) target(%dma_start3A_297 : memref<10240x64xf32, #tpu.memory_space<vmem_shared>>) offsets(%dma_start3A_294 : memref<128xi32, #tpu.memory_space<vmem>>) semaphore(%run_scoped3A_287 : memref<!tpu.dma_semaphore, #tpu.memory_space<semaphore_mem>>) {add = true}
        %dma_wait3A_298 = arith.constant 0 : i32
        %dma_wait3A_299 = arith.constant 0 : i32
        %dma_wait3A_300 = tpu.memref_slice %arg8[%run_scoped3A_256, %dma_wait3A_298, %dma_wait3A_299] : memref<8x128x64xf32, #tpu.memory_space<vmem>> -> memref<1x128x64xf32, #tpu.memory_space<vmem>>
        %dma_wait3A_301 = tpu.memref_squeeze %dma_wait3A_300 : memref<1x128x64xf32, #tpu.memory_space<vmem>> -> memref<128x64xf32, #tpu.memory_space<vmem>>
        %dma_wait3A_302 = arith.constant 0 : i32
        %dma_wait3A_303 = tpu.memref_slice %arg7[%add3A_244, %dma_wait3A_302] : memref<80x128xi32, #tpu.memory_space<vmem>> -> memref<1x128xi32, #tpu.memory_space<vmem>>
        %dma_wait3A_304 = tpu.memref_squeeze %dma_wait3A_303 : memref<1x128xi32, #tpu.memory_space<vmem>> -> memref<128xi32, #tpu.memory_space<vmem>>
        %dma_wait3A_305 = arith.constant 0 : i32
        %dma_wait3A_306 = arith.constant 0 : i32
        %dma_wait3A_307 = tpu.memref_slice %arg9[%dma_wait3A_305, %dma_wait3A_306] : memref<10240x64xf32, #tpu.memory_space<vmem_shared>> -> memref<10240x64xf32, #tpu.memory_space<vmem_shared>>
        tpu.wait_indirect_dma semaphore(%run_scoped3A_287 : memref<!tpu.dma_semaphore, #tpu.memory_space<semaphore_mem>>) src(%dma_wait3A_301 : memref<128x64xf32, #tpu.memory_space<vmem>>) dst(%dma_wait3A_307 : memref<10240x64xf32, #tpu.memory_space<vmem_shared>>)
        tpu.yield
      }) : () -> ()
      %add3A_257 = arith.constant 8 : i32
      %add3A_258 = arith.addi %add3A_244, %add3A_257 : i32
      %lt3A_259 = arith.constant 80 : i32
      %lt3A_260 = arith.cmpi slt, %add3A_258, %lt3A_259 : i32
      %convert_element_type3A_261 = arith.extui %lt3A_260 : i1 to i32
      %cond3A_262 = arith.constant 0 : i32
      %cond3A_263 = arith.cmpi ne, %convert_element_type3A_261, %cond3A_262 : i32
      scf.if %cond3A_263 {
        %add3A_287 = arith.constant 8 : i32
        %add3A_288 = arith.addi %add3A_244, %add3A_287 : i32
        %dma_start3A_289 = arith.constant 6 : i32
        %dma_start3A_290 = arith.constant 0 : i32
        %dma_start3A_291 = arith.constant 0 : i32
        %dma_start3A_292 = tpu.memref_slice %arg8[%dma_start3A_289, %dma_start3A_290, %dma_start3A_291] : memref<8x128x64xf32, #tpu.memory_space<vmem>> -> memref<1x128x64xf32, #tpu.memory_space<vmem>>
        %dma_start3A_293 = tpu.memref_squeeze %dma_start3A_292 : memref<1x128x64xf32, #tpu.memory_space<vmem>> -> memref<128x64xf32, #tpu.memory_space<vmem>>
        %dma_start3A_294 = arith.constant 0 : i32
        %dma_start3A_295 = tpu.memref_slice %arg6[%add3A_288, %dma_start3A_294] : memref<80x128xi32, #tpu.memory_space<vmem>> -> memref<1x128xi32, #tpu.memory_space<vmem>>
        %dma_start3A_296 = tpu.memref_squeeze %dma_start3A_295 : memref<1x128xi32, #tpu.memory_space<vmem>> -> memref<128xi32, #tpu.memory_space<vmem>>
        %dma_start3A_297 = arith.constant 0 : i32
        %dma_start3A_298 = arith.constant 0 : i32
        %dma_start3A_299 = tpu.memref_slice %arg2[%dma_start3A_297, %dma_start3A_298] : memref<20480x64xf32, #tpu.memory_space<hbm>> -> memref<20480x64xf32, #tpu.memory_space<hbm>>
        tpu.enqueue_indirect_dma source(%dma_start3A_299 : memref<20480x64xf32, #tpu.memory_space<hbm>>) target(%dma_start3A_293 : memref<128x64xf32, #tpu.memory_space<vmem>>) offsets(%dma_start3A_296 : memref<128xi32, #tpu.memory_space<vmem>>) semaphore(%arg16 : memref<!tpu.dma_semaphore, #tpu.memory_space<semaphore_mem>>)
      } else {
      }
      %mul3A_264 = arith.constant 8 : i32
      %mul3A_265 = arith.muli %scan3A_107, %mul3A_264 : i32
      %add3A_266 = arith.constant 7 : i32
      %add3A_267 = arith.addi %mul3A_265, %add3A_266 : i32
      %dma_wait3A_268 = arith.constant 7 : i32
      %dma_wait3A_269 = arith.constant 0 : i32
      %dma_wait3A_270 = arith.constant 0 : i32
      %dma_wait3A_271 = tpu.memref_slice %arg8[%dma_wait3A_268, %dma_wait3A_269, %dma_wait3A_270] : memref<8x128x64xf32, #tpu.memory_space<vmem>> -> memref<1x128x64xf32, #tpu.memory_space<vmem>>
      %dma_wait3A_272 = tpu.memref_squeeze %dma_wait3A_271 : memref<1x128x64xf32, #tpu.memory_space<vmem>> -> memref<128x64xf32, #tpu.memory_space<vmem>>
      %dma_wait3A_273 = arith.constant 0 : i32
      %dma_wait3A_274 = tpu.memref_slice %arg6[%add3A_267, %dma_wait3A_273] : memref<80x128xi32, #tpu.memory_space<vmem>> -> memref<1x128xi32, #tpu.memory_space<vmem>>
      %dma_wait3A_275 = tpu.memref_squeeze %dma_wait3A_274 : memref<1x128xi32, #tpu.memory_space<vmem>> -> memref<128xi32, #tpu.memory_space<vmem>>
      %dma_wait3A_276 = arith.constant 0 : i32
      %dma_wait3A_277 = arith.constant 0 : i32
      %dma_wait3A_278 = tpu.memref_slice %arg2[%dma_wait3A_276, %dma_wait3A_277] : memref<20480x64xf32, #tpu.memory_space<hbm>> -> memref<20480x64xf32, #tpu.memory_space<hbm>>
      tpu.wait_indirect_dma semaphore(%arg17 : memref<!tpu.dma_semaphore, #tpu.memory_space<semaphore_mem>>) src(%dma_wait3A_278 : memref<20480x64xf32, #tpu.memory_space<hbm>>) dst(%dma_wait3A_272 : memref<128x64xf32, #tpu.memory_space<vmem>>)
      %run_scoped3A_279 = arith.constant 7 : i32
      "tpu.region"() ({
        %run_scoped3A_287 = tpu.sem_alloc : memref<!tpu.dma_semaphore, #tpu.memory_space<semaphore_mem>>
        %dma_start3A_288 = arith.constant 0 : i32
        %dma_start3A_289 = arith.constant 0 : i32
        %dma_start3A_290 = tpu.memref_slice %arg8[%run_scoped3A_279, %dma_start3A_288, %dma_start3A_289] : memref<8x128x64xf32, #tpu.memory_space<vmem>> -> memref<1x128x64xf32, #tpu.memory_space<vmem>>
        %dma_start3A_291 = tpu.memref_squeeze %dma_start3A_290 : memref<1x128x64xf32, #tpu.memory_space<vmem>> -> memref<128x64xf32, #tpu.memory_space<vmem>>
        %dma_start3A_292 = arith.constant 0 : i32
        %dma_start3A_293 = tpu.memref_slice %arg7[%add3A_267, %dma_start3A_292] : memref<80x128xi32, #tpu.memory_space<vmem>> -> memref<1x128xi32, #tpu.memory_space<vmem>>
        %dma_start3A_294 = tpu.memref_squeeze %dma_start3A_293 : memref<1x128xi32, #tpu.memory_space<vmem>> -> memref<128xi32, #tpu.memory_space<vmem>>
        %dma_start3A_295 = arith.constant 0 : i32
        %dma_start3A_296 = arith.constant 0 : i32
        %dma_start3A_297 = tpu.memref_slice %arg9[%dma_start3A_295, %dma_start3A_296] : memref<10240x64xf32, #tpu.memory_space<vmem_shared>> -> memref<10240x64xf32, #tpu.memory_space<vmem_shared>>
        tpu.enqueue_indirect_dma source(%dma_start3A_291 : memref<128x64xf32, #tpu.memory_space<vmem>>) target(%dma_start3A_297 : memref<10240x64xf32, #tpu.memory_space<vmem_shared>>) offsets(%dma_start3A_294 : memref<128xi32, #tpu.memory_space<vmem>>) semaphore(%run_scoped3A_287 : memref<!tpu.dma_semaphore, #tpu.memory_space<semaphore_mem>>) {add = true}
        %dma_wait3A_298 = arith.constant 0 : i32
        %dma_wait3A_299 = arith.constant 0 : i32
        %dma_wait3A_300 = tpu.memref_slice %arg8[%run_scoped3A_279, %dma_wait3A_298, %dma_wait3A_299] : memref<8x128x64xf32, #tpu.memory_space<vmem>> -> memref<1x128x64xf32, #tpu.memory_space<vmem>>
        %dma_wait3A_301 = tpu.memref_squeeze %dma_wait3A_300 : memref<1x128x64xf32, #tpu.memory_space<vmem>> -> memref<128x64xf32, #tpu.memory_space<vmem>>
        %dma_wait3A_302 = arith.constant 0 : i32
        %dma_wait3A_303 = tpu.memref_slice %arg7[%add3A_267, %dma_wait3A_302] : memref<80x128xi32, #tpu.memory_space<vmem>> -> memref<1x128xi32, #tpu.memory_space<vmem>>
        %dma_wait3A_304 = tpu.memref_squeeze %dma_wait3A_303 : memref<1x128xi32, #tpu.memory_space<vmem>> -> memref<128xi32, #tpu.memory_space<vmem>>
        %dma_wait3A_305 = arith.constant 0 : i32
        %dma_wait3A_306 = arith.constant 0 : i32
        %dma_wait3A_307 = tpu.memref_slice %arg9[%dma_wait3A_305, %dma_wait3A_306] : memref<10240x64xf32, #tpu.memory_space<vmem_shared>> -> memref<10240x64xf32, #tpu.memory_space<vmem_shared>>
        tpu.wait_indirect_dma semaphore(%run_scoped3A_287 : memref<!tpu.dma_semaphore, #tpu.memory_space<semaphore_mem>>) src(%dma_wait3A_301 : memref<128x64xf32, #tpu.memory_space<vmem>>) dst(%dma_wait3A_307 : memref<10240x64xf32, #tpu.memory_space<vmem_shared>>)
        tpu.yield
      }) : () -> ()
      %add3A_280 = arith.constant 8 : i32
      %add3A_281 = arith.addi %add3A_267, %add3A_280 : i32
      %lt3A_282 = arith.constant 80 : i32
      %lt3A_283 = arith.cmpi slt, %add3A_281, %lt3A_282 : i32
      %convert_element_type3A_284 = arith.extui %lt3A_283 : i1 to i32
      %cond3A_285 = arith.constant 0 : i32
      %cond3A_286 = arith.cmpi ne, %convert_element_type3A_284, %cond3A_285 : i32
      scf.if %cond3A_286 {
        %add3A_287 = arith.constant 8 : i32
        %add3A_288 = arith.addi %add3A_267, %add3A_287 : i32
        %dma_start3A_289 = arith.constant 7 : i32
        %dma_start3A_290 = arith.constant 0 : i32
        %dma_start3A_291 = arith.constant 0 : i32
        %dma_start3A_292 = tpu.memref_slice %arg8[%dma_start3A_289, %dma_start3A_290, %dma_start3A_291] : memref<8x128x64xf32, #tpu.memory_space<vmem>> -> memref<1x128x64xf32, #tpu.memory_space<vmem>>
        %dma_start3A_293 = tpu.memref_squeeze %dma_start3A_292 : memref<1x128x64xf32, #tpu.memory_space<vmem>> -> memref<128x64xf32, #tpu.memory_space<vmem>>
        %dma_start3A_294 = arith.constant 0 : i32
        %dma_start3A_295 = tpu.memref_slice %arg6[%add3A_288, %dma_start3A_294] : memref<80x128xi32, #tpu.memory_space<vmem>> -> memref<1x128xi32, #tpu.memory_space<vmem>>
        %dma_start3A_296 = tpu.memref_squeeze %dma_start3A_295 : memref<1x128xi32, #tpu.memory_space<vmem>> -> memref<128xi32, #tpu.memory_space<vmem>>
        %dma_start3A_297 = arith.constant 0 : i32
        %dma_start3A_298 = arith.constant 0 : i32
        %dma_start3A_299 = tpu.memref_slice %arg2[%dma_start3A_297, %dma_start3A_298] : memref<20480x64xf32, #tpu.memory_space<hbm>> -> memref<20480x64xf32, #tpu.memory_space<hbm>>
        tpu.enqueue_indirect_dma source(%dma_start3A_299 : memref<20480x64xf32, #tpu.memory_space<hbm>>) target(%dma_start3A_293 : memref<128x64xf32, #tpu.memory_space<vmem>>) offsets(%dma_start3A_296 : memref<128xi32, #tpu.memory_space<vmem>>) semaphore(%arg17 : memref<!tpu.dma_semaphore, #tpu.memory_space<semaphore_mem>>)
      } else {
      }
    }
    %scan3A_105 = arith.constant 10 : i32
    %barrier3A_106 = arith.constant 0 : index
    tpu.barrier barrier_id(%barrier3A_106)
    "tpu.region"() ({
      %run_scoped3A = tpu.sem_alloc : memref<!tpu.dma_semaphore, #tpu.memory_space<semaphore_mem>>
      %dma_start3A_107 = arith.constant 0 : i32
      %dma_start3A_108 = tpu.memref_slice %arg5[%arg0, %multiple_of3A_98, %dma_start3A_107] : memref<2x10240x64xf32, #tpu.memory_space<hbm>> -> memref<1x640x64xf32, #tpu.memory_space<hbm>>
      %dma_start3A_109 = tpu.memref_squeeze %dma_start3A_108 : memref<1x640x64xf32, #tpu.memory_space<hbm>> -> memref<640x64xf32, #tpu.memory_space<hbm>>
      %dma_start3A_110 = arith.constant 0 : i32
      %dma_start3A_111 = tpu.memref_slice %arg9[%multiple_of3A_98, %dma_start3A_110] : memref<10240x64xf32, #tpu.memory_space<vmem_shared>> -> memref<640x64xf32, #tpu.memory_space<vmem_shared>>
      tpu.enqueue_dma source(%dma_start3A_111 : memref<640x64xf32, #tpu.memory_space<vmem_shared>>) target(%dma_start3A_109 : memref<640x64xf32, #tpu.memory_space<hbm>>) target_semaphore(%run_scoped3A : memref<!tpu.dma_semaphore, #tpu.memory_space<semaphore_mem>>)
      %dma_wait3A = arith.constant 0 : i32
      %dma_wait3A_112 = tpu.memref_slice %arg5[%arg0, %multiple_of3A_98, %dma_wait3A] : memref<2x10240x64xf32, #tpu.memory_space<hbm>> -> memref<1x640x64xf32, #tpu.memory_space<hbm>>
      %dma_wait3A_113 = tpu.memref_squeeze %dma_wait3A_112 : memref<1x640x64xf32, #tpu.memory_space<hbm>> -> memref<640x64xf32, #tpu.memory_space<hbm>>
      %dma_wait3A_114 = arith.constant 0 : i32
      %dma_wait3A_115 = tpu.memref_slice %arg9[%multiple_of3A_98, %dma_wait3A_114] : memref<10240x64xf32, #tpu.memory_space<vmem_shared>> -> memref<640x64xf32, #tpu.memory_space<vmem_shared>>
      tpu.wait_dma2 semaphore(%run_scoped3A : memref<!tpu.dma_semaphore, #tpu.memory_space<semaphore_mem>>) src(%dma_wait3A_115 : memref<640x64xf32, #tpu.memory_space<vmem_shared>>) dst(%dma_wait3A_113 : memref<640x64xf32, #tpu.memory_space<hbm>>)
      tpu.yield
    }) : () -> ()
    return
  }
}

#map = affine_map<(d0, d1) -> (0, 0)>
#map1 = affine_map<(d0, d1) -> (0, 0, 0)>
module attributes {stable_mosaic.version = 14 : i64} {
  func.func @_agg_kernel(%arg0: i32, %arg1: i32, %arg2: memref<20480x32xf32, #tpu.memory_space<hbm>>, %arg3: memref<2x1280x128xi32, #tpu.memory_space<hbm>>, %arg4: memref<1280x128xi32, #tpu.memory_space<hbm>>, %arg5: memref<2x10240x32xf32, #tpu.memory_space<hbm>>, %arg6: memref<80x128xi32, #tpu.memory_space<vmem>>, %arg7: memref<80x128xi32, #tpu.memory_space<vmem>>, %arg8: memref<8x128x32xf32, #tpu.memory_space<vmem>>, %arg9: memref<10240x32xf32, #tpu.memory_space<vmem_shared>>, %arg10: memref<!tpu.dma_semaphore, #tpu.memory_space<semaphore_mem>>, %arg11: memref<!tpu.dma_semaphore, #tpu.memory_space<semaphore_mem>>, %arg12: memref<!tpu.dma_semaphore, #tpu.memory_space<semaphore_mem>>, %arg13: memref<!tpu.dma_semaphore, #tpu.memory_space<semaphore_mem>>, %arg14: memref<!tpu.dma_semaphore, #tpu.memory_space<semaphore_mem>>, %arg15: memref<!tpu.dma_semaphore, #tpu.memory_space<semaphore_mem>>, %arg16: memref<!tpu.dma_semaphore, #tpu.memory_space<semaphore_mem>>, %arg17: memref<!tpu.dma_semaphore, #tpu.memory_space<semaphore_mem>>) attributes {dimension_semantics = [#tpu.dimension_semantics<core_parallel>, #tpu.dimension_semantics<subcore_parallel>], iteration_bounds = array<i64: 2, 16>, scalar_prefetch = 0 : i64, scratch_operands = 12 : i64, tpu.core_type = #tpu.core_type<sc_vector_subcore>, window_params = [{transform_indices = #map}, {transform_indices = #map1}, {transform_indices = #map}, {transform_indices = #map1}]} {
    %mul3A = arith.constant 80 : i32
    %mul3A_0 = arith.muli %arg1, %mul3A : i32
    %multiple_of3A = tpu.assume_multiple %mul3A_0, 80 : i32
    "tpu.region"() ({
      %run_scoped3A = tpu.sem_alloc : memref<!tpu.dma_semaphore, #tpu.memory_space<semaphore_mem>>
      %dma_start3A_107 = arith.constant 0 : i32
      %dma_start3A_108 = tpu.memref_slice %arg3[%arg0, %multiple_of3A, %dma_start3A_107] : memref<2x1280x128xi32, #tpu.memory_space<hbm>> -> memref<1x80x128xi32, #tpu.memory_space<hbm>>
      %dma_start3A_109 = tpu.memref_squeeze %dma_start3A_108 : memref<1x80x128xi32, #tpu.memory_space<hbm>> -> memref<80x128xi32, #tpu.memory_space<hbm>>
      %dma_start3A_110 = arith.constant 0 : i32
      %dma_start3A_111 = tpu.memref_slice %arg3[%arg0, %multiple_of3A, %dma_start3A_110] : memref<2x1280x128xi32, #tpu.memory_space<hbm>> -> memref<1x80x128xi32, #tpu.memory_space<hbm>>
      %dma_start3A_112 = tpu.memref_squeeze %dma_start3A_111 : memref<1x80x128xi32, #tpu.memory_space<hbm>> -> memref<80x128xi32, #tpu.memory_space<hbm>>
      tpu.enqueue_dma source(%dma_start3A_112 : memref<80x128xi32, #tpu.memory_space<hbm>>) target(%arg6 : memref<80x128xi32, #tpu.memory_space<vmem>>) target_semaphore(%run_scoped3A : memref<!tpu.dma_semaphore, #tpu.memory_space<semaphore_mem>>)
      %dma_wait3A = arith.constant 0 : i32
      %dma_wait3A_113 = tpu.memref_slice %arg3[%arg0, %multiple_of3A, %dma_wait3A] : memref<2x1280x128xi32, #tpu.memory_space<hbm>> -> memref<1x80x128xi32, #tpu.memory_space<hbm>>
      %dma_wait3A_114 = tpu.memref_squeeze %dma_wait3A_113 : memref<1x80x128xi32, #tpu.memory_space<hbm>> -> memref<80x128xi32, #tpu.memory_space<hbm>>
      %dma_wait3A_115 = arith.constant 0 : i32
      %dma_wait3A_116 = tpu.memref_slice %arg3[%arg0, %multiple_of3A, %dma_wait3A_115] : memref<2x1280x128xi32, #tpu.memory_space<hbm>> -> memref<1x80x128xi32, #tpu.memory_space<hbm>>
      %dma_wait3A_117 = tpu.memref_squeeze %dma_wait3A_116 : memref<1x80x128xi32, #tpu.memory_space<hbm>> -> memref<80x128xi32, #tpu.memory_space<hbm>>
      tpu.wait_dma2 semaphore(%run_scoped3A : memref<!tpu.dma_semaphore, #tpu.memory_space<semaphore_mem>>) src(%dma_wait3A_117 : memref<80x128xi32, #tpu.memory_space<hbm>>) dst(%arg6 : memref<80x128xi32, #tpu.memory_space<vmem>>)
      tpu.yield
    }) : () -> ()
    "tpu.region"() ({
      %run_scoped3A = tpu.sem_alloc : memref<!tpu.dma_semaphore, #tpu.memory_space<semaphore_mem>>
      %dma_start3A_107 = arith.constant 0 : i32
      %dma_start3A_108 = tpu.memref_slice %arg4[%multiple_of3A, %dma_start3A_107] : memref<1280x128xi32, #tpu.memory_space<hbm>> -> memref<80x128xi32, #tpu.memory_space<hbm>>
      %dma_start3A_109 = arith.constant 0 : i32
      %dma_start3A_110 = tpu.memref_slice %arg4[%multiple_of3A, %dma_start3A_109] : memref<1280x128xi32, #tpu.memory_space<hbm>> -> memref<80x128xi32, #tpu.memory_space<hbm>>
      tpu.enqueue_dma source(%dma_start3A_110 : memref<80x128xi32, #tpu.memory_space<hbm>>) target(%arg7 : memref<80x128xi32, #tpu.memory_space<vmem>>) target_semaphore(%run_scoped3A : memref<!tpu.dma_semaphore, #tpu.memory_space<semaphore_mem>>)
      %dma_wait3A = arith.constant 0 : i32
      %dma_wait3A_111 = tpu.memref_slice %arg4[%multiple_of3A, %dma_wait3A] : memref<1280x128xi32, #tpu.memory_space<hbm>> -> memref<80x128xi32, #tpu.memory_space<hbm>>
      %dma_wait3A_112 = arith.constant 0 : i32
      %dma_wait3A_113 = tpu.memref_slice %arg4[%multiple_of3A, %dma_wait3A_112] : memref<1280x128xi32, #tpu.memory_space<hbm>> -> memref<80x128xi32, #tpu.memory_space<hbm>>
      tpu.wait_dma2 semaphore(%run_scoped3A : memref<!tpu.dma_semaphore, #tpu.memory_space<semaphore_mem>>) src(%dma_wait3A_113 : memref<80x128xi32, #tpu.memory_space<hbm>>) dst(%arg7 : memref<80x128xi32, #tpu.memory_space<vmem>>)
      tpu.yield
    }) : () -> ()
    %dma_start3A = arith.constant 0 : i32
    %dma_start3A_1 = arith.constant 0 : i32
    %dma_start3A_2 = arith.constant 0 : i32
    %dma_start3A_3 = arith.constant 0 : i32
    %dma_start3A_4 = tpu.memref_slice %arg8[%dma_start3A_1, %dma_start3A_2, %dma_start3A_3] : memref<8x128x32xf32, #tpu.memory_space<vmem>> -> memref<1x128x32xf32, #tpu.memory_space<vmem>>
    %dma_start3A_5 = tpu.memref_squeeze %dma_start3A_4 : memref<1x128x32xf32, #tpu.memory_space<vmem>> -> memref<128x32xf32, #tpu.memory_space<vmem>>
    %dma_start3A_6 = arith.constant 0 : i32
    %dma_start3A_7 = tpu.memref_slice %arg6[%dma_start3A, %dma_start3A_6] : memref<80x128xi32, #tpu.memory_space<vmem>> -> memref<1x128xi32, #tpu.memory_space<vmem>>
    %dma_start3A_8 = tpu.memref_squeeze %dma_start3A_7 : memref<1x128xi32, #tpu.memory_space<vmem>> -> memref<128xi32, #tpu.memory_space<vmem>>
    %dma_start3A_9 = arith.constant 0 : i32
    %dma_start3A_10 = arith.constant 0 : i32
    %dma_start3A_11 = tpu.memref_slice %arg2[%dma_start3A_9, %dma_start3A_10] : memref<20480x32xf32, #tpu.memory_space<hbm>> -> memref<20480x32xf32, #tpu.memory_space<hbm>>
    tpu.enqueue_indirect_dma source(%dma_start3A_11 : memref<20480x32xf32, #tpu.memory_space<hbm>>) target(%dma_start3A_5 : memref<128x32xf32, #tpu.memory_space<vmem>>) offsets(%dma_start3A_8 : memref<128xi32, #tpu.memory_space<vmem>>) semaphore(%arg10 : memref<!tpu.dma_semaphore, #tpu.memory_space<semaphore_mem>>)
    %dma_start3A_12 = arith.constant 1 : i32
    %dma_start3A_13 = arith.constant 1 : i32
    %dma_start3A_14 = arith.constant 0 : i32
    %dma_start3A_15 = arith.constant 0 : i32
    %dma_start3A_16 = tpu.memref_slice %arg8[%dma_start3A_13, %dma_start3A_14, %dma_start3A_15] : memref<8x128x32xf32, #tpu.memory_space<vmem>> -> memref<1x128x32xf32, #tpu.memory_space<vmem>>
    %dma_start3A_17 = tpu.memref_squeeze %dma_start3A_16 : memref<1x128x32xf32, #tpu.memory_space<vmem>> -> memref<128x32xf32, #tpu.memory_space<vmem>>
    %dma_start3A_18 = arith.constant 0 : i32
    %dma_start3A_19 = tpu.memref_slice %arg6[%dma_start3A_12, %dma_start3A_18] : memref<80x128xi32, #tpu.memory_space<vmem>> -> memref<1x128xi32, #tpu.memory_space<vmem>>
    %dma_start3A_20 = tpu.memref_squeeze %dma_start3A_19 : memref<1x128xi32, #tpu.memory_space<vmem>> -> memref<128xi32, #tpu.memory_space<vmem>>
    %dma_start3A_21 = arith.constant 0 : i32
    %dma_start3A_22 = arith.constant 0 : i32
    %dma_start3A_23 = tpu.memref_slice %arg2[%dma_start3A_21, %dma_start3A_22] : memref<20480x32xf32, #tpu.memory_space<hbm>> -> memref<20480x32xf32, #tpu.memory_space<hbm>>
    tpu.enqueue_indirect_dma source(%dma_start3A_23 : memref<20480x32xf32, #tpu.memory_space<hbm>>) target(%dma_start3A_17 : memref<128x32xf32, #tpu.memory_space<vmem>>) offsets(%dma_start3A_20 : memref<128xi32, #tpu.memory_space<vmem>>) semaphore(%arg11 : memref<!tpu.dma_semaphore, #tpu.memory_space<semaphore_mem>>)
    %dma_start3A_24 = arith.constant 2 : i32
    %dma_start3A_25 = arith.constant 2 : i32
    %dma_start3A_26 = arith.constant 0 : i32
    %dma_start3A_27 = arith.constant 0 : i32
    %dma_start3A_28 = tpu.memref_slice %arg8[%dma_start3A_25, %dma_start3A_26, %dma_start3A_27] : memref<8x128x32xf32, #tpu.memory_space<vmem>> -> memref<1x128x32xf32, #tpu.memory_space<vmem>>
    %dma_start3A_29 = tpu.memref_squeeze %dma_start3A_28 : memref<1x128x32xf32, #tpu.memory_space<vmem>> -> memref<128x32xf32, #tpu.memory_space<vmem>>
    %dma_start3A_30 = arith.constant 0 : i32
    %dma_start3A_31 = tpu.memref_slice %arg6[%dma_start3A_24, %dma_start3A_30] : memref<80x128xi32, #tpu.memory_space<vmem>> -> memref<1x128xi32, #tpu.memory_space<vmem>>
    %dma_start3A_32 = tpu.memref_squeeze %dma_start3A_31 : memref<1x128xi32, #tpu.memory_space<vmem>> -> memref<128xi32, #tpu.memory_space<vmem>>
    %dma_start3A_33 = arith.constant 0 : i32
    %dma_start3A_34 = arith.constant 0 : i32
    %dma_start3A_35 = tpu.memref_slice %arg2[%dma_start3A_33, %dma_start3A_34] : memref<20480x32xf32, #tpu.memory_space<hbm>> -> memref<20480x32xf32, #tpu.memory_space<hbm>>
    tpu.enqueue_indirect_dma source(%dma_start3A_35 : memref<20480x32xf32, #tpu.memory_space<hbm>>) target(%dma_start3A_29 : memref<128x32xf32, #tpu.memory_space<vmem>>) offsets(%dma_start3A_32 : memref<128xi32, #tpu.memory_space<vmem>>) semaphore(%arg12 : memref<!tpu.dma_semaphore, #tpu.memory_space<semaphore_mem>>)
    %dma_start3A_36 = arith.constant 3 : i32
    %dma_start3A_37 = arith.constant 3 : i32
    %dma_start3A_38 = arith.constant 0 : i32
    %dma_start3A_39 = arith.constant 0 : i32
    %dma_start3A_40 = tpu.memref_slice %arg8[%dma_start3A_37, %dma_start3A_38, %dma_start3A_39] : memref<8x128x32xf32, #tpu.memory_space<vmem>> -> memref<1x128x32xf32, #tpu.memory_space<vmem>>
    %dma_start3A_41 = tpu.memref_squeeze %dma_start3A_40 : memref<1x128x32xf32, #tpu.memory_space<vmem>> -> memref<128x32xf32, #tpu.memory_space<vmem>>
    %dma_start3A_42 = arith.constant 0 : i32
    %dma_start3A_43 = tpu.memref_slice %arg6[%dma_start3A_36, %dma_start3A_42] : memref<80x128xi32, #tpu.memory_space<vmem>> -> memref<1x128xi32, #tpu.memory_space<vmem>>
    %dma_start3A_44 = tpu.memref_squeeze %dma_start3A_43 : memref<1x128xi32, #tpu.memory_space<vmem>> -> memref<128xi32, #tpu.memory_space<vmem>>
    %dma_start3A_45 = arith.constant 0 : i32
    %dma_start3A_46 = arith.constant 0 : i32
    %dma_start3A_47 = tpu.memref_slice %arg2[%dma_start3A_45, %dma_start3A_46] : memref<20480x32xf32, #tpu.memory_space<hbm>> -> memref<20480x32xf32, #tpu.memory_space<hbm>>
    tpu.enqueue_indirect_dma source(%dma_start3A_47 : memref<20480x32xf32, #tpu.memory_space<hbm>>) target(%dma_start3A_41 : memref<128x32xf32, #tpu.memory_space<vmem>>) offsets(%dma_start3A_44 : memref<128xi32, #tpu.memory_space<vmem>>) semaphore(%arg13 : memref<!tpu.dma_semaphore, #tpu.memory_space<semaphore_mem>>)
    %dma_start3A_48 = arith.constant 4 : i32
    %dma_start3A_49 = arith.constant 4 : i32
    %dma_start3A_50 = arith.constant 0 : i32
    %dma_start3A_51 = arith.constant 0 : i32
    %dma_start3A_52 = tpu.memref_slice %arg8[%dma_start3A_49, %dma_start3A_50, %dma_start3A_51] : memref<8x128x32xf32, #tpu.memory_space<vmem>> -> memref<1x128x32xf32, #tpu.memory_space<vmem>>
    %dma_start3A_53 = tpu.memref_squeeze %dma_start3A_52 : memref<1x128x32xf32, #tpu.memory_space<vmem>> -> memref<128x32xf32, #tpu.memory_space<vmem>>
    %dma_start3A_54 = arith.constant 0 : i32
    %dma_start3A_55 = tpu.memref_slice %arg6[%dma_start3A_48, %dma_start3A_54] : memref<80x128xi32, #tpu.memory_space<vmem>> -> memref<1x128xi32, #tpu.memory_space<vmem>>
    %dma_start3A_56 = tpu.memref_squeeze %dma_start3A_55 : memref<1x128xi32, #tpu.memory_space<vmem>> -> memref<128xi32, #tpu.memory_space<vmem>>
    %dma_start3A_57 = arith.constant 0 : i32
    %dma_start3A_58 = arith.constant 0 : i32
    %dma_start3A_59 = tpu.memref_slice %arg2[%dma_start3A_57, %dma_start3A_58] : memref<20480x32xf32, #tpu.memory_space<hbm>> -> memref<20480x32xf32, #tpu.memory_space<hbm>>
    tpu.enqueue_indirect_dma source(%dma_start3A_59 : memref<20480x32xf32, #tpu.memory_space<hbm>>) target(%dma_start3A_53 : memref<128x32xf32, #tpu.memory_space<vmem>>) offsets(%dma_start3A_56 : memref<128xi32, #tpu.memory_space<vmem>>) semaphore(%arg14 : memref<!tpu.dma_semaphore, #tpu.memory_space<semaphore_mem>>)
    %dma_start3A_60 = arith.constant 5 : i32
    %dma_start3A_61 = arith.constant 5 : i32
    %dma_start3A_62 = arith.constant 0 : i32
    %dma_start3A_63 = arith.constant 0 : i32
    %dma_start3A_64 = tpu.memref_slice %arg8[%dma_start3A_61, %dma_start3A_62, %dma_start3A_63] : memref<8x128x32xf32, #tpu.memory_space<vmem>> -> memref<1x128x32xf32, #tpu.memory_space<vmem>>
    %dma_start3A_65 = tpu.memref_squeeze %dma_start3A_64 : memref<1x128x32xf32, #tpu.memory_space<vmem>> -> memref<128x32xf32, #tpu.memory_space<vmem>>
    %dma_start3A_66 = arith.constant 0 : i32
    %dma_start3A_67 = tpu.memref_slice %arg6[%dma_start3A_60, %dma_start3A_66] : memref<80x128xi32, #tpu.memory_space<vmem>> -> memref<1x128xi32, #tpu.memory_space<vmem>>
    %dma_start3A_68 = tpu.memref_squeeze %dma_start3A_67 : memref<1x128xi32, #tpu.memory_space<vmem>> -> memref<128xi32, #tpu.memory_space<vmem>>
    %dma_start3A_69 = arith.constant 0 : i32
    %dma_start3A_70 = arith.constant 0 : i32
    %dma_start3A_71 = tpu.memref_slice %arg2[%dma_start3A_69, %dma_start3A_70] : memref<20480x32xf32, #tpu.memory_space<hbm>> -> memref<20480x32xf32, #tpu.memory_space<hbm>>
    tpu.enqueue_indirect_dma source(%dma_start3A_71 : memref<20480x32xf32, #tpu.memory_space<hbm>>) target(%dma_start3A_65 : memref<128x32xf32, #tpu.memory_space<vmem>>) offsets(%dma_start3A_68 : memref<128xi32, #tpu.memory_space<vmem>>) semaphore(%arg15 : memref<!tpu.dma_semaphore, #tpu.memory_space<semaphore_mem>>)
    %dma_start3A_72 = arith.constant 6 : i32
    %dma_start3A_73 = arith.constant 6 : i32
    %dma_start3A_74 = arith.constant 0 : i32
    %dma_start3A_75 = arith.constant 0 : i32
    %dma_start3A_76 = tpu.memref_slice %arg8[%dma_start3A_73, %dma_start3A_74, %dma_start3A_75] : memref<8x128x32xf32, #tpu.memory_space<vmem>> -> memref<1x128x32xf32, #tpu.memory_space<vmem>>
    %dma_start3A_77 = tpu.memref_squeeze %dma_start3A_76 : memref<1x128x32xf32, #tpu.memory_space<vmem>> -> memref<128x32xf32, #tpu.memory_space<vmem>>
    %dma_start3A_78 = arith.constant 0 : i32
    %dma_start3A_79 = tpu.memref_slice %arg6[%dma_start3A_72, %dma_start3A_78] : memref<80x128xi32, #tpu.memory_space<vmem>> -> memref<1x128xi32, #tpu.memory_space<vmem>>
    %dma_start3A_80 = tpu.memref_squeeze %dma_start3A_79 : memref<1x128xi32, #tpu.memory_space<vmem>> -> memref<128xi32, #tpu.memory_space<vmem>>
    %dma_start3A_81 = arith.constant 0 : i32
    %dma_start3A_82 = arith.constant 0 : i32
    %dma_start3A_83 = tpu.memref_slice %arg2[%dma_start3A_81, %dma_start3A_82] : memref<20480x32xf32, #tpu.memory_space<hbm>> -> memref<20480x32xf32, #tpu.memory_space<hbm>>
    tpu.enqueue_indirect_dma source(%dma_start3A_83 : memref<20480x32xf32, #tpu.memory_space<hbm>>) target(%dma_start3A_77 : memref<128x32xf32, #tpu.memory_space<vmem>>) offsets(%dma_start3A_80 : memref<128xi32, #tpu.memory_space<vmem>>) semaphore(%arg16 : memref<!tpu.dma_semaphore, #tpu.memory_space<semaphore_mem>>)
    %dma_start3A_84 = arith.constant 7 : i32
    %dma_start3A_85 = arith.constant 7 : i32
    %dma_start3A_86 = arith.constant 0 : i32
    %dma_start3A_87 = arith.constant 0 : i32
    %dma_start3A_88 = tpu.memref_slice %arg8[%dma_start3A_85, %dma_start3A_86, %dma_start3A_87] : memref<8x128x32xf32, #tpu.memory_space<vmem>> -> memref<1x128x32xf32, #tpu.memory_space<vmem>>
    %dma_start3A_89 = tpu.memref_squeeze %dma_start3A_88 : memref<1x128x32xf32, #tpu.memory_space<vmem>> -> memref<128x32xf32, #tpu.memory_space<vmem>>
    %dma_start3A_90 = arith.constant 0 : i32
    %dma_start3A_91 = tpu.memref_slice %arg6[%dma_start3A_84, %dma_start3A_90] : memref<80x128xi32, #tpu.memory_space<vmem>> -> memref<1x128xi32, #tpu.memory_space<vmem>>
    %dma_start3A_92 = tpu.memref_squeeze %dma_start3A_91 : memref<1x128xi32, #tpu.memory_space<vmem>> -> memref<128xi32, #tpu.memory_space<vmem>>
    %dma_start3A_93 = arith.constant 0 : i32
    %dma_start3A_94 = arith.constant 0 : i32
    %dma_start3A_95 = tpu.memref_slice %arg2[%dma_start3A_93, %dma_start3A_94] : memref<20480x32xf32, #tpu.memory_space<hbm>> -> memref<20480x32xf32, #tpu.memory_space<hbm>>
    tpu.enqueue_indirect_dma source(%dma_start3A_95 : memref<20480x32xf32, #tpu.memory_space<hbm>>) target(%dma_start3A_89 : memref<128x32xf32, #tpu.memory_space<vmem>>) offsets(%dma_start3A_92 : memref<128xi32, #tpu.memory_space<vmem>>) semaphore(%arg17 : memref<!tpu.dma_semaphore, #tpu.memory_space<semaphore_mem>>)
    %mul3A_96 = arith.constant 640 : i32
    %mul3A_97 = arith.muli %arg1, %mul3A_96 : i32
    %multiple_of3A_98 = tpu.assume_multiple %mul3A_97, 640 : i32
    %mul3A_99 = arith.constant 10240 : i32
    %mul3A_100 = arith.muli %arg0, %mul3A_99 : i32
    %add3A = arith.addi %mul3A_100, %multiple_of3A_98 : i32
    "tpu.region"() ({
      %run_scoped3A = tpu.sem_alloc : memref<!tpu.dma_semaphore, #tpu.memory_space<semaphore_mem>>
      %dma_start3A_107 = arith.constant 0 : i32
      %dma_start3A_108 = tpu.memref_slice %arg9[%multiple_of3A_98, %dma_start3A_107] : memref<10240x32xf32, #tpu.memory_space<vmem_shared>> -> memref<640x32xf32, #tpu.memory_space<vmem_shared>>
      %dma_start3A_109 = arith.constant 0 : i32
      %dma_start3A_110 = tpu.memref_slice %arg2[%add3A, %dma_start3A_109] : memref<20480x32xf32, #tpu.memory_space<hbm>> -> memref<640x32xf32, #tpu.memory_space<hbm>>
      tpu.enqueue_dma source(%dma_start3A_110 : memref<640x32xf32, #tpu.memory_space<hbm>>) target(%dma_start3A_108 : memref<640x32xf32, #tpu.memory_space<vmem_shared>>) target_semaphore(%run_scoped3A : memref<!tpu.dma_semaphore, #tpu.memory_space<semaphore_mem>>)
      %dma_wait3A = arith.constant 0 : i32
      %dma_wait3A_111 = tpu.memref_slice %arg9[%multiple_of3A_98, %dma_wait3A] : memref<10240x32xf32, #tpu.memory_space<vmem_shared>> -> memref<640x32xf32, #tpu.memory_space<vmem_shared>>
      %dma_wait3A_112 = arith.constant 0 : i32
      %dma_wait3A_113 = tpu.memref_slice %arg2[%add3A, %dma_wait3A_112] : memref<20480x32xf32, #tpu.memory_space<hbm>> -> memref<640x32xf32, #tpu.memory_space<hbm>>
      tpu.wait_dma2 semaphore(%run_scoped3A : memref<!tpu.dma_semaphore, #tpu.memory_space<semaphore_mem>>) src(%dma_wait3A_113 : memref<640x32xf32, #tpu.memory_space<hbm>>) dst(%dma_wait3A_111 : memref<640x32xf32, #tpu.memory_space<vmem_shared>>)
      tpu.yield
    }) : () -> ()
    %barrier3A = arith.constant 0 : index
    tpu.barrier barrier_id(%barrier3A)
    %scan3A = arith.constant 0 : i32
    %scan3A_101 = arith.constant 0 : i32
    %scan3A_102 = arith.constant 10 : i32
    %scan3A_103 = arith.addi %scan3A_101, %scan3A_102 : i32
    %scan3A_104 = arith.constant 1 : i32
    scf.for %scan3A_107 = %scan3A_101 to %scan3A_103 step %scan3A_104  : i32 {
      %mul3A_108 = arith.constant 8 : i32
      %mul3A_109 = arith.muli %scan3A_107, %mul3A_108 : i32
      %add3A_110 = arith.constant 0 : i32
      %add3A_111 = arith.addi %mul3A_109, %add3A_110 : i32
      %dma_wait3A = arith.constant 0 : i32
      %dma_wait3A_112 = arith.constant 0 : i32
      %dma_wait3A_113 = arith.constant 0 : i32
      %dma_wait3A_114 = tpu.memref_slice %arg8[%dma_wait3A, %dma_wait3A_112, %dma_wait3A_113] : memref<8x128x32xf32, #tpu.memory_space<vmem>> -> memref<1x128x32xf32, #tpu.memory_space<vmem>>
      %dma_wait3A_115 = tpu.memref_squeeze %dma_wait3A_114 : memref<1x128x32xf32, #tpu.memory_space<vmem>> -> memref<128x32xf32, #tpu.memory_space<vmem>>
      %dma_wait3A_116 = arith.constant 0 : i32
      %dma_wait3A_117 = tpu.memref_slice %arg6[%add3A_111, %dma_wait3A_116] : memref<80x128xi32, #tpu.memory_space<vmem>> -> memref<1x128xi32, #tpu.memory_space<vmem>>
      %dma_wait3A_118 = tpu.memref_squeeze %dma_wait3A_117 : memref<1x128xi32, #tpu.memory_space<vmem>> -> memref<128xi32, #tpu.memory_space<vmem>>
      %dma_wait3A_119 = arith.constant 0 : i32
      %dma_wait3A_120 = arith.constant 0 : i32
      %dma_wait3A_121 = tpu.memref_slice %arg2[%dma_wait3A_119, %dma_wait3A_120] : memref<20480x32xf32, #tpu.memory_space<hbm>> -> memref<20480x32xf32, #tpu.memory_space<hbm>>
      tpu.wait_indirect_dma semaphore(%arg10 : memref<!tpu.dma_semaphore, #tpu.memory_space<semaphore_mem>>) src(%dma_wait3A_121 : memref<20480x32xf32, #tpu.memory_space<hbm>>) dst(%dma_wait3A_115 : memref<128x32xf32, #tpu.memory_space<vmem>>)
      %run_scoped3A = arith.constant 0 : i32
      "tpu.region"() ({
        %run_scoped3A_287 = tpu.sem_alloc : memref<!tpu.dma_semaphore, #tpu.memory_space<semaphore_mem>>
        %dma_start3A_288 = arith.constant 0 : i32
        %dma_start3A_289 = arith.constant 0 : i32
        %dma_start3A_290 = tpu.memref_slice %arg8[%run_scoped3A, %dma_start3A_288, %dma_start3A_289] : memref<8x128x32xf32, #tpu.memory_space<vmem>> -> memref<1x128x32xf32, #tpu.memory_space<vmem>>
        %dma_start3A_291 = tpu.memref_squeeze %dma_start3A_290 : memref<1x128x32xf32, #tpu.memory_space<vmem>> -> memref<128x32xf32, #tpu.memory_space<vmem>>
        %dma_start3A_292 = arith.constant 0 : i32
        %dma_start3A_293 = tpu.memref_slice %arg7[%add3A_111, %dma_start3A_292] : memref<80x128xi32, #tpu.memory_space<vmem>> -> memref<1x128xi32, #tpu.memory_space<vmem>>
        %dma_start3A_294 = tpu.memref_squeeze %dma_start3A_293 : memref<1x128xi32, #tpu.memory_space<vmem>> -> memref<128xi32, #tpu.memory_space<vmem>>
        %dma_start3A_295 = arith.constant 0 : i32
        %dma_start3A_296 = arith.constant 0 : i32
        %dma_start3A_297 = tpu.memref_slice %arg9[%dma_start3A_295, %dma_start3A_296] : memref<10240x32xf32, #tpu.memory_space<vmem_shared>> -> memref<10240x32xf32, #tpu.memory_space<vmem_shared>>
        tpu.enqueue_indirect_dma source(%dma_start3A_291 : memref<128x32xf32, #tpu.memory_space<vmem>>) target(%dma_start3A_297 : memref<10240x32xf32, #tpu.memory_space<vmem_shared>>) offsets(%dma_start3A_294 : memref<128xi32, #tpu.memory_space<vmem>>) semaphore(%run_scoped3A_287 : memref<!tpu.dma_semaphore, #tpu.memory_space<semaphore_mem>>) {add = true}
        %dma_wait3A_298 = arith.constant 0 : i32
        %dma_wait3A_299 = arith.constant 0 : i32
        %dma_wait3A_300 = tpu.memref_slice %arg8[%run_scoped3A, %dma_wait3A_298, %dma_wait3A_299] : memref<8x128x32xf32, #tpu.memory_space<vmem>> -> memref<1x128x32xf32, #tpu.memory_space<vmem>>
        %dma_wait3A_301 = tpu.memref_squeeze %dma_wait3A_300 : memref<1x128x32xf32, #tpu.memory_space<vmem>> -> memref<128x32xf32, #tpu.memory_space<vmem>>
        %dma_wait3A_302 = arith.constant 0 : i32
        %dma_wait3A_303 = tpu.memref_slice %arg7[%add3A_111, %dma_wait3A_302] : memref<80x128xi32, #tpu.memory_space<vmem>> -> memref<1x128xi32, #tpu.memory_space<vmem>>
        %dma_wait3A_304 = tpu.memref_squeeze %dma_wait3A_303 : memref<1x128xi32, #tpu.memory_space<vmem>> -> memref<128xi32, #tpu.memory_space<vmem>>
        %dma_wait3A_305 = arith.constant 0 : i32
        %dma_wait3A_306 = arith.constant 0 : i32
        %dma_wait3A_307 = tpu.memref_slice %arg9[%dma_wait3A_305, %dma_wait3A_306] : memref<10240x32xf32, #tpu.memory_space<vmem_shared>> -> memref<10240x32xf32, #tpu.memory_space<vmem_shared>>
        tpu.wait_indirect_dma semaphore(%run_scoped3A_287 : memref<!tpu.dma_semaphore, #tpu.memory_space<semaphore_mem>>) src(%dma_wait3A_301 : memref<128x32xf32, #tpu.memory_space<vmem>>) dst(%dma_wait3A_307 : memref<10240x32xf32, #tpu.memory_space<vmem_shared>>)
        tpu.yield
      }) : () -> ()
      %add3A_122 = arith.constant 8 : i32
      %add3A_123 = arith.addi %add3A_111, %add3A_122 : i32
      %lt3A = arith.constant 80 : i32
      %lt3A_124 = arith.cmpi slt, %add3A_123, %lt3A : i32
      %convert_element_type3A = arith.extui %lt3A_124 : i1 to i32
      %cond3A = arith.constant 0 : i32
      %cond3A_125 = arith.cmpi ne, %convert_element_type3A, %cond3A : i32
      scf.if %cond3A_125 {
        %add3A_287 = arith.constant 8 : i32
        %add3A_288 = arith.addi %add3A_111, %add3A_287 : i32
        %dma_start3A_289 = arith.constant 0 : i32
        %dma_start3A_290 = arith.constant 0 : i32
        %dma_start3A_291 = arith.constant 0 : i32
        %dma_start3A_292 = tpu.memref_slice %arg8[%dma_start3A_289, %dma_start3A_290, %dma_start3A_291] : memref<8x128x32xf32, #tpu.memory_space<vmem>> -> memref<1x128x32xf32, #tpu.memory_space<vmem>>
        %dma_start3A_293 = tpu.memref_squeeze %dma_start3A_292 : memref<1x128x32xf32, #tpu.memory_space<vmem>> -> memref<128x32xf32, #tpu.memory_space<vmem>>
        %dma_start3A_294 = arith.constant 0 : i32
        %dma_start3A_295 = tpu.memref_slice %arg6[%add3A_288, %dma_start3A_294] : memref<80x128xi32, #tpu.memory_space<vmem>> -> memref<1x128xi32, #tpu.memory_space<vmem>>
        %dma_start3A_296 = tpu.memref_squeeze %dma_start3A_295 : memref<1x128xi32, #tpu.memory_space<vmem>> -> memref<128xi32, #tpu.memory_space<vmem>>
        %dma_start3A_297 = arith.constant 0 : i32
        %dma_start3A_298 = arith.constant 0 : i32
        %dma_start3A_299 = tpu.memref_slice %arg2[%dma_start3A_297, %dma_start3A_298] : memref<20480x32xf32, #tpu.memory_space<hbm>> -> memref<20480x32xf32, #tpu.memory_space<hbm>>
        tpu.enqueue_indirect_dma source(%dma_start3A_299 : memref<20480x32xf32, #tpu.memory_space<hbm>>) target(%dma_start3A_293 : memref<128x32xf32, #tpu.memory_space<vmem>>) offsets(%dma_start3A_296 : memref<128xi32, #tpu.memory_space<vmem>>) semaphore(%arg10 : memref<!tpu.dma_semaphore, #tpu.memory_space<semaphore_mem>>)
      } else {
      }
      %mul3A_126 = arith.constant 8 : i32
      %mul3A_127 = arith.muli %scan3A_107, %mul3A_126 : i32
      %add3A_128 = arith.constant 1 : i32
      %add3A_129 = arith.addi %mul3A_127, %add3A_128 : i32
      %dma_wait3A_130 = arith.constant 1 : i32
      %dma_wait3A_131 = arith.constant 0 : i32
      %dma_wait3A_132 = arith.constant 0 : i32
      %dma_wait3A_133 = tpu.memref_slice %arg8[%dma_wait3A_130, %dma_wait3A_131, %dma_wait3A_132] : memref<8x128x32xf32, #tpu.memory_space<vmem>> -> memref<1x128x32xf32, #tpu.memory_space<vmem>>
      %dma_wait3A_134 = tpu.memref_squeeze %dma_wait3A_133 : memref<1x128x32xf32, #tpu.memory_space<vmem>> -> memref<128x32xf32, #tpu.memory_space<vmem>>
      %dma_wait3A_135 = arith.constant 0 : i32
      %dma_wait3A_136 = tpu.memref_slice %arg6[%add3A_129, %dma_wait3A_135] : memref<80x128xi32, #tpu.memory_space<vmem>> -> memref<1x128xi32, #tpu.memory_space<vmem>>
      %dma_wait3A_137 = tpu.memref_squeeze %dma_wait3A_136 : memref<1x128xi32, #tpu.memory_space<vmem>> -> memref<128xi32, #tpu.memory_space<vmem>>
      %dma_wait3A_138 = arith.constant 0 : i32
      %dma_wait3A_139 = arith.constant 0 : i32
      %dma_wait3A_140 = tpu.memref_slice %arg2[%dma_wait3A_138, %dma_wait3A_139] : memref<20480x32xf32, #tpu.memory_space<hbm>> -> memref<20480x32xf32, #tpu.memory_space<hbm>>
      tpu.wait_indirect_dma semaphore(%arg11 : memref<!tpu.dma_semaphore, #tpu.memory_space<semaphore_mem>>) src(%dma_wait3A_140 : memref<20480x32xf32, #tpu.memory_space<hbm>>) dst(%dma_wait3A_134 : memref<128x32xf32, #tpu.memory_space<vmem>>)
      %run_scoped3A_141 = arith.constant 1 : i32
      "tpu.region"() ({
        %run_scoped3A_287 = tpu.sem_alloc : memref<!tpu.dma_semaphore, #tpu.memory_space<semaphore_mem>>
        %dma_start3A_288 = arith.constant 0 : i32
        %dma_start3A_289 = arith.constant 0 : i32
        %dma_start3A_290 = tpu.memref_slice %arg8[%run_scoped3A_141, %dma_start3A_288, %dma_start3A_289] : memref<8x128x32xf32, #tpu.memory_space<vmem>> -> memref<1x128x32xf32, #tpu.memory_space<vmem>>
        %dma_start3A_291 = tpu.memref_squeeze %dma_start3A_290 : memref<1x128x32xf32, #tpu.memory_space<vmem>> -> memref<128x32xf32, #tpu.memory_space<vmem>>
        %dma_start3A_292 = arith.constant 0 : i32
        %dma_start3A_293 = tpu.memref_slice %arg7[%add3A_129, %dma_start3A_292] : memref<80x128xi32, #tpu.memory_space<vmem>> -> memref<1x128xi32, #tpu.memory_space<vmem>>
        %dma_start3A_294 = tpu.memref_squeeze %dma_start3A_293 : memref<1x128xi32, #tpu.memory_space<vmem>> -> memref<128xi32, #tpu.memory_space<vmem>>
        %dma_start3A_295 = arith.constant 0 : i32
        %dma_start3A_296 = arith.constant 0 : i32
        %dma_start3A_297 = tpu.memref_slice %arg9[%dma_start3A_295, %dma_start3A_296] : memref<10240x32xf32, #tpu.memory_space<vmem_shared>> -> memref<10240x32xf32, #tpu.memory_space<vmem_shared>>
        tpu.enqueue_indirect_dma source(%dma_start3A_291 : memref<128x32xf32, #tpu.memory_space<vmem>>) target(%dma_start3A_297 : memref<10240x32xf32, #tpu.memory_space<vmem_shared>>) offsets(%dma_start3A_294 : memref<128xi32, #tpu.memory_space<vmem>>) semaphore(%run_scoped3A_287 : memref<!tpu.dma_semaphore, #tpu.memory_space<semaphore_mem>>) {add = true}
        %dma_wait3A_298 = arith.constant 0 : i32
        %dma_wait3A_299 = arith.constant 0 : i32
        %dma_wait3A_300 = tpu.memref_slice %arg8[%run_scoped3A_141, %dma_wait3A_298, %dma_wait3A_299] : memref<8x128x32xf32, #tpu.memory_space<vmem>> -> memref<1x128x32xf32, #tpu.memory_space<vmem>>
        %dma_wait3A_301 = tpu.memref_squeeze %dma_wait3A_300 : memref<1x128x32xf32, #tpu.memory_space<vmem>> -> memref<128x32xf32, #tpu.memory_space<vmem>>
        %dma_wait3A_302 = arith.constant 0 : i32
        %dma_wait3A_303 = tpu.memref_slice %arg7[%add3A_129, %dma_wait3A_302] : memref<80x128xi32, #tpu.memory_space<vmem>> -> memref<1x128xi32, #tpu.memory_space<vmem>>
        %dma_wait3A_304 = tpu.memref_squeeze %dma_wait3A_303 : memref<1x128xi32, #tpu.memory_space<vmem>> -> memref<128xi32, #tpu.memory_space<vmem>>
        %dma_wait3A_305 = arith.constant 0 : i32
        %dma_wait3A_306 = arith.constant 0 : i32
        %dma_wait3A_307 = tpu.memref_slice %arg9[%dma_wait3A_305, %dma_wait3A_306] : memref<10240x32xf32, #tpu.memory_space<vmem_shared>> -> memref<10240x32xf32, #tpu.memory_space<vmem_shared>>
        tpu.wait_indirect_dma semaphore(%run_scoped3A_287 : memref<!tpu.dma_semaphore, #tpu.memory_space<semaphore_mem>>) src(%dma_wait3A_301 : memref<128x32xf32, #tpu.memory_space<vmem>>) dst(%dma_wait3A_307 : memref<10240x32xf32, #tpu.memory_space<vmem_shared>>)
        tpu.yield
      }) : () -> ()
      %add3A_142 = arith.constant 8 : i32
      %add3A_143 = arith.addi %add3A_129, %add3A_142 : i32
      %lt3A_144 = arith.constant 80 : i32
      %lt3A_145 = arith.cmpi slt, %add3A_143, %lt3A_144 : i32
      %convert_element_type3A_146 = arith.extui %lt3A_145 : i1 to i32
      %cond3A_147 = arith.constant 0 : i32
      %cond3A_148 = arith.cmpi ne, %convert_element_type3A_146, %cond3A_147 : i32
      scf.if %cond3A_148 {
        %add3A_287 = arith.constant 8 : i32
        %add3A_288 = arith.addi %add3A_129, %add3A_287 : i32
        %dma_start3A_289 = arith.constant 1 : i32
        %dma_start3A_290 = arith.constant 0 : i32
        %dma_start3A_291 = arith.constant 0 : i32
        %dma_start3A_292 = tpu.memref_slice %arg8[%dma_start3A_289, %dma_start3A_290, %dma_start3A_291] : memref<8x128x32xf32, #tpu.memory_space<vmem>> -> memref<1x128x32xf32, #tpu.memory_space<vmem>>
        %dma_start3A_293 = tpu.memref_squeeze %dma_start3A_292 : memref<1x128x32xf32, #tpu.memory_space<vmem>> -> memref<128x32xf32, #tpu.memory_space<vmem>>
        %dma_start3A_294 = arith.constant 0 : i32
        %dma_start3A_295 = tpu.memref_slice %arg6[%add3A_288, %dma_start3A_294] : memref<80x128xi32, #tpu.memory_space<vmem>> -> memref<1x128xi32, #tpu.memory_space<vmem>>
        %dma_start3A_296 = tpu.memref_squeeze %dma_start3A_295 : memref<1x128xi32, #tpu.memory_space<vmem>> -> memref<128xi32, #tpu.memory_space<vmem>>
        %dma_start3A_297 = arith.constant 0 : i32
        %dma_start3A_298 = arith.constant 0 : i32
        %dma_start3A_299 = tpu.memref_slice %arg2[%dma_start3A_297, %dma_start3A_298] : memref<20480x32xf32, #tpu.memory_space<hbm>> -> memref<20480x32xf32, #tpu.memory_space<hbm>>
        tpu.enqueue_indirect_dma source(%dma_start3A_299 : memref<20480x32xf32, #tpu.memory_space<hbm>>) target(%dma_start3A_293 : memref<128x32xf32, #tpu.memory_space<vmem>>) offsets(%dma_start3A_296 : memref<128xi32, #tpu.memory_space<vmem>>) semaphore(%arg11 : memref<!tpu.dma_semaphore, #tpu.memory_space<semaphore_mem>>)
      } else {
      }
      %mul3A_149 = arith.constant 8 : i32
      %mul3A_150 = arith.muli %scan3A_107, %mul3A_149 : i32
      %add3A_151 = arith.constant 2 : i32
      %add3A_152 = arith.addi %mul3A_150, %add3A_151 : i32
      %dma_wait3A_153 = arith.constant 2 : i32
      %dma_wait3A_154 = arith.constant 0 : i32
      %dma_wait3A_155 = arith.constant 0 : i32
      %dma_wait3A_156 = tpu.memref_slice %arg8[%dma_wait3A_153, %dma_wait3A_154, %dma_wait3A_155] : memref<8x128x32xf32, #tpu.memory_space<vmem>> -> memref<1x128x32xf32, #tpu.memory_space<vmem>>
      %dma_wait3A_157 = tpu.memref_squeeze %dma_wait3A_156 : memref<1x128x32xf32, #tpu.memory_space<vmem>> -> memref<128x32xf32, #tpu.memory_space<vmem>>
      %dma_wait3A_158 = arith.constant 0 : i32
      %dma_wait3A_159 = tpu.memref_slice %arg6[%add3A_152, %dma_wait3A_158] : memref<80x128xi32, #tpu.memory_space<vmem>> -> memref<1x128xi32, #tpu.memory_space<vmem>>
      %dma_wait3A_160 = tpu.memref_squeeze %dma_wait3A_159 : memref<1x128xi32, #tpu.memory_space<vmem>> -> memref<128xi32, #tpu.memory_space<vmem>>
      %dma_wait3A_161 = arith.constant 0 : i32
      %dma_wait3A_162 = arith.constant 0 : i32
      %dma_wait3A_163 = tpu.memref_slice %arg2[%dma_wait3A_161, %dma_wait3A_162] : memref<20480x32xf32, #tpu.memory_space<hbm>> -> memref<20480x32xf32, #tpu.memory_space<hbm>>
      tpu.wait_indirect_dma semaphore(%arg12 : memref<!tpu.dma_semaphore, #tpu.memory_space<semaphore_mem>>) src(%dma_wait3A_163 : memref<20480x32xf32, #tpu.memory_space<hbm>>) dst(%dma_wait3A_157 : memref<128x32xf32, #tpu.memory_space<vmem>>)
      %run_scoped3A_164 = arith.constant 2 : i32
      "tpu.region"() ({
        %run_scoped3A_287 = tpu.sem_alloc : memref<!tpu.dma_semaphore, #tpu.memory_space<semaphore_mem>>
        %dma_start3A_288 = arith.constant 0 : i32
        %dma_start3A_289 = arith.constant 0 : i32
        %dma_start3A_290 = tpu.memref_slice %arg8[%run_scoped3A_164, %dma_start3A_288, %dma_start3A_289] : memref<8x128x32xf32, #tpu.memory_space<vmem>> -> memref<1x128x32xf32, #tpu.memory_space<vmem>>
        %dma_start3A_291 = tpu.memref_squeeze %dma_start3A_290 : memref<1x128x32xf32, #tpu.memory_space<vmem>> -> memref<128x32xf32, #tpu.memory_space<vmem>>
        %dma_start3A_292 = arith.constant 0 : i32
        %dma_start3A_293 = tpu.memref_slice %arg7[%add3A_152, %dma_start3A_292] : memref<80x128xi32, #tpu.memory_space<vmem>> -> memref<1x128xi32, #tpu.memory_space<vmem>>
        %dma_start3A_294 = tpu.memref_squeeze %dma_start3A_293 : memref<1x128xi32, #tpu.memory_space<vmem>> -> memref<128xi32, #tpu.memory_space<vmem>>
        %dma_start3A_295 = arith.constant 0 : i32
        %dma_start3A_296 = arith.constant 0 : i32
        %dma_start3A_297 = tpu.memref_slice %arg9[%dma_start3A_295, %dma_start3A_296] : memref<10240x32xf32, #tpu.memory_space<vmem_shared>> -> memref<10240x32xf32, #tpu.memory_space<vmem_shared>>
        tpu.enqueue_indirect_dma source(%dma_start3A_291 : memref<128x32xf32, #tpu.memory_space<vmem>>) target(%dma_start3A_297 : memref<10240x32xf32, #tpu.memory_space<vmem_shared>>) offsets(%dma_start3A_294 : memref<128xi32, #tpu.memory_space<vmem>>) semaphore(%run_scoped3A_287 : memref<!tpu.dma_semaphore, #tpu.memory_space<semaphore_mem>>) {add = true}
        %dma_wait3A_298 = arith.constant 0 : i32
        %dma_wait3A_299 = arith.constant 0 : i32
        %dma_wait3A_300 = tpu.memref_slice %arg8[%run_scoped3A_164, %dma_wait3A_298, %dma_wait3A_299] : memref<8x128x32xf32, #tpu.memory_space<vmem>> -> memref<1x128x32xf32, #tpu.memory_space<vmem>>
        %dma_wait3A_301 = tpu.memref_squeeze %dma_wait3A_300 : memref<1x128x32xf32, #tpu.memory_space<vmem>> -> memref<128x32xf32, #tpu.memory_space<vmem>>
        %dma_wait3A_302 = arith.constant 0 : i32
        %dma_wait3A_303 = tpu.memref_slice %arg7[%add3A_152, %dma_wait3A_302] : memref<80x128xi32, #tpu.memory_space<vmem>> -> memref<1x128xi32, #tpu.memory_space<vmem>>
        %dma_wait3A_304 = tpu.memref_squeeze %dma_wait3A_303 : memref<1x128xi32, #tpu.memory_space<vmem>> -> memref<128xi32, #tpu.memory_space<vmem>>
        %dma_wait3A_305 = arith.constant 0 : i32
        %dma_wait3A_306 = arith.constant 0 : i32
        %dma_wait3A_307 = tpu.memref_slice %arg9[%dma_wait3A_305, %dma_wait3A_306] : memref<10240x32xf32, #tpu.memory_space<vmem_shared>> -> memref<10240x32xf32, #tpu.memory_space<vmem_shared>>
        tpu.wait_indirect_dma semaphore(%run_scoped3A_287 : memref<!tpu.dma_semaphore, #tpu.memory_space<semaphore_mem>>) src(%dma_wait3A_301 : memref<128x32xf32, #tpu.memory_space<vmem>>) dst(%dma_wait3A_307 : memref<10240x32xf32, #tpu.memory_space<vmem_shared>>)
        tpu.yield
      }) : () -> ()
      %add3A_165 = arith.constant 8 : i32
      %add3A_166 = arith.addi %add3A_152, %add3A_165 : i32
      %lt3A_167 = arith.constant 80 : i32
      %lt3A_168 = arith.cmpi slt, %add3A_166, %lt3A_167 : i32
      %convert_element_type3A_169 = arith.extui %lt3A_168 : i1 to i32
      %cond3A_170 = arith.constant 0 : i32
      %cond3A_171 = arith.cmpi ne, %convert_element_type3A_169, %cond3A_170 : i32
      scf.if %cond3A_171 {
        %add3A_287 = arith.constant 8 : i32
        %add3A_288 = arith.addi %add3A_152, %add3A_287 : i32
        %dma_start3A_289 = arith.constant 2 : i32
        %dma_start3A_290 = arith.constant 0 : i32
        %dma_start3A_291 = arith.constant 0 : i32
        %dma_start3A_292 = tpu.memref_slice %arg8[%dma_start3A_289, %dma_start3A_290, %dma_start3A_291] : memref<8x128x32xf32, #tpu.memory_space<vmem>> -> memref<1x128x32xf32, #tpu.memory_space<vmem>>
        %dma_start3A_293 = tpu.memref_squeeze %dma_start3A_292 : memref<1x128x32xf32, #tpu.memory_space<vmem>> -> memref<128x32xf32, #tpu.memory_space<vmem>>
        %dma_start3A_294 = arith.constant 0 : i32
        %dma_start3A_295 = tpu.memref_slice %arg6[%add3A_288, %dma_start3A_294] : memref<80x128xi32, #tpu.memory_space<vmem>> -> memref<1x128xi32, #tpu.memory_space<vmem>>
        %dma_start3A_296 = tpu.memref_squeeze %dma_start3A_295 : memref<1x128xi32, #tpu.memory_space<vmem>> -> memref<128xi32, #tpu.memory_space<vmem>>
        %dma_start3A_297 = arith.constant 0 : i32
        %dma_start3A_298 = arith.constant 0 : i32
        %dma_start3A_299 = tpu.memref_slice %arg2[%dma_start3A_297, %dma_start3A_298] : memref<20480x32xf32, #tpu.memory_space<hbm>> -> memref<20480x32xf32, #tpu.memory_space<hbm>>
        tpu.enqueue_indirect_dma source(%dma_start3A_299 : memref<20480x32xf32, #tpu.memory_space<hbm>>) target(%dma_start3A_293 : memref<128x32xf32, #tpu.memory_space<vmem>>) offsets(%dma_start3A_296 : memref<128xi32, #tpu.memory_space<vmem>>) semaphore(%arg12 : memref<!tpu.dma_semaphore, #tpu.memory_space<semaphore_mem>>)
      } else {
      }
      %mul3A_172 = arith.constant 8 : i32
      %mul3A_173 = arith.muli %scan3A_107, %mul3A_172 : i32
      %add3A_174 = arith.constant 3 : i32
      %add3A_175 = arith.addi %mul3A_173, %add3A_174 : i32
      %dma_wait3A_176 = arith.constant 3 : i32
      %dma_wait3A_177 = arith.constant 0 : i32
      %dma_wait3A_178 = arith.constant 0 : i32
      %dma_wait3A_179 = tpu.memref_slice %arg8[%dma_wait3A_176, %dma_wait3A_177, %dma_wait3A_178] : memref<8x128x32xf32, #tpu.memory_space<vmem>> -> memref<1x128x32xf32, #tpu.memory_space<vmem>>
      %dma_wait3A_180 = tpu.memref_squeeze %dma_wait3A_179 : memref<1x128x32xf32, #tpu.memory_space<vmem>> -> memref<128x32xf32, #tpu.memory_space<vmem>>
      %dma_wait3A_181 = arith.constant 0 : i32
      %dma_wait3A_182 = tpu.memref_slice %arg6[%add3A_175, %dma_wait3A_181] : memref<80x128xi32, #tpu.memory_space<vmem>> -> memref<1x128xi32, #tpu.memory_space<vmem>>
      %dma_wait3A_183 = tpu.memref_squeeze %dma_wait3A_182 : memref<1x128xi32, #tpu.memory_space<vmem>> -> memref<128xi32, #tpu.memory_space<vmem>>
      %dma_wait3A_184 = arith.constant 0 : i32
      %dma_wait3A_185 = arith.constant 0 : i32
      %dma_wait3A_186 = tpu.memref_slice %arg2[%dma_wait3A_184, %dma_wait3A_185] : memref<20480x32xf32, #tpu.memory_space<hbm>> -> memref<20480x32xf32, #tpu.memory_space<hbm>>
      tpu.wait_indirect_dma semaphore(%arg13 : memref<!tpu.dma_semaphore, #tpu.memory_space<semaphore_mem>>) src(%dma_wait3A_186 : memref<20480x32xf32, #tpu.memory_space<hbm>>) dst(%dma_wait3A_180 : memref<128x32xf32, #tpu.memory_space<vmem>>)
      %run_scoped3A_187 = arith.constant 3 : i32
      "tpu.region"() ({
        %run_scoped3A_287 = tpu.sem_alloc : memref<!tpu.dma_semaphore, #tpu.memory_space<semaphore_mem>>
        %dma_start3A_288 = arith.constant 0 : i32
        %dma_start3A_289 = arith.constant 0 : i32
        %dma_start3A_290 = tpu.memref_slice %arg8[%run_scoped3A_187, %dma_start3A_288, %dma_start3A_289] : memref<8x128x32xf32, #tpu.memory_space<vmem>> -> memref<1x128x32xf32, #tpu.memory_space<vmem>>
        %dma_start3A_291 = tpu.memref_squeeze %dma_start3A_290 : memref<1x128x32xf32, #tpu.memory_space<vmem>> -> memref<128x32xf32, #tpu.memory_space<vmem>>
        %dma_start3A_292 = arith.constant 0 : i32
        %dma_start3A_293 = tpu.memref_slice %arg7[%add3A_175, %dma_start3A_292] : memref<80x128xi32, #tpu.memory_space<vmem>> -> memref<1x128xi32, #tpu.memory_space<vmem>>
        %dma_start3A_294 = tpu.memref_squeeze %dma_start3A_293 : memref<1x128xi32, #tpu.memory_space<vmem>> -> memref<128xi32, #tpu.memory_space<vmem>>
        %dma_start3A_295 = arith.constant 0 : i32
        %dma_start3A_296 = arith.constant 0 : i32
        %dma_start3A_297 = tpu.memref_slice %arg9[%dma_start3A_295, %dma_start3A_296] : memref<10240x32xf32, #tpu.memory_space<vmem_shared>> -> memref<10240x32xf32, #tpu.memory_space<vmem_shared>>
        tpu.enqueue_indirect_dma source(%dma_start3A_291 : memref<128x32xf32, #tpu.memory_space<vmem>>) target(%dma_start3A_297 : memref<10240x32xf32, #tpu.memory_space<vmem_shared>>) offsets(%dma_start3A_294 : memref<128xi32, #tpu.memory_space<vmem>>) semaphore(%run_scoped3A_287 : memref<!tpu.dma_semaphore, #tpu.memory_space<semaphore_mem>>) {add = true}
        %dma_wait3A_298 = arith.constant 0 : i32
        %dma_wait3A_299 = arith.constant 0 : i32
        %dma_wait3A_300 = tpu.memref_slice %arg8[%run_scoped3A_187, %dma_wait3A_298, %dma_wait3A_299] : memref<8x128x32xf32, #tpu.memory_space<vmem>> -> memref<1x128x32xf32, #tpu.memory_space<vmem>>
        %dma_wait3A_301 = tpu.memref_squeeze %dma_wait3A_300 : memref<1x128x32xf32, #tpu.memory_space<vmem>> -> memref<128x32xf32, #tpu.memory_space<vmem>>
        %dma_wait3A_302 = arith.constant 0 : i32
        %dma_wait3A_303 = tpu.memref_slice %arg7[%add3A_175, %dma_wait3A_302] : memref<80x128xi32, #tpu.memory_space<vmem>> -> memref<1x128xi32, #tpu.memory_space<vmem>>
        %dma_wait3A_304 = tpu.memref_squeeze %dma_wait3A_303 : memref<1x128xi32, #tpu.memory_space<vmem>> -> memref<128xi32, #tpu.memory_space<vmem>>
        %dma_wait3A_305 = arith.constant 0 : i32
        %dma_wait3A_306 = arith.constant 0 : i32
        %dma_wait3A_307 = tpu.memref_slice %arg9[%dma_wait3A_305, %dma_wait3A_306] : memref<10240x32xf32, #tpu.memory_space<vmem_shared>> -> memref<10240x32xf32, #tpu.memory_space<vmem_shared>>
        tpu.wait_indirect_dma semaphore(%run_scoped3A_287 : memref<!tpu.dma_semaphore, #tpu.memory_space<semaphore_mem>>) src(%dma_wait3A_301 : memref<128x32xf32, #tpu.memory_space<vmem>>) dst(%dma_wait3A_307 : memref<10240x32xf32, #tpu.memory_space<vmem_shared>>)
        tpu.yield
      }) : () -> ()
      %add3A_188 = arith.constant 8 : i32
      %add3A_189 = arith.addi %add3A_175, %add3A_188 : i32
      %lt3A_190 = arith.constant 80 : i32
      %lt3A_191 = arith.cmpi slt, %add3A_189, %lt3A_190 : i32
      %convert_element_type3A_192 = arith.extui %lt3A_191 : i1 to i32
      %cond3A_193 = arith.constant 0 : i32
      %cond3A_194 = arith.cmpi ne, %convert_element_type3A_192, %cond3A_193 : i32
      scf.if %cond3A_194 {
        %add3A_287 = arith.constant 8 : i32
        %add3A_288 = arith.addi %add3A_175, %add3A_287 : i32
        %dma_start3A_289 = arith.constant 3 : i32
        %dma_start3A_290 = arith.constant 0 : i32
        %dma_start3A_291 = arith.constant 0 : i32
        %dma_start3A_292 = tpu.memref_slice %arg8[%dma_start3A_289, %dma_start3A_290, %dma_start3A_291] : memref<8x128x32xf32, #tpu.memory_space<vmem>> -> memref<1x128x32xf32, #tpu.memory_space<vmem>>
        %dma_start3A_293 = tpu.memref_squeeze %dma_start3A_292 : memref<1x128x32xf32, #tpu.memory_space<vmem>> -> memref<128x32xf32, #tpu.memory_space<vmem>>
        %dma_start3A_294 = arith.constant 0 : i32
        %dma_start3A_295 = tpu.memref_slice %arg6[%add3A_288, %dma_start3A_294] : memref<80x128xi32, #tpu.memory_space<vmem>> -> memref<1x128xi32, #tpu.memory_space<vmem>>
        %dma_start3A_296 = tpu.memref_squeeze %dma_start3A_295 : memref<1x128xi32, #tpu.memory_space<vmem>> -> memref<128xi32, #tpu.memory_space<vmem>>
        %dma_start3A_297 = arith.constant 0 : i32
        %dma_start3A_298 = arith.constant 0 : i32
        %dma_start3A_299 = tpu.memref_slice %arg2[%dma_start3A_297, %dma_start3A_298] : memref<20480x32xf32, #tpu.memory_space<hbm>> -> memref<20480x32xf32, #tpu.memory_space<hbm>>
        tpu.enqueue_indirect_dma source(%dma_start3A_299 : memref<20480x32xf32, #tpu.memory_space<hbm>>) target(%dma_start3A_293 : memref<128x32xf32, #tpu.memory_space<vmem>>) offsets(%dma_start3A_296 : memref<128xi32, #tpu.memory_space<vmem>>) semaphore(%arg13 : memref<!tpu.dma_semaphore, #tpu.memory_space<semaphore_mem>>)
      } else {
      }
      %mul3A_195 = arith.constant 8 : i32
      %mul3A_196 = arith.muli %scan3A_107, %mul3A_195 : i32
      %add3A_197 = arith.constant 4 : i32
      %add3A_198 = arith.addi %mul3A_196, %add3A_197 : i32
      %dma_wait3A_199 = arith.constant 4 : i32
      %dma_wait3A_200 = arith.constant 0 : i32
      %dma_wait3A_201 = arith.constant 0 : i32
      %dma_wait3A_202 = tpu.memref_slice %arg8[%dma_wait3A_199, %dma_wait3A_200, %dma_wait3A_201] : memref<8x128x32xf32, #tpu.memory_space<vmem>> -> memref<1x128x32xf32, #tpu.memory_space<vmem>>
      %dma_wait3A_203 = tpu.memref_squeeze %dma_wait3A_202 : memref<1x128x32xf32, #tpu.memory_space<vmem>> -> memref<128x32xf32, #tpu.memory_space<vmem>>
      %dma_wait3A_204 = arith.constant 0 : i32
      %dma_wait3A_205 = tpu.memref_slice %arg6[%add3A_198, %dma_wait3A_204] : memref<80x128xi32, #tpu.memory_space<vmem>> -> memref<1x128xi32, #tpu.memory_space<vmem>>
      %dma_wait3A_206 = tpu.memref_squeeze %dma_wait3A_205 : memref<1x128xi32, #tpu.memory_space<vmem>> -> memref<128xi32, #tpu.memory_space<vmem>>
      %dma_wait3A_207 = arith.constant 0 : i32
      %dma_wait3A_208 = arith.constant 0 : i32
      %dma_wait3A_209 = tpu.memref_slice %arg2[%dma_wait3A_207, %dma_wait3A_208] : memref<20480x32xf32, #tpu.memory_space<hbm>> -> memref<20480x32xf32, #tpu.memory_space<hbm>>
      tpu.wait_indirect_dma semaphore(%arg14 : memref<!tpu.dma_semaphore, #tpu.memory_space<semaphore_mem>>) src(%dma_wait3A_209 : memref<20480x32xf32, #tpu.memory_space<hbm>>) dst(%dma_wait3A_203 : memref<128x32xf32, #tpu.memory_space<vmem>>)
      %run_scoped3A_210 = arith.constant 4 : i32
      "tpu.region"() ({
        %run_scoped3A_287 = tpu.sem_alloc : memref<!tpu.dma_semaphore, #tpu.memory_space<semaphore_mem>>
        %dma_start3A_288 = arith.constant 0 : i32
        %dma_start3A_289 = arith.constant 0 : i32
        %dma_start3A_290 = tpu.memref_slice %arg8[%run_scoped3A_210, %dma_start3A_288, %dma_start3A_289] : memref<8x128x32xf32, #tpu.memory_space<vmem>> -> memref<1x128x32xf32, #tpu.memory_space<vmem>>
        %dma_start3A_291 = tpu.memref_squeeze %dma_start3A_290 : memref<1x128x32xf32, #tpu.memory_space<vmem>> -> memref<128x32xf32, #tpu.memory_space<vmem>>
        %dma_start3A_292 = arith.constant 0 : i32
        %dma_start3A_293 = tpu.memref_slice %arg7[%add3A_198, %dma_start3A_292] : memref<80x128xi32, #tpu.memory_space<vmem>> -> memref<1x128xi32, #tpu.memory_space<vmem>>
        %dma_start3A_294 = tpu.memref_squeeze %dma_start3A_293 : memref<1x128xi32, #tpu.memory_space<vmem>> -> memref<128xi32, #tpu.memory_space<vmem>>
        %dma_start3A_295 = arith.constant 0 : i32
        %dma_start3A_296 = arith.constant 0 : i32
        %dma_start3A_297 = tpu.memref_slice %arg9[%dma_start3A_295, %dma_start3A_296] : memref<10240x32xf32, #tpu.memory_space<vmem_shared>> -> memref<10240x32xf32, #tpu.memory_space<vmem_shared>>
        tpu.enqueue_indirect_dma source(%dma_start3A_291 : memref<128x32xf32, #tpu.memory_space<vmem>>) target(%dma_start3A_297 : memref<10240x32xf32, #tpu.memory_space<vmem_shared>>) offsets(%dma_start3A_294 : memref<128xi32, #tpu.memory_space<vmem>>) semaphore(%run_scoped3A_287 : memref<!tpu.dma_semaphore, #tpu.memory_space<semaphore_mem>>) {add = true}
        %dma_wait3A_298 = arith.constant 0 : i32
        %dma_wait3A_299 = arith.constant 0 : i32
        %dma_wait3A_300 = tpu.memref_slice %arg8[%run_scoped3A_210, %dma_wait3A_298, %dma_wait3A_299] : memref<8x128x32xf32, #tpu.memory_space<vmem>> -> memref<1x128x32xf32, #tpu.memory_space<vmem>>
        %dma_wait3A_301 = tpu.memref_squeeze %dma_wait3A_300 : memref<1x128x32xf32, #tpu.memory_space<vmem>> -> memref<128x32xf32, #tpu.memory_space<vmem>>
        %dma_wait3A_302 = arith.constant 0 : i32
        %dma_wait3A_303 = tpu.memref_slice %arg7[%add3A_198, %dma_wait3A_302] : memref<80x128xi32, #tpu.memory_space<vmem>> -> memref<1x128xi32, #tpu.memory_space<vmem>>
        %dma_wait3A_304 = tpu.memref_squeeze %dma_wait3A_303 : memref<1x128xi32, #tpu.memory_space<vmem>> -> memref<128xi32, #tpu.memory_space<vmem>>
        %dma_wait3A_305 = arith.constant 0 : i32
        %dma_wait3A_306 = arith.constant 0 : i32
        %dma_wait3A_307 = tpu.memref_slice %arg9[%dma_wait3A_305, %dma_wait3A_306] : memref<10240x32xf32, #tpu.memory_space<vmem_shared>> -> memref<10240x32xf32, #tpu.memory_space<vmem_shared>>
        tpu.wait_indirect_dma semaphore(%run_scoped3A_287 : memref<!tpu.dma_semaphore, #tpu.memory_space<semaphore_mem>>) src(%dma_wait3A_301 : memref<128x32xf32, #tpu.memory_space<vmem>>) dst(%dma_wait3A_307 : memref<10240x32xf32, #tpu.memory_space<vmem_shared>>)
        tpu.yield
      }) : () -> ()
      %add3A_211 = arith.constant 8 : i32
      %add3A_212 = arith.addi %add3A_198, %add3A_211 : i32
      %lt3A_213 = arith.constant 80 : i32
      %lt3A_214 = arith.cmpi slt, %add3A_212, %lt3A_213 : i32
      %convert_element_type3A_215 = arith.extui %lt3A_214 : i1 to i32
      %cond3A_216 = arith.constant 0 : i32
      %cond3A_217 = arith.cmpi ne, %convert_element_type3A_215, %cond3A_216 : i32
      scf.if %cond3A_217 {
        %add3A_287 = arith.constant 8 : i32
        %add3A_288 = arith.addi %add3A_198, %add3A_287 : i32
        %dma_start3A_289 = arith.constant 4 : i32
        %dma_start3A_290 = arith.constant 0 : i32
        %dma_start3A_291 = arith.constant 0 : i32
        %dma_start3A_292 = tpu.memref_slice %arg8[%dma_start3A_289, %dma_start3A_290, %dma_start3A_291] : memref<8x128x32xf32, #tpu.memory_space<vmem>> -> memref<1x128x32xf32, #tpu.memory_space<vmem>>
        %dma_start3A_293 = tpu.memref_squeeze %dma_start3A_292 : memref<1x128x32xf32, #tpu.memory_space<vmem>> -> memref<128x32xf32, #tpu.memory_space<vmem>>
        %dma_start3A_294 = arith.constant 0 : i32
        %dma_start3A_295 = tpu.memref_slice %arg6[%add3A_288, %dma_start3A_294] : memref<80x128xi32, #tpu.memory_space<vmem>> -> memref<1x128xi32, #tpu.memory_space<vmem>>
        %dma_start3A_296 = tpu.memref_squeeze %dma_start3A_295 : memref<1x128xi32, #tpu.memory_space<vmem>> -> memref<128xi32, #tpu.memory_space<vmem>>
        %dma_start3A_297 = arith.constant 0 : i32
        %dma_start3A_298 = arith.constant 0 : i32
        %dma_start3A_299 = tpu.memref_slice %arg2[%dma_start3A_297, %dma_start3A_298] : memref<20480x32xf32, #tpu.memory_space<hbm>> -> memref<20480x32xf32, #tpu.memory_space<hbm>>
        tpu.enqueue_indirect_dma source(%dma_start3A_299 : memref<20480x32xf32, #tpu.memory_space<hbm>>) target(%dma_start3A_293 : memref<128x32xf32, #tpu.memory_space<vmem>>) offsets(%dma_start3A_296 : memref<128xi32, #tpu.memory_space<vmem>>) semaphore(%arg14 : memref<!tpu.dma_semaphore, #tpu.memory_space<semaphore_mem>>)
      } else {
      }
      %mul3A_218 = arith.constant 8 : i32
      %mul3A_219 = arith.muli %scan3A_107, %mul3A_218 : i32
      %add3A_220 = arith.constant 5 : i32
      %add3A_221 = arith.addi %mul3A_219, %add3A_220 : i32
      %dma_wait3A_222 = arith.constant 5 : i32
      %dma_wait3A_223 = arith.constant 0 : i32
      %dma_wait3A_224 = arith.constant 0 : i32
      %dma_wait3A_225 = tpu.memref_slice %arg8[%dma_wait3A_222, %dma_wait3A_223, %dma_wait3A_224] : memref<8x128x32xf32, #tpu.memory_space<vmem>> -> memref<1x128x32xf32, #tpu.memory_space<vmem>>
      %dma_wait3A_226 = tpu.memref_squeeze %dma_wait3A_225 : memref<1x128x32xf32, #tpu.memory_space<vmem>> -> memref<128x32xf32, #tpu.memory_space<vmem>>
      %dma_wait3A_227 = arith.constant 0 : i32
      %dma_wait3A_228 = tpu.memref_slice %arg6[%add3A_221, %dma_wait3A_227] : memref<80x128xi32, #tpu.memory_space<vmem>> -> memref<1x128xi32, #tpu.memory_space<vmem>>
      %dma_wait3A_229 = tpu.memref_squeeze %dma_wait3A_228 : memref<1x128xi32, #tpu.memory_space<vmem>> -> memref<128xi32, #tpu.memory_space<vmem>>
      %dma_wait3A_230 = arith.constant 0 : i32
      %dma_wait3A_231 = arith.constant 0 : i32
      %dma_wait3A_232 = tpu.memref_slice %arg2[%dma_wait3A_230, %dma_wait3A_231] : memref<20480x32xf32, #tpu.memory_space<hbm>> -> memref<20480x32xf32, #tpu.memory_space<hbm>>
      tpu.wait_indirect_dma semaphore(%arg15 : memref<!tpu.dma_semaphore, #tpu.memory_space<semaphore_mem>>) src(%dma_wait3A_232 : memref<20480x32xf32, #tpu.memory_space<hbm>>) dst(%dma_wait3A_226 : memref<128x32xf32, #tpu.memory_space<vmem>>)
      %run_scoped3A_233 = arith.constant 5 : i32
      "tpu.region"() ({
        %run_scoped3A_287 = tpu.sem_alloc : memref<!tpu.dma_semaphore, #tpu.memory_space<semaphore_mem>>
        %dma_start3A_288 = arith.constant 0 : i32
        %dma_start3A_289 = arith.constant 0 : i32
        %dma_start3A_290 = tpu.memref_slice %arg8[%run_scoped3A_233, %dma_start3A_288, %dma_start3A_289] : memref<8x128x32xf32, #tpu.memory_space<vmem>> -> memref<1x128x32xf32, #tpu.memory_space<vmem>>
        %dma_start3A_291 = tpu.memref_squeeze %dma_start3A_290 : memref<1x128x32xf32, #tpu.memory_space<vmem>> -> memref<128x32xf32, #tpu.memory_space<vmem>>
        %dma_start3A_292 = arith.constant 0 : i32
        %dma_start3A_293 = tpu.memref_slice %arg7[%add3A_221, %dma_start3A_292] : memref<80x128xi32, #tpu.memory_space<vmem>> -> memref<1x128xi32, #tpu.memory_space<vmem>>
        %dma_start3A_294 = tpu.memref_squeeze %dma_start3A_293 : memref<1x128xi32, #tpu.memory_space<vmem>> -> memref<128xi32, #tpu.memory_space<vmem>>
        %dma_start3A_295 = arith.constant 0 : i32
        %dma_start3A_296 = arith.constant 0 : i32
        %dma_start3A_297 = tpu.memref_slice %arg9[%dma_start3A_295, %dma_start3A_296] : memref<10240x32xf32, #tpu.memory_space<vmem_shared>> -> memref<10240x32xf32, #tpu.memory_space<vmem_shared>>
        tpu.enqueue_indirect_dma source(%dma_start3A_291 : memref<128x32xf32, #tpu.memory_space<vmem>>) target(%dma_start3A_297 : memref<10240x32xf32, #tpu.memory_space<vmem_shared>>) offsets(%dma_start3A_294 : memref<128xi32, #tpu.memory_space<vmem>>) semaphore(%run_scoped3A_287 : memref<!tpu.dma_semaphore, #tpu.memory_space<semaphore_mem>>) {add = true}
        %dma_wait3A_298 = arith.constant 0 : i32
        %dma_wait3A_299 = arith.constant 0 : i32
        %dma_wait3A_300 = tpu.memref_slice %arg8[%run_scoped3A_233, %dma_wait3A_298, %dma_wait3A_299] : memref<8x128x32xf32, #tpu.memory_space<vmem>> -> memref<1x128x32xf32, #tpu.memory_space<vmem>>
        %dma_wait3A_301 = tpu.memref_squeeze %dma_wait3A_300 : memref<1x128x32xf32, #tpu.memory_space<vmem>> -> memref<128x32xf32, #tpu.memory_space<vmem>>
        %dma_wait3A_302 = arith.constant 0 : i32
        %dma_wait3A_303 = tpu.memref_slice %arg7[%add3A_221, %dma_wait3A_302] : memref<80x128xi32, #tpu.memory_space<vmem>> -> memref<1x128xi32, #tpu.memory_space<vmem>>
        %dma_wait3A_304 = tpu.memref_squeeze %dma_wait3A_303 : memref<1x128xi32, #tpu.memory_space<vmem>> -> memref<128xi32, #tpu.memory_space<vmem>>
        %dma_wait3A_305 = arith.constant 0 : i32
        %dma_wait3A_306 = arith.constant 0 : i32
        %dma_wait3A_307 = tpu.memref_slice %arg9[%dma_wait3A_305, %dma_wait3A_306] : memref<10240x32xf32, #tpu.memory_space<vmem_shared>> -> memref<10240x32xf32, #tpu.memory_space<vmem_shared>>
        tpu.wait_indirect_dma semaphore(%run_scoped3A_287 : memref<!tpu.dma_semaphore, #tpu.memory_space<semaphore_mem>>) src(%dma_wait3A_301 : memref<128x32xf32, #tpu.memory_space<vmem>>) dst(%dma_wait3A_307 : memref<10240x32xf32, #tpu.memory_space<vmem_shared>>)
        tpu.yield
      }) : () -> ()
      %add3A_234 = arith.constant 8 : i32
      %add3A_235 = arith.addi %add3A_221, %add3A_234 : i32
      %lt3A_236 = arith.constant 80 : i32
      %lt3A_237 = arith.cmpi slt, %add3A_235, %lt3A_236 : i32
      %convert_element_type3A_238 = arith.extui %lt3A_237 : i1 to i32
      %cond3A_239 = arith.constant 0 : i32
      %cond3A_240 = arith.cmpi ne, %convert_element_type3A_238, %cond3A_239 : i32
      scf.if %cond3A_240 {
        %add3A_287 = arith.constant 8 : i32
        %add3A_288 = arith.addi %add3A_221, %add3A_287 : i32
        %dma_start3A_289 = arith.constant 5 : i32
        %dma_start3A_290 = arith.constant 0 : i32
        %dma_start3A_291 = arith.constant 0 : i32
        %dma_start3A_292 = tpu.memref_slice %arg8[%dma_start3A_289, %dma_start3A_290, %dma_start3A_291] : memref<8x128x32xf32, #tpu.memory_space<vmem>> -> memref<1x128x32xf32, #tpu.memory_space<vmem>>
        %dma_start3A_293 = tpu.memref_squeeze %dma_start3A_292 : memref<1x128x32xf32, #tpu.memory_space<vmem>> -> memref<128x32xf32, #tpu.memory_space<vmem>>
        %dma_start3A_294 = arith.constant 0 : i32
        %dma_start3A_295 = tpu.memref_slice %arg6[%add3A_288, %dma_start3A_294] : memref<80x128xi32, #tpu.memory_space<vmem>> -> memref<1x128xi32, #tpu.memory_space<vmem>>
        %dma_start3A_296 = tpu.memref_squeeze %dma_start3A_295 : memref<1x128xi32, #tpu.memory_space<vmem>> -> memref<128xi32, #tpu.memory_space<vmem>>
        %dma_start3A_297 = arith.constant 0 : i32
        %dma_start3A_298 = arith.constant 0 : i32
        %dma_start3A_299 = tpu.memref_slice %arg2[%dma_start3A_297, %dma_start3A_298] : memref<20480x32xf32, #tpu.memory_space<hbm>> -> memref<20480x32xf32, #tpu.memory_space<hbm>>
        tpu.enqueue_indirect_dma source(%dma_start3A_299 : memref<20480x32xf32, #tpu.memory_space<hbm>>) target(%dma_start3A_293 : memref<128x32xf32, #tpu.memory_space<vmem>>) offsets(%dma_start3A_296 : memref<128xi32, #tpu.memory_space<vmem>>) semaphore(%arg15 : memref<!tpu.dma_semaphore, #tpu.memory_space<semaphore_mem>>)
      } else {
      }
      %mul3A_241 = arith.constant 8 : i32
      %mul3A_242 = arith.muli %scan3A_107, %mul3A_241 : i32
      %add3A_243 = arith.constant 6 : i32
      %add3A_244 = arith.addi %mul3A_242, %add3A_243 : i32
      %dma_wait3A_245 = arith.constant 6 : i32
      %dma_wait3A_246 = arith.constant 0 : i32
      %dma_wait3A_247 = arith.constant 0 : i32
      %dma_wait3A_248 = tpu.memref_slice %arg8[%dma_wait3A_245, %dma_wait3A_246, %dma_wait3A_247] : memref<8x128x32xf32, #tpu.memory_space<vmem>> -> memref<1x128x32xf32, #tpu.memory_space<vmem>>
      %dma_wait3A_249 = tpu.memref_squeeze %dma_wait3A_248 : memref<1x128x32xf32, #tpu.memory_space<vmem>> -> memref<128x32xf32, #tpu.memory_space<vmem>>
      %dma_wait3A_250 = arith.constant 0 : i32
      %dma_wait3A_251 = tpu.memref_slice %arg6[%add3A_244, %dma_wait3A_250] : memref<80x128xi32, #tpu.memory_space<vmem>> -> memref<1x128xi32, #tpu.memory_space<vmem>>
      %dma_wait3A_252 = tpu.memref_squeeze %dma_wait3A_251 : memref<1x128xi32, #tpu.memory_space<vmem>> -> memref<128xi32, #tpu.memory_space<vmem>>
      %dma_wait3A_253 = arith.constant 0 : i32
      %dma_wait3A_254 = arith.constant 0 : i32
      %dma_wait3A_255 = tpu.memref_slice %arg2[%dma_wait3A_253, %dma_wait3A_254] : memref<20480x32xf32, #tpu.memory_space<hbm>> -> memref<20480x32xf32, #tpu.memory_space<hbm>>
      tpu.wait_indirect_dma semaphore(%arg16 : memref<!tpu.dma_semaphore, #tpu.memory_space<semaphore_mem>>) src(%dma_wait3A_255 : memref<20480x32xf32, #tpu.memory_space<hbm>>) dst(%dma_wait3A_249 : memref<128x32xf32, #tpu.memory_space<vmem>>)
      %run_scoped3A_256 = arith.constant 6 : i32
      "tpu.region"() ({
        %run_scoped3A_287 = tpu.sem_alloc : memref<!tpu.dma_semaphore, #tpu.memory_space<semaphore_mem>>
        %dma_start3A_288 = arith.constant 0 : i32
        %dma_start3A_289 = arith.constant 0 : i32
        %dma_start3A_290 = tpu.memref_slice %arg8[%run_scoped3A_256, %dma_start3A_288, %dma_start3A_289] : memref<8x128x32xf32, #tpu.memory_space<vmem>> -> memref<1x128x32xf32, #tpu.memory_space<vmem>>
        %dma_start3A_291 = tpu.memref_squeeze %dma_start3A_290 : memref<1x128x32xf32, #tpu.memory_space<vmem>> -> memref<128x32xf32, #tpu.memory_space<vmem>>
        %dma_start3A_292 = arith.constant 0 : i32
        %dma_start3A_293 = tpu.memref_slice %arg7[%add3A_244, %dma_start3A_292] : memref<80x128xi32, #tpu.memory_space<vmem>> -> memref<1x128xi32, #tpu.memory_space<vmem>>
        %dma_start3A_294 = tpu.memref_squeeze %dma_start3A_293 : memref<1x128xi32, #tpu.memory_space<vmem>> -> memref<128xi32, #tpu.memory_space<vmem>>
        %dma_start3A_295 = arith.constant 0 : i32
        %dma_start3A_296 = arith.constant 0 : i32
        %dma_start3A_297 = tpu.memref_slice %arg9[%dma_start3A_295, %dma_start3A_296] : memref<10240x32xf32, #tpu.memory_space<vmem_shared>> -> memref<10240x32xf32, #tpu.memory_space<vmem_shared>>
        tpu.enqueue_indirect_dma source(%dma_start3A_291 : memref<128x32xf32, #tpu.memory_space<vmem>>) target(%dma_start3A_297 : memref<10240x32xf32, #tpu.memory_space<vmem_shared>>) offsets(%dma_start3A_294 : memref<128xi32, #tpu.memory_space<vmem>>) semaphore(%run_scoped3A_287 : memref<!tpu.dma_semaphore, #tpu.memory_space<semaphore_mem>>) {add = true}
        %dma_wait3A_298 = arith.constant 0 : i32
        %dma_wait3A_299 = arith.constant 0 : i32
        %dma_wait3A_300 = tpu.memref_slice %arg8[%run_scoped3A_256, %dma_wait3A_298, %dma_wait3A_299] : memref<8x128x32xf32, #tpu.memory_space<vmem>> -> memref<1x128x32xf32, #tpu.memory_space<vmem>>
        %dma_wait3A_301 = tpu.memref_squeeze %dma_wait3A_300 : memref<1x128x32xf32, #tpu.memory_space<vmem>> -> memref<128x32xf32, #tpu.memory_space<vmem>>
        %dma_wait3A_302 = arith.constant 0 : i32
        %dma_wait3A_303 = tpu.memref_slice %arg7[%add3A_244, %dma_wait3A_302] : memref<80x128xi32, #tpu.memory_space<vmem>> -> memref<1x128xi32, #tpu.memory_space<vmem>>
        %dma_wait3A_304 = tpu.memref_squeeze %dma_wait3A_303 : memref<1x128xi32, #tpu.memory_space<vmem>> -> memref<128xi32, #tpu.memory_space<vmem>>
        %dma_wait3A_305 = arith.constant 0 : i32
        %dma_wait3A_306 = arith.constant 0 : i32
        %dma_wait3A_307 = tpu.memref_slice %arg9[%dma_wait3A_305, %dma_wait3A_306] : memref<10240x32xf32, #tpu.memory_space<vmem_shared>> -> memref<10240x32xf32, #tpu.memory_space<vmem_shared>>
        tpu.wait_indirect_dma semaphore(%run_scoped3A_287 : memref<!tpu.dma_semaphore, #tpu.memory_space<semaphore_mem>>) src(%dma_wait3A_301 : memref<128x32xf32, #tpu.memory_space<vmem>>) dst(%dma_wait3A_307 : memref<10240x32xf32, #tpu.memory_space<vmem_shared>>)
        tpu.yield
      }) : () -> ()
      %add3A_257 = arith.constant 8 : i32
      %add3A_258 = arith.addi %add3A_244, %add3A_257 : i32
      %lt3A_259 = arith.constant 80 : i32
      %lt3A_260 = arith.cmpi slt, %add3A_258, %lt3A_259 : i32
      %convert_element_type3A_261 = arith.extui %lt3A_260 : i1 to i32
      %cond3A_262 = arith.constant 0 : i32
      %cond3A_263 = arith.cmpi ne, %convert_element_type3A_261, %cond3A_262 : i32
      scf.if %cond3A_263 {
        %add3A_287 = arith.constant 8 : i32
        %add3A_288 = arith.addi %add3A_244, %add3A_287 : i32
        %dma_start3A_289 = arith.constant 6 : i32
        %dma_start3A_290 = arith.constant 0 : i32
        %dma_start3A_291 = arith.constant 0 : i32
        %dma_start3A_292 = tpu.memref_slice %arg8[%dma_start3A_289, %dma_start3A_290, %dma_start3A_291] : memref<8x128x32xf32, #tpu.memory_space<vmem>> -> memref<1x128x32xf32, #tpu.memory_space<vmem>>
        %dma_start3A_293 = tpu.memref_squeeze %dma_start3A_292 : memref<1x128x32xf32, #tpu.memory_space<vmem>> -> memref<128x32xf32, #tpu.memory_space<vmem>>
        %dma_start3A_294 = arith.constant 0 : i32
        %dma_start3A_295 = tpu.memref_slice %arg6[%add3A_288, %dma_start3A_294] : memref<80x128xi32, #tpu.memory_space<vmem>> -> memref<1x128xi32, #tpu.memory_space<vmem>>
        %dma_start3A_296 = tpu.memref_squeeze %dma_start3A_295 : memref<1x128xi32, #tpu.memory_space<vmem>> -> memref<128xi32, #tpu.memory_space<vmem>>
        %dma_start3A_297 = arith.constant 0 : i32
        %dma_start3A_298 = arith.constant 0 : i32
        %dma_start3A_299 = tpu.memref_slice %arg2[%dma_start3A_297, %dma_start3A_298] : memref<20480x32xf32, #tpu.memory_space<hbm>> -> memref<20480x32xf32, #tpu.memory_space<hbm>>
        tpu.enqueue_indirect_dma source(%dma_start3A_299 : memref<20480x32xf32, #tpu.memory_space<hbm>>) target(%dma_start3A_293 : memref<128x32xf32, #tpu.memory_space<vmem>>) offsets(%dma_start3A_296 : memref<128xi32, #tpu.memory_space<vmem>>) semaphore(%arg16 : memref<!tpu.dma_semaphore, #tpu.memory_space<semaphore_mem>>)
      } else {
      }
      %mul3A_264 = arith.constant 8 : i32
      %mul3A_265 = arith.muli %scan3A_107, %mul3A_264 : i32
      %add3A_266 = arith.constant 7 : i32
      %add3A_267 = arith.addi %mul3A_265, %add3A_266 : i32
      %dma_wait3A_268 = arith.constant 7 : i32
      %dma_wait3A_269 = arith.constant 0 : i32
      %dma_wait3A_270 = arith.constant 0 : i32
      %dma_wait3A_271 = tpu.memref_slice %arg8[%dma_wait3A_268, %dma_wait3A_269, %dma_wait3A_270] : memref<8x128x32xf32, #tpu.memory_space<vmem>> -> memref<1x128x32xf32, #tpu.memory_space<vmem>>
      %dma_wait3A_272 = tpu.memref_squeeze %dma_wait3A_271 : memref<1x128x32xf32, #tpu.memory_space<vmem>> -> memref<128x32xf32, #tpu.memory_space<vmem>>
      %dma_wait3A_273 = arith.constant 0 : i32
      %dma_wait3A_274 = tpu.memref_slice %arg6[%add3A_267, %dma_wait3A_273] : memref<80x128xi32, #tpu.memory_space<vmem>> -> memref<1x128xi32, #tpu.memory_space<vmem>>
      %dma_wait3A_275 = tpu.memref_squeeze %dma_wait3A_274 : memref<1x128xi32, #tpu.memory_space<vmem>> -> memref<128xi32, #tpu.memory_space<vmem>>
      %dma_wait3A_276 = arith.constant 0 : i32
      %dma_wait3A_277 = arith.constant 0 : i32
      %dma_wait3A_278 = tpu.memref_slice %arg2[%dma_wait3A_276, %dma_wait3A_277] : memref<20480x32xf32, #tpu.memory_space<hbm>> -> memref<20480x32xf32, #tpu.memory_space<hbm>>
      tpu.wait_indirect_dma semaphore(%arg17 : memref<!tpu.dma_semaphore, #tpu.memory_space<semaphore_mem>>) src(%dma_wait3A_278 : memref<20480x32xf32, #tpu.memory_space<hbm>>) dst(%dma_wait3A_272 : memref<128x32xf32, #tpu.memory_space<vmem>>)
      %run_scoped3A_279 = arith.constant 7 : i32
      "tpu.region"() ({
        %run_scoped3A_287 = tpu.sem_alloc : memref<!tpu.dma_semaphore, #tpu.memory_space<semaphore_mem>>
        %dma_start3A_288 = arith.constant 0 : i32
        %dma_start3A_289 = arith.constant 0 : i32
        %dma_start3A_290 = tpu.memref_slice %arg8[%run_scoped3A_279, %dma_start3A_288, %dma_start3A_289] : memref<8x128x32xf32, #tpu.memory_space<vmem>> -> memref<1x128x32xf32, #tpu.memory_space<vmem>>
        %dma_start3A_291 = tpu.memref_squeeze %dma_start3A_290 : memref<1x128x32xf32, #tpu.memory_space<vmem>> -> memref<128x32xf32, #tpu.memory_space<vmem>>
        %dma_start3A_292 = arith.constant 0 : i32
        %dma_start3A_293 = tpu.memref_slice %arg7[%add3A_267, %dma_start3A_292] : memref<80x128xi32, #tpu.memory_space<vmem>> -> memref<1x128xi32, #tpu.memory_space<vmem>>
        %dma_start3A_294 = tpu.memref_squeeze %dma_start3A_293 : memref<1x128xi32, #tpu.memory_space<vmem>> -> memref<128xi32, #tpu.memory_space<vmem>>
        %dma_start3A_295 = arith.constant 0 : i32
        %dma_start3A_296 = arith.constant 0 : i32
        %dma_start3A_297 = tpu.memref_slice %arg9[%dma_start3A_295, %dma_start3A_296] : memref<10240x32xf32, #tpu.memory_space<vmem_shared>> -> memref<10240x32xf32, #tpu.memory_space<vmem_shared>>
        tpu.enqueue_indirect_dma source(%dma_start3A_291 : memref<128x32xf32, #tpu.memory_space<vmem>>) target(%dma_start3A_297 : memref<10240x32xf32, #tpu.memory_space<vmem_shared>>) offsets(%dma_start3A_294 : memref<128xi32, #tpu.memory_space<vmem>>) semaphore(%run_scoped3A_287 : memref<!tpu.dma_semaphore, #tpu.memory_space<semaphore_mem>>) {add = true}
        %dma_wait3A_298 = arith.constant 0 : i32
        %dma_wait3A_299 = arith.constant 0 : i32
        %dma_wait3A_300 = tpu.memref_slice %arg8[%run_scoped3A_279, %dma_wait3A_298, %dma_wait3A_299] : memref<8x128x32xf32, #tpu.memory_space<vmem>> -> memref<1x128x32xf32, #tpu.memory_space<vmem>>
        %dma_wait3A_301 = tpu.memref_squeeze %dma_wait3A_300 : memref<1x128x32xf32, #tpu.memory_space<vmem>> -> memref<128x32xf32, #tpu.memory_space<vmem>>
        %dma_wait3A_302 = arith.constant 0 : i32
        %dma_wait3A_303 = tpu.memref_slice %arg7[%add3A_267, %dma_wait3A_302] : memref<80x128xi32, #tpu.memory_space<vmem>> -> memref<1x128xi32, #tpu.memory_space<vmem>>
        %dma_wait3A_304 = tpu.memref_squeeze %dma_wait3A_303 : memref<1x128xi32, #tpu.memory_space<vmem>> -> memref<128xi32, #tpu.memory_space<vmem>>
        %dma_wait3A_305 = arith.constant 0 : i32
        %dma_wait3A_306 = arith.constant 0 : i32
        %dma_wait3A_307 = tpu.memref_slice %arg9[%dma_wait3A_305, %dma_wait3A_306] : memref<10240x32xf32, #tpu.memory_space<vmem_shared>> -> memref<10240x32xf32, #tpu.memory_space<vmem_shared>>
        tpu.wait_indirect_dma semaphore(%run_scoped3A_287 : memref<!tpu.dma_semaphore, #tpu.memory_space<semaphore_mem>>) src(%dma_wait3A_301 : memref<128x32xf32, #tpu.memory_space<vmem>>) dst(%dma_wait3A_307 : memref<10240x32xf32, #tpu.memory_space<vmem_shared>>)
        tpu.yield
      }) : () -> ()
      %add3A_280 = arith.constant 8 : i32
      %add3A_281 = arith.addi %add3A_267, %add3A_280 : i32
      %lt3A_282 = arith.constant 80 : i32
      %lt3A_283 = arith.cmpi slt, %add3A_281, %lt3A_282 : i32
      %convert_element_type3A_284 = arith.extui %lt3A_283 : i1 to i32
      %cond3A_285 = arith.constant 0 : i32
      %cond3A_286 = arith.cmpi ne, %convert_element_type3A_284, %cond3A_285 : i32
      scf.if %cond3A_286 {
        %add3A_287 = arith.constant 8 : i32
        %add3A_288 = arith.addi %add3A_267, %add3A_287 : i32
        %dma_start3A_289 = arith.constant 7 : i32
        %dma_start3A_290 = arith.constant 0 : i32
        %dma_start3A_291 = arith.constant 0 : i32
        %dma_start3A_292 = tpu.memref_slice %arg8[%dma_start3A_289, %dma_start3A_290, %dma_start3A_291] : memref<8x128x32xf32, #tpu.memory_space<vmem>> -> memref<1x128x32xf32, #tpu.memory_space<vmem>>
        %dma_start3A_293 = tpu.memref_squeeze %dma_start3A_292 : memref<1x128x32xf32, #tpu.memory_space<vmem>> -> memref<128x32xf32, #tpu.memory_space<vmem>>
        %dma_start3A_294 = arith.constant 0 : i32
        %dma_start3A_295 = tpu.memref_slice %arg6[%add3A_288, %dma_start3A_294] : memref<80x128xi32, #tpu.memory_space<vmem>> -> memref<1x128xi32, #tpu.memory_space<vmem>>
        %dma_start3A_296 = tpu.memref_squeeze %dma_start3A_295 : memref<1x128xi32, #tpu.memory_space<vmem>> -> memref<128xi32, #tpu.memory_space<vmem>>
        %dma_start3A_297 = arith.constant 0 : i32
        %dma_start3A_298 = arith.constant 0 : i32
        %dma_start3A_299 = tpu.memref_slice %arg2[%dma_start3A_297, %dma_start3A_298] : memref<20480x32xf32, #tpu.memory_space<hbm>> -> memref<20480x32xf32, #tpu.memory_space<hbm>>
        tpu.enqueue_indirect_dma source(%dma_start3A_299 : memref<20480x32xf32, #tpu.memory_space<hbm>>) target(%dma_start3A_293 : memref<128x32xf32, #tpu.memory_space<vmem>>) offsets(%dma_start3A_296 : memref<128xi32, #tpu.memory_space<vmem>>) semaphore(%arg17 : memref<!tpu.dma_semaphore, #tpu.memory_space<semaphore_mem>>)
      } else {
      }
    }
    %scan3A_105 = arith.constant 10 : i32
    %barrier3A_106 = arith.constant 0 : index
    tpu.barrier barrier_id(%barrier3A_106)
    "tpu.region"() ({
      %run_scoped3A = tpu.sem_alloc : memref<!tpu.dma_semaphore, #tpu.memory_space<semaphore_mem>>
      %dma_start3A_107 = arith.constant 0 : i32
      %dma_start3A_108 = tpu.memref_slice %arg5[%arg0, %multiple_of3A_98, %dma_start3A_107] : memref<2x10240x32xf32, #tpu.memory_space<hbm>> -> memref<1x640x32xf32, #tpu.memory_space<hbm>>
      %dma_start3A_109 = tpu.memref_squeeze %dma_start3A_108 : memref<1x640x32xf32, #tpu.memory_space<hbm>> -> memref<640x32xf32, #tpu.memory_space<hbm>>
      %dma_start3A_110 = arith.constant 0 : i32
      %dma_start3A_111 = tpu.memref_slice %arg9[%multiple_of3A_98, %dma_start3A_110] : memref<10240x32xf32, #tpu.memory_space<vmem_shared>> -> memref<640x32xf32, #tpu.memory_space<vmem_shared>>
      tpu.enqueue_dma source(%dma_start3A_111 : memref<640x32xf32, #tpu.memory_space<vmem_shared>>) target(%dma_start3A_109 : memref<640x32xf32, #tpu.memory_space<hbm>>) target_semaphore(%run_scoped3A : memref<!tpu.dma_semaphore, #tpu.memory_space<semaphore_mem>>)
      %dma_wait3A = arith.constant 0 : i32
      %dma_wait3A_112 = tpu.memref_slice %arg5[%arg0, %multiple_of3A_98, %dma_wait3A] : memref<2x10240x32xf32, #tpu.memory_space<hbm>> -> memref<1x640x32xf32, #tpu.memory_space<hbm>>
      %dma_wait3A_113 = tpu.memref_squeeze %dma_wait3A_112 : memref<1x640x32xf32, #tpu.memory_space<hbm>> -> memref<640x32xf32, #tpu.memory_space<hbm>>
      %dma_wait3A_114 = arith.constant 0 : i32
      %dma_wait3A_115 = tpu.memref_slice %arg9[%multiple_of3A_98, %dma_wait3A_114] : memref<10240x32xf32, #tpu.memory_space<vmem_shared>> -> memref<640x32xf32, #tpu.memory_space<vmem_shared>>
      tpu.wait_dma2 semaphore(%run_scoped3A : memref<!tpu.dma_semaphore, #tpu.memory_space<semaphore_mem>>) src(%dma_wait3A_115 : memref<640x32xf32, #tpu.memory_space<vmem_shared>>) dst(%dma_wait3A_113 : memref<640x32xf32, #tpu.memory_space<hbm>>)
      tpu.yield
    }) : () -> ()
    return
  }
}

#map = affine_map<(d0, d1) -> (0)>
#map1 = affine_map<(d0, d1) -> (0, 0)>
module attributes {stable_mosaic.version = 14 : i64} {
  func.func @_deg_kernel(%arg0: i32, %arg1: i32, %arg2: memref<163840xi32, #tpu.memory_space<hbm>>, %arg3: memref<32x10240xf32, #tpu.memory_space<hbm>>, %arg4: memref<5120xi32, #tpu.memory_space<vmem>>, %arg5: memref<10240xf32, #tpu.memory_space<vmem>>) attributes {dimension_semantics = [#tpu.dimension_semantics<core_parallel>, #tpu.dimension_semantics<subcore_parallel>], iteration_bounds = array<i64: 2, 16>, scalar_prefetch = 0 : i64, scratch_operands = 2 : i64, tpu.core_type = #tpu.core_type<sc_vector_subcore>, window_params = [{transform_indices = #map}, {transform_indices = #map1}]} {
    %mul3A = arith.constant 16 : i32
    %mul3A_0 = arith.muli %arg0, %mul3A : i32
    %add3A = arith.addi %mul3A_0, %arg1 : i32
    %broadcast_in_dim3A = arith.constant 0.000000e+00 : f32
    %broadcast_in_dim3A_1 = vector.broadcast %broadcast_in_dim3A : f32 to vector<16xf32>
    %scan3A = arith.constant 0 : i32
    %scan3A_2 = arith.constant 0 : i32
    %scan3A_3 = arith.constant 640 : i32
    %scan3A_4 = arith.addi %scan3A_2, %scan3A_3 : i32
    %scan3A_5 = arith.constant 1 : i32
    scf.for %scan3A_17 = %scan3A_2 to %scan3A_4 step %scan3A_5  : i32 {
      %mul3A_18 = arith.constant 16 : i32
      %mul3A_19 = arith.muli %scan3A_17, %mul3A_18 : i32
      %swap3A = arith.index_cast %mul3A_19 : i32 to index
      %swap3A_20 = tpu.vector_load %arg5[%swap3A] {strides = array<i32>} : memref<10240xf32, #tpu.memory_space<vmem>>, vector<16xf32>,
      tpu.vector_store %arg5[%swap3A], %broadcast_in_dim3A_1 {strides = array<i32>} : memref<10240xf32, #tpu.memory_space<vmem>>, vector<16xf32>,
    }
    %scan3A_6 = arith.constant 640 : i32
    %mul3A_7 = arith.constant 5120 : i32
    %mul3A_8 = arith.muli %add3A, %mul3A_7 : i32
    %multiple_of3A = tpu.assume_multiple %mul3A_8, 5120 : i32
    "tpu.region"() ({
      %run_scoped3A = tpu.sem_alloc : memref<!tpu.dma_semaphore, #tpu.memory_space<semaphore_mem>>
      %dma_start3A = tpu.memref_slice %arg2[%multiple_of3A] : memref<163840xi32, #tpu.memory_space<hbm>> -> memref<5120xi32, #tpu.memory_space<hbm>>
      %dma_start3A_17 = tpu.memref_slice %arg2[%multiple_of3A] : memref<163840xi32, #tpu.memory_space<hbm>> -> memref<5120xi32, #tpu.memory_space<hbm>>
      tpu.enqueue_dma source(%dma_start3A_17 : memref<5120xi32, #tpu.memory_space<hbm>>) target(%arg4 : memref<5120xi32, #tpu.memory_space<vmem>>) target_semaphore(%run_scoped3A : memref<!tpu.dma_semaphore, #tpu.memory_space<semaphore_mem>>)
      %dma_wait3A = tpu.memref_slice %arg2[%multiple_of3A] : memref<163840xi32, #tpu.memory_space<hbm>> -> memref<5120xi32, #tpu.memory_space<hbm>>
      %dma_wait3A_18 = tpu.memref_slice %arg2[%multiple_of3A] : memref<163840xi32, #tpu.memory_space<hbm>> -> memref<5120xi32, #tpu.memory_space<hbm>>
      tpu.wait_dma2 semaphore(%run_scoped3A : memref<!tpu.dma_semaphore, #tpu.memory_space<semaphore_mem>>) src(%dma_wait3A_18 : memref<5120xi32, #tpu.memory_space<hbm>>) dst(%arg4 : memref<5120xi32, #tpu.memory_space<vmem>>)
      tpu.yield
    }) : () -> ()
    %broadcast_in_dim3A_9 = arith.constant 1.000000e+00 : f32
    %broadcast_in_dim3A_10 = vector.broadcast %broadcast_in_dim3A_9 : f32 to vector<16xf32>
    %scan3A_11 = arith.constant 0 : i32
    %scan3A_12 = arith.constant 0 : i32
    %scan3A_13 = arith.constant 320 : i32
    %scan3A_14 = arith.addi %scan3A_12, %scan3A_13 : i32
    %scan3A_15 = arith.constant 1 : i32
    scf.for %scan3A_17 = %scan3A_12 to %scan3A_14 step %scan3A_15  : i32 {
      %mul3A_18 = arith.constant 16 : i32
      %mul3A_19 = arith.muli %scan3A_17, %mul3A_18 : i32
      %get3A = arith.index_cast %mul3A_19 : i32 to index
      %get3A_20 = tpu.vector_load %arg4[%get3A] {strides = array<i32>} : memref<5120xi32, #tpu.memory_space<vmem>>, vector<16xi32>,
      tpu.vector_store_idx %arg5[%get3A_20], %broadcast_in_dim3A_10 {add = true} : memref<10240xf32, #tpu.memory_space<vmem>>[vector<16xi32>], vector<16xf32>,
    }
    %scan3A_16 = arith.constant 320 : i32
    "tpu.region"() ({
      %run_scoped3A = tpu.sem_alloc : memref<!tpu.dma_semaphore, #tpu.memory_space<semaphore_mem>>
      %dma_start3A = arith.constant 0 : i32
      %dma_start3A_17 = tpu.memref_slice %arg3[%add3A, %dma_start3A] : memref<32x10240xf32, #tpu.memory_space<hbm>> -> memref<1x10240xf32, #tpu.memory_space<hbm>>
      %dma_start3A_18 = tpu.memref_squeeze %dma_start3A_17 : memref<1x10240xf32, #tpu.memory_space<hbm>> -> memref<10240xf32, #tpu.memory_space<hbm>>
      %dma_start3A_19 = arith.constant 0 : i32
      %dma_start3A_20 = tpu.memref_slice %arg3[%add3A, %dma_start3A_19] : memref<32x10240xf32, #tpu.memory_space<hbm>> -> memref<1x10240xf32, #tpu.memory_space<hbm>>
      %dma_start3A_21 = tpu.memref_squeeze %dma_start3A_20 : memref<1x10240xf32, #tpu.memory_space<hbm>> -> memref<10240xf32, #tpu.memory_space<hbm>>
      tpu.enqueue_dma source(%arg5 : memref<10240xf32, #tpu.memory_space<vmem>>) target(%dma_start3A_21 : memref<10240xf32, #tpu.memory_space<hbm>>) target_semaphore(%run_scoped3A : memref<!tpu.dma_semaphore, #tpu.memory_space<semaphore_mem>>)
      %dma_wait3A = arith.constant 0 : i32
      %dma_wait3A_22 = tpu.memref_slice %arg3[%add3A, %dma_wait3A] : memref<32x10240xf32, #tpu.memory_space<hbm>> -> memref<1x10240xf32, #tpu.memory_space<hbm>>
      %dma_wait3A_23 = tpu.memref_squeeze %dma_wait3A_22 : memref<1x10240xf32, #tpu.memory_space<hbm>> -> memref<10240xf32, #tpu.memory_space<hbm>>
      %dma_wait3A_24 = arith.constant 0 : i32
      %dma_wait3A_25 = tpu.memref_slice %arg3[%add3A, %dma_wait3A_24] : memref<32x10240xf32, #tpu.memory_space<hbm>> -> memref<1x10240xf32, #tpu.memory_space<hbm>>
      %dma_wait3A_26 = tpu.memref_squeeze %dma_wait3A_25 : memref<1x10240xf32, #tpu.memory_space<hbm>> -> memref<10240xf32, #tpu.memory_space<hbm>>
      tpu.wait_dma2 semaphore(%run_scoped3A : memref<!tpu.dma_semaphore, #tpu.memory_space<semaphore_mem>>) src(%arg5 : memref<10240xf32, #tpu.memory_space<vmem>>) dst(%dma_wait3A_26 : memref<10240xf32, #tpu.memory_space<hbm>>)
      tpu.yield
    }) : () -> ()
    return
  }
}

module attributes {stable_mosaic.version = 14 : i64} {
  func.func @_mm1_body(%arg0: i32, %arg1: memref<512x384xf32, #tpu.memory_space<vmem>>, %arg2: memref<384x128xf32, #tpu.memory_space<vmem>>, %arg3: memref<32x512xf32, #tpu.memory_space<vmem>>, %arg4: memref<2x512x64xf32, #tpu.memory_space<vmem>>) attributes {dimension_semantics = [#tpu.dimension_semantics<arbitrary>], iteration_bounds = array<i64: 20>, scalar_prefetch = 0 : i64, scratch_operands = 0 : i64, tpu.core_type = #tpu.core_type<tc>, window_params = [{transform_indices = @transform_0, window_bounds = array<i64: 512, 384>}, {pipeline_mode = #tpu.pipeline_mode<synchronous>, transform_indices = @transform_1, window_bounds = array<i64: 384, 128>}, {transform_indices = @transform_2, window_bounds = array<i64: 32, 512>}, {transform_indices = @transform_3, window_bounds = array<i64: 2, 512, 64>}]} {
    %get3A = arith.constant 0 : index
    %get3A_0 = arith.constant 0 : index
    %get3A_1 = vector.load %arg3[%get3A, %get3A_0] : memref<32x512xf32, #tpu.memory_space<vmem>>, vector<32x512xf32>
    %reduce_sum3A = arith.constant dense<0.000000e+00> : vector<512xf32>
    %reduce_sum3A_2 = vector.multi_reduction <add>, %get3A_1, %reduce_sum3A [0] : vector<32x512xf32> to vector<512xf32>
    %add3A = arith.constant 1.000000e+00 : f32
    %add3A_3 = vector.broadcast %add3A : f32 to vector<512xf32>
    %add3A_4 = arith.addf %reduce_sum3A_2, %add3A_3 : vector<512xf32>
    %rsqrt3A = math.rsqrt %add3A_4 : vector<512xf32>
    %get3A_5 = arith.constant 0 : index
    %get3A_6 = arith.constant 0 : index
    %get3A_7 = vector.load %arg1[%get3A_5, %get3A_6] : memref<512x384xf32, #tpu.memory_space<vmem>>, vector<512x384xf32>
    %get3A_8 = arith.constant 0 : index
    %get3A_9 = arith.constant 0 : index
    %get3A_10 = vector.load %arg2[%get3A_8, %get3A_9] : memref<384x128xf32, #tpu.memory_space<vmem>>, vector<384x128xf32>
    %dot_general3A = arith.constant dense<0.000000e+00> : vector<512x128xf32>
    %dot_general3A_11 = tpu.matmul %get3A_7, %get3A_10, %dot_general3A {dimension_numbers = #tpu.dot_dimension_numbers<[1], [0], [0], [1], [0, 0, 1, 1], [], []>, transpose_lhs_hint = false} : vector<512x384xf32>, vector<384x128xf32>, vector<512x128xf32> -> vector<512x128xf32>
    %broadcast_in_dim3A = vector.shape_cast %rsqrt3A : vector<512xf32> to vector<512x1xf32>
    %mul3A = vector.broadcast %broadcast_in_dim3A : vector<512x1xf32> to vector<512x128xf32>
    %mul3A_12 = arith.mulf %dot_general3A_11, %mul3A : vector<512x128xf32>
    %slice3A = vector.extract_strided_slice %mul3A_12 {offsets = [0, 0], sizes = [512, 64], strides = [1, 1]} : vector<512x128xf32> to vector<512x64xf32>
    %swap3A = arith.constant 0 : index
    %swap3A_13 = arith.constant 0 : index
    %swap3A_14 = arith.constant 0 : index
    %swap3A_15 = vector.load %arg4[%swap3A, %swap3A_13, %swap3A_14] : memref<2x512x64xf32, #tpu.memory_space<vmem>>, vector<1x512x64xf32>
    %swap3A_16 = vector.shape_cast %swap3A_15 : vector<1x512x64xf32> to vector<512x64xf32>
    %swap3A_17 = vector.shape_cast %slice3A : vector<512x64xf32> to vector<1x512x64xf32>
    tpu.vector_store %arg4[%swap3A, %swap3A_13, %swap3A_14], %swap3A_17 {strides = array<i32>} : memref<2x512x64xf32, #tpu.memory_space<vmem>>, vector<1x512x64xf32>,
    %slice3A_18 = vector.extract_strided_slice %mul3A_12 {offsets = [0, 64], sizes = [512, 64], strides = [1, 1]} : vector<512x128xf32> to vector<512x64xf32>
    %swap3A_19 = arith.constant 1 : index
    %swap3A_20 = arith.constant 0 : index
    %swap3A_21 = arith.constant 0 : index
    %swap3A_22 = vector.load %arg4[%swap3A_19, %swap3A_20, %swap3A_21] : memref<2x512x64xf32, #tpu.memory_space<vmem>>, vector<1x512x64xf32>
    %swap3A_23 = vector.shape_cast %swap3A_22 : vector<1x512x64xf32> to vector<512x64xf32>
    %swap3A_24 = vector.shape_cast %slice3A_18 : vector<512x64xf32> to vector<1x512x64xf32>
    tpu.vector_store %arg4[%swap3A_19, %swap3A_20, %swap3A_21], %swap3A_24 {strides = array<i32>} : memref<2x512x64xf32, #tpu.memory_space<vmem>>, vector<1x512x64xf32>,
    return
  }
  func.func @transform_0(%arg0: i32) -> (i32, i32) {
    %c0_i32 = arith.constant 0 : i32
    %c0_i32_0 = arith.constant 0 : i32
    return %arg0, %c0_i32 : i32, i32
  }
  func.func @transform_1(%arg0: i32) -> (i32, i32) {
    %c0_i32 = arith.constant 0 : i32
    %c0_i32_0 = arith.constant 0 : i32
    %c0_i32_1 = arith.constant 0 : i32
    return %c0_i32, %c0_i32_0 : i32, i32
  }
  func.func @transform_2(%arg0: i32) -> (i32, i32) {
    %c0_i32 = arith.constant 0 : i32
    %c0_i32_0 = arith.constant 0 : i32
    return %c0_i32, %arg0 : i32, i32
  }
  func.func @transform_3(%arg0: i32) -> (i32, i32, i32) {
    %c0_i32 = arith.constant 0 : i32
    %c0_i32_0 = arith.constant 0 : i32
    %c0_i32_1 = arith.constant 0 : i32
    return %c0_i32, %arg0, %c0_i32_0 : i32, i32, i32
  }
}

module attributes {stable_mosaic.version = 14 : i64} {
  func.func @_mid_body(%arg0: i32, %arg1: memref<1x512x64xf32, #tpu.memory_space<vmem>>, %arg2: memref<1x512x64xf32, #tpu.memory_space<vmem>>, %arg3: memref<32x512xf32, #tpu.memory_space<vmem>>, %arg4: memref<128x64xf32, #tpu.memory_space<vmem>>, %arg5: memref<1x128xf32, #tpu.memory_space<vmem>>, %arg6: memref<2x512x32xf32, #tpu.memory_space<vmem>>) attributes {dimension_semantics = [#tpu.dimension_semantics<arbitrary>], iteration_bounds = array<i64: 20>, scalar_prefetch = 0 : i64, scratch_operands = 0 : i64, tpu.core_type = #tpu.core_type<tc>, window_params = [{transform_indices = @transform_0, window_bounds = array<i64: 1, 512, 64>}, {transform_indices = @transform_1, window_bounds = array<i64: 1, 512, 64>}, {transform_indices = @transform_2, window_bounds = array<i64: 32, 512>}, {pipeline_mode = #tpu.pipeline_mode<synchronous>, transform_indices = @transform_3, window_bounds = array<i64: 128, 64>}, {pipeline_mode = #tpu.pipeline_mode<synchronous>, transform_indices = @transform_4, window_bounds = array<i64: 1, 128>}, {transform_indices = @transform_5, window_bounds = array<i64: 2, 512, 32>}]} {
    %get3A = arith.constant 0 : index
    %get3A_0 = arith.constant 0 : index
    %get3A_1 = vector.load %arg3[%get3A, %get3A_0] : memref<32x512xf32, #tpu.memory_space<vmem>>, vector<32x512xf32>
    %reduce_sum3A = arith.constant dense<0.000000e+00> : vector<512xf32>
    %reduce_sum3A_2 = vector.multi_reduction <add>, %get3A_1, %reduce_sum3A [0] : vector<32x512xf32> to vector<512xf32>
    %add3A = arith.constant 1.000000e+00 : f32
    %add3A_3 = vector.broadcast %add3A : f32 to vector<512xf32>
    %add3A_4 = arith.addf %reduce_sum3A_2, %add3A_3 : vector<512xf32>
    %rsqrt3A = math.rsqrt %add3A_4 : vector<512xf32>
    %get3A_5 = arith.constant 0 : index
    %get3A_6 = arith.constant 0 : index
    %get3A_7 = arith.constant 0 : index
    %get3A_8 = vector.load %arg1[%get3A_5, %get3A_6, %get3A_7] : memref<1x512x64xf32, #tpu.memory_space<vmem>>, vector<1x512x64xf32>
    %get3A_9 = vector.shape_cast %get3A_8 : vector<1x512x64xf32> to vector<512x64xf32>
    %get3A_10 = arith.constant 0 : index
    %get3A_11 = arith.constant 0 : index
    %get3A_12 = arith.constant 0 : index
    %get3A_13 = vector.load %arg2[%get3A_10, %get3A_11, %get3A_12] : memref<1x512x64xf32, #tpu.memory_space<vmem>>, vector<1x512x64xf32>
    %get3A_14 = vector.shape_cast %get3A_13 : vector<1x512x64xf32> to vector<512x64xf32>
    %concatenate3A = tpu.concatenate %get3A_9, %get3A_14 in 1 : vector<512x64xf32>, vector<512x64xf32> -> vector<512x128xf32>
    %broadcast_in_dim3A = vector.shape_cast %rsqrt3A : vector<512xf32> to vector<512x1xf32>
    %mul3A = vector.broadcast %broadcast_in_dim3A : vector<512x1xf32> to vector<512x128xf32>
    %mul3A_15 = arith.mulf %concatenate3A, %mul3A : vector<512x128xf32>
    %get3A_16 = arith.constant 0 : index
    %get3A_17 = arith.constant 0 : index
    %get3A_18 = vector.load %arg5[%get3A_16, %get3A_17] : memref<1x128xf32, #tpu.memory_space<vmem>>, vector<1x128xf32>
    %add3A_19 = vector.broadcast %get3A_18 : vector<1x128xf32> to vector<512x128xf32>
    %add3A_20 = arith.addf %mul3A_15, %add3A_19 : vector<512x128xf32>
    %max3A = arith.constant 0.000000e+00 : f32
    %max3A_21 = vector.broadcast %max3A : f32 to vector<512x128xf32>
    %max3A_22 = arith.maximumf %add3A_20, %max3A_21 : vector<512x128xf32>
    %get3A_23 = arith.constant 0 : index
    %get3A_24 = arith.constant 0 : index
    %get3A_25 = vector.load %arg4[%get3A_23, %get3A_24] : memref<128x64xf32, #tpu.memory_space<vmem>>, vector<128x64xf32>
    %dot_general3A = arith.constant dense<0.000000e+00> : vector<512x64xf32>
    %dot_general3A_26 = tpu.matmul %max3A_22, %get3A_25, %dot_general3A {dimension_numbers = #tpu.dot_dimension_numbers<[1], [0], [0], [1], [0, 0, 1, 1], [], []>, transpose_lhs_hint = false} : vector<512x128xf32>, vector<128x64xf32>, vector<512x64xf32> -> vector<512x64xf32>
    %broadcast_in_dim3A_27 = vector.shape_cast %rsqrt3A : vector<512xf32> to vector<512x1xf32>
    %mul3A_28 = vector.broadcast %broadcast_in_dim3A_27 : vector<512x1xf32> to vector<512x64xf32>
    %mul3A_29 = arith.mulf %dot_general3A_26, %mul3A_28 : vector<512x64xf32>
    %slice3A = vector.extract_strided_slice %mul3A_29 {offsets = [0, 0], sizes = [512, 32], strides = [1, 1]} : vector<512x64xf32> to vector<512x32xf32>
    %swap3A = arith.constant 0 : index
    %swap3A_30 = arith.constant 0 : index
    %swap3A_31 = arith.constant 0 : index
    %swap3A_32 = vector.load %arg6[%swap3A, %swap3A_30, %swap3A_31] : memref<2x512x32xf32, #tpu.memory_space<vmem>>, vector<1x512x32xf32>
    %swap3A_33 = vector.shape_cast %swap3A_32 : vector<1x512x32xf32> to vector<512x32xf32>
    %swap3A_34 = vector.shape_cast %slice3A : vector<512x32xf32> to vector<1x512x32xf32>
    tpu.vector_store %arg6[%swap3A, %swap3A_30, %swap3A_31], %swap3A_34 {strides = array<i32>} : memref<2x512x32xf32, #tpu.memory_space<vmem>>, vector<1x512x32xf32>,
    %slice3A_35 = vector.extract_strided_slice %mul3A_29 {offsets = [0, 32], sizes = [512, 32], strides = [1, 1]} : vector<512x64xf32> to vector<512x32xf32>
    %swap3A_36 = arith.constant 1 : index
    %swap3A_37 = arith.constant 0 : index
    %swap3A_38 = arith.constant 0 : index
    %swap3A_39 = vector.load %arg6[%swap3A_36, %swap3A_37, %swap3A_38] : memref<2x512x32xf32, #tpu.memory_space<vmem>>, vector<1x512x32xf32>
    %swap3A_40 = vector.shape_cast %swap3A_39 : vector<1x512x32xf32> to vector<512x32xf32>
    %swap3A_41 = vector.shape_cast %slice3A_35 : vector<512x32xf32> to vector<1x512x32xf32>
    tpu.vector_store %arg6[%swap3A_36, %swap3A_37, %swap3A_38], %swap3A_41 {strides = array<i32>} : memref<2x512x32xf32, #tpu.memory_space<vmem>>, vector<1x512x32xf32>,
    return
  }
  func.func @transform_0(%arg0: i32) -> (i32, i32, i32) {
    %c0_i32 = arith.constant 0 : i32
    %c0_i32_0 = arith.constant 0 : i32
    %c0_i32_1 = arith.constant 0 : i32
    return %c0_i32, %arg0, %c0_i32_0 : i32, i32, i32
  }
  func.func @transform_1(%arg0: i32) -> (i32, i32, i32) {
    %c1_i32 = arith.constant 1 : i32
    %c0_i32 = arith.constant 0 : i32
    %c0_i32_0 = arith.constant 0 : i32
    return %c1_i32, %arg0, %c0_i32 : i32, i32, i32
  }
  func.func @transform_2(%arg0: i32) -> (i32, i32) {
    %c0_i32 = arith.constant 0 : i32
    %c0_i32_0 = arith.constant 0 : i32
    return %c0_i32, %arg0 : i32, i32
  }
  func.func @transform_3(%arg0: i32) -> (i32, i32) {
    %c0_i32 = arith.constant 0 : i32
    %c0_i32_0 = arith.constant 0 : i32
    %c0_i32_1 = arith.constant 0 : i32
    return %c0_i32, %c0_i32_0 : i32, i32
  }
  func.func @transform_4(%arg0: i32) -> (i32, i32) {
    %c0_i32 = arith.constant 0 : i32
    %c0_i32_0 = arith.constant 0 : i32
    %c0_i32_1 = arith.constant 0 : i32
    return %c0_i32, %c0_i32_0 : i32, i32
  }
  func.func @transform_5(%arg0: i32) -> (i32, i32, i32) {
    %c0_i32 = arith.constant 0 : i32
    %c0_i32_0 = arith.constant 0 : i32
    %c0_i32_1 = arith.constant 0 : i32
    return %c0_i32, %arg0, %c0_i32_0 : i32, i32, i32
  }
}

module attributes {stable_mosaic.version = 14 : i64} {
  func.func @_pool_body(%arg0: i32, %arg1: memref<1x512x32xf32, #tpu.memory_space<vmem>>, %arg2: memref<1x512x32xf32, #tpu.memory_space<vmem>>, %arg3: memref<32x512xf32, #tpu.memory_space<vmem>>, %arg4: memref<1x64xf32, #tpu.memory_space<vmem>>, %arg5: memref<1x1x512xi32, #tpu.memory_space<vmem>>, %arg6: memref<64x2xf32, #tpu.memory_space<vmem>>, %arg7: memref<1x2xf32, #tpu.memory_space<vmem>>, %arg8: memref<64x2xf32, #tpu.memory_space<vmem>>, %arg9: memref<64x128xf32, #tpu.memory_space<vmem>>) attributes {dimension_semantics = [#tpu.dimension_semantics<arbitrary>], iteration_bounds = array<i64: 20>, scalar_prefetch = 0 : i64, scratch_operands = 1 : i64, tpu.core_type = #tpu.core_type<tc>, window_params = [{transform_indices = @transform_0, window_bounds = array<i64: 1, 512, 32>}, {transform_indices = @transform_1, window_bounds = array<i64: 1, 512, 32>}, {transform_indices = @transform_2, window_bounds = array<i64: 32, 512>}, {pipeline_mode = #tpu.pipeline_mode<synchronous>, transform_indices = @transform_3, window_bounds = array<i64: 1, 64>}, {transform_indices = @transform_4, window_bounds = array<i64: 1, 1, 512>}, {pipeline_mode = #tpu.pipeline_mode<synchronous>, transform_indices = @transform_5, window_bounds = array<i64: 64, 2>}, {pipeline_mode = #tpu.pipeline_mode<synchronous>, transform_indices = @transform_6, window_bounds = array<i64: 1, 2>}, {pipeline_mode = #tpu.pipeline_mode<synchronous>, transform_indices = @transform_7, window_bounds = array<i64: 64, 2>}]} {
    %get3A = arith.constant 0 : index
    %get3A_0 = arith.constant 0 : index
    %get3A_1 = vector.load %arg3[%get3A, %get3A_0] : memref<32x512xf32, #tpu.memory_space<vmem>>, vector<32x512xf32>
    %reduce_sum3A = arith.constant dense<0.000000e+00> : vector<512xf32>
    %reduce_sum3A_2 = vector.multi_reduction <add>, %get3A_1, %reduce_sum3A [0] : vector<32x512xf32> to vector<512xf32>
    %add3A = arith.constant 1.000000e+00 : f32
    %add3A_3 = vector.broadcast %add3A : f32 to vector<512xf32>
    %add3A_4 = arith.addf %reduce_sum3A_2, %add3A_3 : vector<512xf32>
    %rsqrt3A = math.rsqrt %add3A_4 : vector<512xf32>
    %get3A_5 = arith.constant 0 : index
    %get3A_6 = arith.constant 0 : index
    %get3A_7 = arith.constant 0 : index
    %get3A_8 = vector.load %arg1[%get3A_5, %get3A_6, %get3A_7] : memref<1x512x32xf32, #tpu.memory_space<vmem>>, vector<1x512x32xf32>
    %get3A_9 = vector.shape_cast %get3A_8 : vector<1x512x32xf32> to vector<512x32xf32>
    %get3A_10 = arith.constant 0 : index
    %get3A_11 = arith.constant 0 : index
    %get3A_12 = arith.constant 0 : index
    %get3A_13 = vector.load %arg2[%get3A_10, %get3A_11, %get3A_12] : memref<1x512x32xf32, #tpu.memory_space<vmem>>, vector<1x512x32xf32>
    %get3A_14 = vector.shape_cast %get3A_13 : vector<1x512x32xf32> to vector<512x32xf32>
    %concatenate3A = tpu.concatenate %get3A_9, %get3A_14 in 1 : vector<512x32xf32>, vector<512x32xf32> -> vector<512x64xf32>
    %broadcast_in_dim3A = vector.shape_cast %rsqrt3A : vector<512xf32> to vector<512x1xf32>
    %mul3A = vector.broadcast %broadcast_in_dim3A : vector<512x1xf32> to vector<512x64xf32>
    %mul3A_15 = arith.mulf %concatenate3A, %mul3A : vector<512x64xf32>
    %get3A_16 = arith.constant 0 : index
    %get3A_17 = arith.constant 0 : index
    %get3A_18 = vector.load %arg4[%get3A_16, %get3A_17] : memref<1x64xf32, #tpu.memory_space<vmem>>, vector<1x64xf32>
    %add3A_19 = vector.broadcast %get3A_18 : vector<1x64xf32> to vector<512x64xf32>
    %add3A_20 = arith.addf %mul3A_15, %add3A_19 : vector<512x64xf32>
    %max3A = arith.constant 0.000000e+00 : f32
    %max3A_21 = vector.broadcast %max3A : f32 to vector<512x64xf32>
    %max3A_22 = arith.maximumf %add3A_20, %max3A_21 : vector<512x64xf32>
    %get3A_23 = arith.constant 0 : index
    %get3A_24 = arith.constant 0 : index
    %get3A_25 = arith.constant 0 : index
    %get3A_26 = vector.load %arg5[%get3A_23, %get3A_24, %get3A_25] : memref<1x1x512xi32, #tpu.memory_space<vmem>>, vector<1x1x512xi32>
    %get3A_27 = vector.shape_cast %get3A_26 : vector<1x1x512xi32> to vector<512xi32>
    %broadcast_in_dim3A_28 = vector.shape_cast %get3A_27 : vector<512xi32> to vector<1x512xi32>
    %iota3A = tpu.iota {dimensions = array<i32: 0>} : vector<64x512xi32>
    %eq3A = vector.broadcast %broadcast_in_dim3A_28 : vector<1x512xi32> to vector<64x512xi32>
    %eq3A_29 = arith.cmpi eq, %eq3A, %iota3A : vector<64x512xi32>
    %convert_element_type3A = arith.extui %eq3A_29 : vector<64x512xi1> to vector<64x512xi32>
    %convert_element_type3A_30 = arith.sitofp %convert_element_type3A : vector<64x512xi32> to vector<64x512xf32>
    %broadcast_in_dim3A_31 = arith.constant 1.000000e+00 : f32
    %broadcast_in_dim3A_32 = vector.broadcast %broadcast_in_dim3A_31 : f32 to vector<512x64xf32>
    %concatenate3A_33 = tpu.concatenate %max3A_22, %broadcast_in_dim3A_32 in 1 : vector<512x64xf32>, vector<512x64xf32> -> vector<512x128xf32>
    %dot_general3A = arith.constant dense<0.000000e+00> : vector<64x128xf32>
    %dot_general3A_34 = tpu.matmul %convert_element_type3A_30, %concatenate3A_33, %dot_general3A {dimension_numbers = #tpu.dot_dimension_numbers<[1], [0], [0], [1], [0, 0, 1, 1], [], []>, transpose_lhs_hint = false} : vector<64x512xf32>, vector<512x128xf32>, vector<64x128xf32> -> vector<64x128xf32>
    %eq3A_35 = arith.constant 0 : i32
    %eq3A_36 = arith.cmpi eq, %arg0, %eq3A_35 : i32
    %convert_element_type3A_37 = arith.extui %eq3A_36 : i1 to i32
    %cond3A = arith.constant 0 : i32
    %cond3A_38 = arith.cmpi ne, %convert_element_type3A_37, %cond3A : i32
    scf.if %cond3A_38 {
      %swap3A = arith.constant 0 : index
      %swap3A_48 = arith.constant 0 : index
      %swap3A_49 = vector.load %arg9[%swap3A, %swap3A_48] : memref<64x128xf32, #tpu.memory_space<vmem>>, vector<64x128xf32>
      tpu.vector_store %arg9[%swap3A, %swap3A_48], %dot_general3A_34 {strides = array<i32>} : memref<64x128xf32, #tpu.memory_space<vmem>>, vector<64x128xf32>,
    } else {
    }
    %gt3A = arith.constant 0 : i32
    %gt3A_39 = arith.cmpi sgt, %arg0, %gt3A : i32
    %convert_element_type3A_40 = arith.extui %gt3A_39 : i1 to i32
    %cond3A_41 = arith.constant 0 : i32
    %cond3A_42 = arith.cmpi ne, %convert_element_type3A_40, %cond3A_41 : i32
    scf.if %cond3A_42 {
      %get3A_48 = arith.constant 0 : index
      %get3A_49 = arith.constant 0 : index
      %get3A_50 = vector.load %arg9[%get3A_48, %get3A_49] : memref<64x128xf32, #tpu.memory_space<vmem>>, vector<64x128xf32>
      %add3A_51 = arith.addf %get3A_50, %dot_general3A_34 : vector<64x128xf32>
      %swap3A = arith.constant 0 : index
      %swap3A_52 = arith.constant 0 : index
      %swap3A_53 = vector.load %arg9[%swap3A, %swap3A_52] : memref<64x128xf32, #tpu.memory_space<vmem>>, vector<64x128xf32>
      tpu.vector_store %arg9[%swap3A, %swap3A_52], %add3A_51 {strides = array<i32>} : memref<64x128xf32, #tpu.memory_space<vmem>>, vector<64x128xf32>,
    } else {
    }
    %eq3A_43 = arith.constant 19 : i32
    %eq3A_44 = arith.cmpi eq, %arg0, %eq3A_43 : i32
    %convert_element_type3A_45 = arith.extui %eq3A_44 : i1 to i32
    %cond3A_46 = arith.constant 0 : i32
    %cond3A_47 = arith.cmpi ne, %convert_element_type3A_45, %cond3A_46 : i32
    scf.if %cond3A_47 {
      %get3A_48 = arith.constant 0 : index
      %get3A_49 = arith.constant 0 : index
      %get3A_50 = vector.load %arg9[%get3A_48, %get3A_49] : memref<64x128xf32, #tpu.memory_space<vmem>>, vector<64x64xf32>
      %get3A_51 = arith.constant 0 : index
      %get3A_52 = arith.constant 64 : index
      %get3A_53 = vector.load %arg9[%get3A_51, %get3A_52] : memref<64x128xf32, #tpu.memory_space<vmem>>, vector<64x1xf32>
      %max3A_54 = arith.constant 1.000000e+00 : f32
      %max3A_55 = vector.broadcast %max3A_54 : f32 to vector<64x1xf32>
      %max3A_56 = arith.maximumf %get3A_53, %max3A_55 : vector<64x1xf32>
      %div3A = vector.broadcast %max3A_56 : vector<64x1xf32> to vector<64x64xf32>
      %div3A_57 = arith.divf %get3A_50, %div3A : vector<64x64xf32>
      %get3A_58 = arith.constant 0 : index
      %get3A_59 = arith.constant 0 : index
      %get3A_60 = vector.load %arg6[%get3A_58, %get3A_59] : memref<64x2xf32, #tpu.memory_space<vmem>>, vector<64x2xf32>
      %dot_general3A_61 = arith.constant dense<0.000000e+00> : vector<64x2xf32>
      %dot_general3A_62 = tpu.matmul %div3A_57, %get3A_60, %dot_general3A_61 {dimension_numbers = #tpu.dot_dimension_numbers<[1], [0], [0], [1], [0, 0, 1, 1], [], []>, transpose_lhs_hint = false} : vector<64x64xf32>, vector<64x2xf32>, vector<64x2xf32> -> vector<64x2xf32>
      %get3A_63 = arith.constant 0 : index
      %get3A_64 = arith.constant 0 : index
      %get3A_65 = vector.load %arg7[%get3A_63, %get3A_64] : memref<1x2xf32, #tpu.memory_space<vmem>>, vector<1x2xf32>
      %add3A_66 = vector.broadcast %get3A_65 : vector<1x2xf32> to vector<64x2xf32>
      %add3A_67 = arith.addf %dot_general3A_62, %add3A_66 : vector<64x2xf32>
      %swap3A = arith.constant 0 : index
      %swap3A_68 = arith.constant 0 : index
      %swap3A_69 = vector.load %arg8[%swap3A, %swap3A_68] : memref<64x2xf32, #tpu.memory_space<vmem>>, vector<64x2xf32>
      tpu.vector_store %arg8[%swap3A, %swap3A_68], %add3A_67 {strides = array<i32>} : memref<64x2xf32, #tpu.memory_space<vmem>>, vector<64x2xf32>,
    } else {
    }
    return
  }
  func.func @transform_0(%arg0: i32) -> (i32, i32, i32) {
    %c0_i32 = arith.constant 0 : i32
    %c0_i32_0 = arith.constant 0 : i32
    %c0_i32_1 = arith.constant 0 : i32
    return %c0_i32, %arg0, %c0_i32_0 : i32, i32, i32
  }
  func.func @transform_1(%arg0: i32) -> (i32, i32, i32) {
    %c1_i32 = arith.constant 1 : i32
    %c0_i32 = arith.constant 0 : i32
    %c0_i32_0 = arith.constant 0 : i32
    return %c1_i32, %arg0, %c0_i32 : i32, i32, i32
  }
  func.func @transform_2(%arg0: i32) -> (i32, i32) {
    %c0_i32 = arith.constant 0 : i32
    %c0_i32_0 = arith.constant 0 : i32
    return %c0_i32, %arg0 : i32, i32
  }
  func.func @transform_3(%arg0: i32) -> (i32, i32) {
    %c0_i32 = arith.constant 0 : i32
    %c0_i32_0 = arith.constant 0 : i32
    %c0_i32_1 = arith.constant 0 : i32
    return %c0_i32, %c0_i32_0 : i32, i32
  }
  func.func @transform_4(%arg0: i32) -> (i32, i32, i32) {
    %c0_i32 = arith.constant 0 : i32
    %c0_i32_0 = arith.constant 0 : i32
    %c0_i32_1 = arith.constant 0 : i32
    return %arg0, %c0_i32, %c0_i32_0 : i32, i32, i32
  }
  func.func @transform_5(%arg0: i32) -> (i32, i32) {
    %c0_i32 = arith.constant 0 : i32
    %c0_i32_0 = arith.constant 0 : i32
    %c0_i32_1 = arith.constant 0 : i32
    return %c0_i32, %c0_i32_0 : i32, i32
  }
  func.func @transform_6(%arg0: i32) -> (i32, i32) {
    %c0_i32 = arith.constant 0 : i32
    %c0_i32_0 = arith.constant 0 : i32
    %c0_i32_1 = arith.constant 0 : i32
    return %c0_i32, %c0_i32_0 : i32, i32
  }
  func.func @transform_7(%arg0: i32) -> (i32, i32) {
    %c0_i32 = arith.constant 0 : i32
    %c0_i32_0 = arith.constant 0 : i32
    %c0_i32_1 = arith.constant 0 : i32
    return %c0_i32, %c0_i32_0 : i32, i32
  }
}

</mosaic_0001>

<sc_bundles>
// kernel: kernel.11.cloned.1.call-start
scs
__scs_entry_jumppad:
0x0: {  	(pc) =	sbr.rel $0x88, $3  }
0x1: {  	(tag) =	ssettag $0x0;
	lr =	simm.s32 $0x1  }
0x2: {  	[smem:$0x3F98] =	sst lr;
	_ =	strace $0xD0000000  }
0x3: {  	_ = 	snop  }
0x4: {  	_ = 	snop  }
0x5: {  	_ = 	snop  }
0x6: {  	_ = 	snop  }
0x7: {  	_ = 	snop  }
__scs_overlays_trampoline_lowered:
0x8: {  	[smem:$0x3FA7] =	sst s0  }
0x9: {  	[smem:$0x3FA8] =	sst s1  }
0xa: {  	[smem:$0x3FA9] =	sst s2  }
0xb: {  	[smem:$0x3FAA] =	sst s3  }
0xc: {  	[smem:$0x3FAB] =	sst s4  }
0xd: {  	[smem:$0x3FAC] =	sst s5  }
0xe: {  	[smem:$0x3FAD] =	sst s6  }
0xf: {  	[smem:$0x3FAE] =	sst s7  }
0x10: {  	[smem:$0x3FAF] =	sst s8  }
0x11: {  	[smem:$0x3FB0] =	sst s9;
	s0 =	simm.s32 @!p0 $0x0  }
0x12: {  	s1 =	sld [smem:$0x3F96];
	s0 =	simm.s32 @p0 $0x1  }
0x13: {  	[smem:$0x3FB1] =	sst s0;
	s0 =	simm.s32 @!p1 $0x0  }
0x14: {  	s2 =	sld [smem:$0x3F95];
	s0 =	simm.s32 @p1 $0x1  }
0x15: {  	[smem:$0x3FB2] =	sst s0;
	s0 =	simm.s32 @!p2 $0x0  }
0x16: {  	s3 =	sld [smem:$0x3FDB];
	s0 =	simm.s32 @p2 $0x1  }
0x17: {  	s4 =	simm.s32 $0x1BF5;
	[smem:$0x3FB4] =	sst s0  }
0x18: {  	s0 =	sld [smem:$0x3F97];
	_ =	swait.ge [sflag:s4], $0x0  }
0x19: {  	s7 =	sld [smem:$0x3F98]  }
0x1a: {  	s8 =	sadd.s32 $0xFFFFE003, lr  }
0x1b: {  	s9 =	sadd.s32 $0xFFFFFEF7, lr;
	s5 =	simm.s32 $0xFFFFFFFF;
	p2 =	slt.u32 s8, $0xFFFFF086  }
0x1c: {  	p1 =	slt.u32 s9, $0xF7A;
	s5 =	simm.s32 @!p2 $0x0  }
0x1d: {  	s5 =	simm.s32 @p1 $0x1;
	p0 =	seq.s32 s7, s2  }
0x1e: {  	s7 =	smul.u32 @!p0 $0xF7A, s2;
	p2 =	seq.s32 @!p0 s5, $0x0  }
0x1f: {  	s9 =	smul.u32 $0xF7A, s1;
	s8 =	simm.s32 @!p0 $0x1BF5;
	p2 =	por !p2, p0  }
0x20: {  	[sflag:s8] =	ssyncset.s32 @!p0 $0xFFFFF086;
	s6 =	sadd.s32 @!p0 s3, s7;
	s7 =	simm.s32 @!p0 $0x108  }
0x21: {  	s3 =	sadd.s32 s3, s9;
	s6 =	sadd.s32 @!p0 $0x88, s6;
	s7 =	simm.s32 @p2 $0x1082  }
0x22: {  	[simem:s7], [sflag:s8] =	dma.local @!p0 [hbm:s6], $0xF7A  }
0x23: {  	s9 =	sor.u32 $0xD0000000, s2;
	s6 =	simm.s32 $0x108;
	_ =	swait.ge @!p0 [sflag:s8], $0x0  }
0x24: {  	s3 =	sadd.s32 $0x88, s3;
	s6 =	simm.s32 @!p1 $0x1082;
	[sflag:s4] =	ssyncset.s32 $0xFFFFF086  }
0x25: {  	[simem:s6], [sflag:s4] =	dma.local [hbm:s3], $0xF7A  }
0x26: {  	[smem:$0x3F98] =	sst s1;
	(tag) =	ssettag s2;
	_ =	strace s9  }
0x27: {  	s1 =	sld [smem:$0x3FA8]  }
0x28: {  	s2 =	sld [smem:$0x3FA9]  }
0x29: {  	s4 =	sld [smem:$0x3FAB]  }
0x2a: {  	p0 =	seq.s32 s5, $0x0;
	s5 =	sld [smem:$0x3FAC]  }
0x2b: {  	s6 =	sld [smem:$0x3FAD]  }
0x2c: {  	s7 =	sld [smem:$0x3FAE]  }
0x2d: {  	s3 =	simm.s32 $0x108;
	s8 =	sld [smem:$0x3FAF]  }
0x2e: {  	s3 =	simm.s32 @!p0 $0x1082;
	s9 =	sld [smem:$0x3FB0]  }
0x2f: {  	lr =	sadd.s32 s0, s3;
	s0 =	sld [smem:$0x3FA7]  }
0x30: {  	s3 =	sld [smem:$0x3FAA]  }
0x31: {  	[smem:$0x3FB3] =	sst s10  }
0x32: {  	s10 =	sld [smem:$0x3FB1];
	_ =	sdelay $0x3  }
0x33: {  	p0 =	seq.s32 s10, $0x1;
	s10 =	sld [smem:$0x3FB3];
	_ =	sdelay $0x3  }
0x34: {  	[smem:$0x3FB3] =	sst s10  }
0x35: {  	s10 =	sld [smem:$0x3FB2];
	_ =	sdelay $0x3  }
0x36: {  	p1 =	seq.s32 s10, $0x1;
	s10 =	sld [smem:$0x3FB3];
	_ =	sdelay $0x3  }
0x37: {  	[smem:$0x3FB3] =	sst s10  }
0x38: {  	s10 =	sld [smem:$0x3FB4]  }
0x39: {  	_ = 	snop;
	(pc) =	sbr.ind lr, $3  }
0x3a: {  	_ = 	snop  }
0x3b: {  	_ = 	snop  }
0x3c: {  	p2 =	seq.s32 s10, $0x1;
	s10 =	sld [smem:$0x3FB3]  }
0x3d: {  	_ =	shalt  }
0x3e: {  	_ =	shalt  }
0x3f: {  	_ =	shalt  }
0x40: {  	_ =	shalt  }
0x41: {  	_ =	shalt  }
0x42: {  	_ =	shalt  }
0x43: {  	_ =	shalt  }
0x44: {  	_ =	shalt  }
0x45: {  	_ =	shalt  }
0x46: {  	_ =	shalt  }
0x47: {  	_ =	shalt  }
0x48: {  	_ =	shalt  }
0x49: {  	_ =	shalt  }
0x4a: {  	_ =	shalt  }
0x4b: {  	_ =	shalt  }
0x4c: {  	_ =	shalt  }
0x4d: {  	_ =	shalt  }
0x4e: {  	_ =	shalt  }
0x4f: {  	_ =	shalt  }
0x50: {  	_ =	shalt  }
0x51: {  	_ =	shalt  }
0x52: {  	_ =	shalt  }
0x53: {  	_ =	shalt  }
0x54: {  	_ =	shalt  }
0x55: {  	_ =	shalt  }
0x56: {  	_ =	shalt  }
0x57: {  	_ =	shalt  }
0x58: {  	_ =	shalt  }
0x59: {  	_ =	shalt  }
0x5a: {  	_ =	shalt  }
0x5b: {  	_ =	shalt  }
0x5c: {  	_ =	shalt  }
0x5d: {  	_ =	shalt  }
0x5e: {  	_ =	shalt  }
0x5f: {  	_ =	shalt  }
0x60: {  	_ =	shalt  }
0x61: {  	_ =	shalt  }
0x62: {  	_ =	shalt  }
0x63: {  	_ =	shalt  }
0x64: {  	_ =	shalt  }
0x65: {  	_ =	shalt  }
0x66: {  	_ =	shalt  }
0x67: {  	_ =	shalt  }
0x68: {  	_ =	shalt  }
0x69: {  	_ =	shalt  }
0x6a: {  	_ =	shalt  }
0x6b: {  	_ =	shalt  }
0x6c: {  	_ =	shalt  }
0x6d: {  	_ =	shalt  }
0x6e: {  	_ =	shalt  }
0x6f: {  	_ =	shalt  }
0x70: {  	_ =	shalt  }
0x71: {  	_ =	shalt  }
0x72: {  	_ =	shalt  }
0x73: {  	_ =	shalt  }
0x74: {  	_ =	shalt  }
0x75: {  	_ =	shalt  }
0x76: {  	_ =	shalt  }
0x77: {  	_ =	shalt  }
0x78: {  	_ =	shalt  }
0x79: {  	_ =	shalt  }
0x7a: {  	_ =	shalt  }
0x7b: {  	_ =	shalt  }
0x7c: {  	_ =	shalt  }
0x7d: {  	_ =	shalt  }
0x7e: {  	_ =	shalt  }
0x7f: {  	_ =	shalt  }
0x80: {  	_ =	shalt  }
0x81: {  	_ =	shalt  }
0x82: {  	_ =	shalt  }
0x83: {  	_ =	shalt  }
0x84: {  	_ =	shalt  }
0x85: {  	_ =	shalt  }
0x86: {  	_ =	shalt  }
0x87: {  	_ =	shalt  }
.Lfunc_end0:
.L_simem_size_0:
called_computation.1_lowered:
.L_overlay_start_0:
0x88: {  	s2 =	sld [smem:$0x3FD9]  }
0x89: {  	s3 =	sld [smem:$0x3FFE];
	_ =	sdelay $0x1  }
0x8a: {  	s1 =	srdreg.scid  }
0x8b: {  	s0 =	sand.u32 $0x1, s1  }
0x8c: {  	s16 =	sshll.u32 s0, $0xA;
	s2 =	sadd.s32 s3, s2  }
0x8d: {  	s2 =	sadd.s32 s2, s16  }
0x8e: {  	[smem:$0x3FBF] =	sst s2  }
0x8f: {  	_ = 	snop  }
0x90: {  	(tm) =	ssettm $0x1  }
0x91: {  	s17 =	sld [smem:$0x3FFB];
	_ =	sdelay $0x3  }
0x92: {  	_ =	strace s17  }
0x93: {  	s2 =	sld [smem:$0x3FFC];
	_ =	sdelay $0x3  }
0x94: {  	_ =	strace s2  }
0x95: {  	s2 =	sld [smem:$0x3FFD];
	_ =	sdelay $0x3  }
0x96: {  	_ =	strace s2  }
0x97: {  	_ =	strace $0x8FFFFFFF  }
0x98: {  	s18 =	sld [smem:$0x3FDB];
	_ =	sdelay $0x1  }
0x99: {  	s19 =	simm.s32 $_scs_section_size  }
0x9a: {  	s4 =	simm.s32 $_size__tile_overlayer_lowered;
	s5 =	simm.s32 $_tile_overlayer_lowered  }
0x9b: {  	s22 =	simm.s32 $0x1BFF;
	s21 =	sshll.u32 s5, $0x1;
	s2 =	sadd.s32 s19, s18  }
0x9c: {  	s6 =	simm.s32 $0x0;
	s20 =	sshll.u32 s4, $0x1;
	s4 =	sadd.s32 s21, s2  }
0x9d: {  	[timem:s6], [sflag:s22] =	dma.local [hbm:s4], s20  }
0x9e: {  	_ =	swait.ge [sflag:s22], s20  }
0x9f: {  	s3 =	ssub.s32 $0x0, s20;
	[sflag:s22] =	ssyncset.done $0x0  }
0xa0: {  	[sflag:s22] =	ssyncadd.s32 s3;
	_ =	sdelay $0x1  }
0xa1: {  	s23 =	simm.s32 $0x1B8B  }
0xa2: {  	_ =	swait.ge [sflag:s23], $0x1  }
0xa3: {  	[sflag:s23] =	ssyncset.done $0x0  }
0xa4: {  	s25 =	simm.s32 $0x1B8E;
	s24 =	sld [smem:$0x3FFE];
	[sflag:s23] =	ssyncadd.s32 $0xFFFFFFFF  }
0xa5: {  	s26 =	simm.s32 $execute0_lowered;
	[smem:$0x3FD2] =	sst s25  }
0xa6: {  	s4 =	sshll.u32 s26, $0x1;
	_ =	strace $0x80000049;
	[dreg:$0x1] =	wrdreg $0xFFFFFFFF  }
0xa7: {  	s28 =	simm.s32 $_size_execute0_lowered;
	s2 =	sadd.s32 s2, s4;
	[dreg:$0x0] =	wrdreg $0x0  }
0xa8: {  	s4 =	sshll.u32 s28, $0x1;
	[dreg:$0x2] =	wrdreg s2  }
0xa9: {  	[dreg:$0x3] =	wrdreg s4  }
0xaa: {  	[dreg:$0x4] =	wrdreg $0xC0  }
0xab: {  	_ =	task [dreg:s6], $0x5FFFF  }
0xac: {  	[dreg:$0x1] =	wrdreg $0xFFFFFFFF  }
0xad: {  	[dreg:$0x0] =	wrdreg $0x60  }
0xae: {  	[dreg:$0x2] =	wrdreg s24  }
0xaf: {  	[dreg:$0x3] =	wrdreg $0x150000  }
0xb0: {  	[dreg:$0x4] =	wrdreg $0x9  }
0xb1: {  	_ =	task.clear_ibuf [dreg:s6], $0x5FFFF;
	_ =	strace $0x90000049  }
0xb2: {  	s29 =	simm.s32 $0x9;
	_ =	strace $0x8000004B  }
0xb3: {  	_ =	swait.ge [sflag:s29], $0x1  }
0xb4: {  	[sflag:s29] =	ssyncadd.s32 $0xFFFFFFFF  }
0xb5: {  	_ =	strace $0x9000004B  }
0xb6: {  	_ =	sfence  }
0xb7: {  	s30 =	sld [smem:$0x0];
	_ =	sdelay $0x2  }
0xb8: {  	s31 =	sshll.u32 s1, $0xD;
	s1 =	sshrl.u32 s1, $0x2  }
0xb9: {  	s3 =	sand.u32 $0x4000, s31;
	s1 =	sadd.s32 s1, s30  }
0xba: {  	s0 =	sor.u32 s3, s0;
	s1 =	sshll.u32 s1, $0x11  }
0xbb: {  	s0 =	sor.u32 s1, s0  }
0xbc: {  	s0 =	sadd.s32 $0x8F2B, s0  }
0xbd: {  	[sflag:s0] =	ssyncadd.remote.s32 $0x1  }
0xbe: {  	_ =	sfence.sel $0xFFFF  }
0xbf: {  	[dreg:$0x0] =	wrdreg $0xFFFFFFFF;
	(pc) =	sbr.abs _section_cstart, $3  }
0xc0: {  	[dreg:$0x1] =	wrdreg $0xFFFFFFFF  }
0xc1: {  	_ =	task.clear_ibuf [dreg:s6], $0x2FFFF;
	_ =	strace $0x9FFFFFFF  }
0xc2: {  	(tm) =	ssettm $0x7FFFFFFF  }
0xc3: {  	_ =	shalt  }
tec
execute0_lowered:
.L_overlay_start_1:
0x0: {  	(tag) =	ssettag $0x1  }
0x1: {  	s0 =	srdreg.scid;
	s1 =	rddreg [dreg:$0x0]  }
0x2: {  	s11 =	stileid.u32;
	s2 =	rddreg [dreg:$0x1];
	s3 =	simm.s32 $0x0  }
0x3: {  	s13 =	simm.s32 $0x80;
	s14 =	simm.s32 $0x5000;
	s17 =	simm.s32 $0x9000  }
0x4: {  	s21 =	simm.s32 $0xD000;
	s25 =	simm.s32 $0x11000;
	s5 =	smul.u32 $0x2800, s11  }
0x5: {  	s28 =	simm.s32 $0x13000;
	s29 =	simm.s32 $0x1;
	s7 =	smul.u32 $0xA000, s11  }
0x6: {  	s30 =	simm.s32 $0x3;
	s0 =	sand.u32 $0x1, s0;
	s11 =	smul.u32 $0x1400, s11  }
0x7: {  	s31 =	simm.s32 $0x5;
	s12 =	simm.s32 $0x0;
	s4 =	smul.u32 $0x28000, s0  }
0x8: {  	[smem:$0x7FF] =	sst s3;
	s8 =	smul.u32 $0xA0000, s0;
	s9 =	ssub.s32 $0x2, s0  }
0x9: {  	_ =	strace $0x8000004A;
	s0 =	smul.u32 $0x14000, s0;
	s10 =	sshrl.u32 s9, $0x1  }
0xa: {  	s26 =	sadd.s32 s7, s2;
	s4 =	sadd.s32 s5, s4;
	s5 =	sshrl.u32 s5, $0x3  }
0xb: {  	s8 =	sadd.s32 s7, s8;
	s10 =	ssub.s32 s9, s10;
	s0 =	sadd.s32 s11, s0  }
0xc: {  	[dreg:$0x5] =	wrdreg s26;
	s11 =	simm.s32 $0x9;
	s6 =	sshrl.u32 s4, $0x3  }
.Ltmp0:
0xd: {  	s4 =	sadd.s32 $0x6400, s1;
	s8 =	sshrl.u32 s8, $0x3;
	(pc) =	sbr.rel .LBB2_1-.Ltmp0, $4  }
0xe: {  	s5 =	sadd.s32 s5, s1;
	s10 =	smax.u32 s10, $0x1;
	s6 =	sadd.s32 s6, s1  }
0xf: {  	s1 =	sadd.s32 s8, s1;
	s5 =	sadd.s32 $0x1400, s5;
	s8 =	sadd.s32 s4, s0  }
0x10: {  	s0 =	simm.s32 $0x8;
	s6 =	sadd.s32 $0x88400, s6;
	[dreg:$0x4] =	wrdreg s5  }
0x11: {  	s9 =	sadd.s32 $0x2E400, s1;
	s1 =	simm.s32 $0x7;
	[dreg:$0x3] =	wrdreg s6  }
.LBB2_4:
0x12: {  	_ =	swait.ge [sflag:s0], $0x2000  }
0x13: {  	[sflag:s0] =	ssyncset.done $0x0  }
0x14: {  	[sflag:s0] =	ssyncadd.s32 $0xFFFFE000  }
0x15: {  	[spmem:s2] =	stream.indirect.scatter.add.f32 [tilespmem:s28], [sflag:$0x9], $0x40, s5, s13, $0xb8;
	[tilespmem:$0x1F000] =	vst v63  }
0x16: {  	_ =	swait.ge [sflag:s11], $0x2000  }
0x17: {  	s12 =	sadd.s32 $0x1, s12;
	[sflag:s11] =	ssyncset.done $0x0  }
0x18: {  	p0 =	sne.s32 s12, s10;
	[sflag:s11] =	ssyncadd.s32 $0xFFFFE000  }
.Ltmp1:
0x19: {  	[bflag:$0x0] =	sbarrier.arrive $0xFFFF;
	(pc) =	sbr.rel @!p0 .LBB2_5-.Ltmp1, $4  }
0x1a: {  	[hbm:s9], [sflag:s15] =	dma.local [spmem:s16], $0x1400  }
0x1b: {  	_ =	swait.ge [sflag:s11], $0x1400  }
0x1c: {  	[sflag:s11] =	ssyncset.done $0x0  }
0x1d: {  	[sflag:s11] =	ssyncadd.s32 $0xFFFFEC00  }
.LBB2_1:
0x1e: {  	s5 =	rddreg [dreg:$0x3]  }
0x1f: {  	[tilespmem:s3], [sflag:$0x9] =	stream.linear.gather [hbm4b:s5+s3], $0x2800, $0x38;
	[tilespmem:$0x1F000] =	vst v63  }
0x20: {  	_ =	swait.ge [sflag:s11], $0x2800  }
0x21: {  	[sflag:s11] =	ssyncset.done $0x0  }
0x22: {  	s6 =	simm.s32 $0x2800;
	s26 =	rddreg [dreg:$0x4];
	[sflag:s11] =	ssyncadd.s32 $0xFFFFD800  }
0x23: {  	[tilespmem:s6], [sflag:$0x9] =	stream.linear.gather [hbm4b:s26+s3], $0x2800, $0x38;
	[tilespmem:$0x1F000] =	vst v63  }
0x24: {  	_ =	swait.ge [sflag:s11], $0x2800  }
0x25: {  	[sflag:s11] =	ssyncset.done $0x0  }
0x26: {  	[sflag:s11] =	ssyncadd.s32 $0xFFFFD800  }
0x27: {  	[tilespmem:s14], [sflag:$0x1] =	stream.indirect.gather [hbm4b:s4+s13], $0x40, s3, s13, $0xb8;
	[tilespmem:$0x1F000] =	vst v63  }
0x28: {  	s6 =	simm.s32 $0x7000  }
0x29: {  	[tilespmem:s6], [sflag:$0x2] =	stream.indirect.gather [hbm4b:s4+s13], $0x40, s13, s13, $0xb8;
	[tilespmem:$0x1F000] =	vst v63  }
0x2a: {  	s7 =	simm.s32 $0x100  }
0x2b: {  	[tilespmem:s17], [sflag:$0x3] =	stream.indirect.gather [hbm4b:s4+s13], $0x40, s7, s13, $0xb8;
	[tilespmem:$0x1F000] =	vst v63  }
0x2c: {  	s15 =	simm.s32 $0x180;
	s16 =	simm.s32 $0xB000  }
0x2d: {  	[tilespmem:s16], [sflag:$0x4] =	stream.indirect.gather [hbm4b:s4+s13], $0x40, s15, s13, $0xb8;
	[tilespmem:$0x1F000] =	vst v63  }
0x2e: {  	s18 =	simm.s32 $0x200  }
0x2f: {  	[tilespmem:s21], [sflag:$0x5] =	stream.indirect.gather [hbm4b:s4+s13], $0x40, s18, s13, $0xb8;
	[tilespmem:$0x1F000] =	vst v63  }
0x30: {  	s19 =	simm.s32 $0x280;
	s20 =	simm.s32 $0xF000;
	s24 =	stileid.u32  }
0x31: {  	[tilespmem:s20], [sflag:$0x6] =	stream.indirect.gather [hbm4b:s4+s13], $0x40, s19, s13, $0xb8;
	[tilespmem:$0x1F000] =	vst v63  }
0x32: {  	s22 =	simm.s32 $0x300;
	s5 =	sshll.u32 s24, $0x6;
	s26 =	rddreg [dreg:$0x5]  }
0x33: {  	[tilespmem:s25], [sflag:$0x7] =	stream.indirect.gather [hbm4b:s4+s13], $0x40, s22, s13, $0xb8;
	[tilespmem:$0x1F000] =	vst v63  }
0x34: {  	s23 =	simm.s32 $0x380;
	s15 =	sor.u32 $0x1C09, s5;
	s16 =	sshrl.u32 s26, $0x3  }
0x35: {  	[tilespmem:s28], [sflag:$0x8] =	stream.indirect.gather [hbm4b:s4+s13], $0x40, s23, s13, $0xb8;
	[tilespmem:$0x1F000] =	vst v63  }
0x36: {  	[spmem:s16], [sflag:s15] =	dma.local [hbm:s8], $0x1400  }
0x37: {  	_ =	swait.ge [sflag:s11], $0x1400  }
0x38: {  	[sflag:s11] =	ssyncset.done $0x0  }
0x39: {  	[sflag:s11] =	ssyncadd.s32 $0xFFFFEC00  }
0x3a: {  	s18 =	simm.s32 $0x0;
	[bflag:$0x0] =	sbarrier.arrive $0xFFFF  }
.LBB2_2:
0x3b: {  	_ =	swait.ge [sflag:s29], $0x2000  }
0x3c: {  	s19 =	sshra.s32 s18, $0x2;
	[sflag:s29] =	ssyncset.done $0x0  }
0x3d: {  	s5 =	sadd.s32 $0x2800, s19;
	[sflag:s29] =	ssyncadd.s32 $0xFFFFE000  }
0x3e: {  	[spmem:s2] =	stream.indirect.scatter.add.f32 [tilespmem:s14], [sflag:$0x9], $0x40, s5, s13, $0xb8;
	[tilespmem:$0x1F000] =	vst v63  }
0x3f: {  	_ =	swait.ge [sflag:s11], $0x2000  }
0x40: {  	p0 =	seq.s32 s18, $0x9000;
	[sflag:s11] =	ssyncset.done $0x0  }
0x41: {  	s5 =	simm.s32 @p0 $0x2;
	[sflag:s11] =	ssyncadd.s32 $0xFFFFE000  }
0x42: {  	s23 =	sshra.s32 @p0 s18, $0x2;
	_ =	swait.ge @p0 [sflag:s5], $0x2000  }
0x43: {  	s24 =	simm.s32 @p0 $0x80;
	s20 =	simm.s32 @p0 $0x7000;
	[sflag:s5] =	ssyncset.done @p0 $0x0  }
0x44: {  	s26 =	simm.s32 @p0 $0x9;
	[sflag:s5] =	ssyncadd.s32 @p0 $0xFFFFE000;
	s5 =	sadd.s32 @p0 $0x2880, s23  }
0x45: {  	[spmem:s2] =	stream.indirect.scatter.add.f32 @p0 [tilespmem:s20], [sflag:$0x9], $0x40, s5, s24, $0xb8;
	[tilespmem:$0x1F000] =	vst v63  }
0x46: {  	_ =	swait.ge @p0 [sflag:s26], $0x2000  }
0x47: {  	s22 =	simm.s32 @!p0 $0x80;
	s20 =	sshra.s32 @!p0 s18, $0x2;
	[sflag:s26] =	ssyncset.done @p0 $0x0  }
0x48: {  	s6 =	simm.s32 @!p0 $0x5000;
	s5 =	sadd.s32 @!p0 $0x400, s20;
	[sflag:s26] =	ssyncadd.s32 @p0 $0xFFFFE000  }
0x49: {  	[tilespmem:s6], [sflag:$0x1] =	stream.indirect.gather @!p0 [hbm4b:s4+s22], $0x40, s5, s22, $0xb8;
	[tilespmem:$0x1F000] =	vst v63  }
0x4a: {  	s5 =	simm.s32 @!p0 $0x2  }
0x4b: {  	_ =	swait.ge @!p0 [sflag:s5], $0x2000  }
0x4c: {  	[sflag:s5] =	ssyncset.done @!p0 $0x0  }
0x4d: {  	s6 =	simm.s32 @!p0 $0x7000;
	[sflag:s5] =	ssyncadd.s32 @!p0 $0xFFFFE000;
	s5 =	sadd.s32 @!p0 $0x2880, s20  }
0x4e: {  	[spmem:s2] =	stream.indirect.scatter.add.f32 @!p0 [tilespmem:s6], [sflag:$0x9], $0x40, s5, s22, $0xb8;
	[tilespmem:$0x1F000] =	vst v63  }
0x4f: {  	s5 =	simm.s32 @!p0 $0x9  }
0x50: {  	_ =	swait.ge @!p0 [sflag:s5], $0x2000  }
0x51: {  	[sflag:s5] =	ssyncset.done @!p0 $0x0  }
0x52: {  	s7 =	sadd.s32 @!p0 $0x480, s20;
	[sflag:s5] =	ssyncadd.s32 @!p0 $0xFFFFE000  }
0x53: {  	[tilespmem:s6], [sflag:$0x2] =	stream.indirect.gather @!p0 [hbm4b:s4+s22], $0x40, s7, s22, $0xb8;
	[tilespmem:$0x1F000] =	vst v63  }
0x54: {  	_ =	swait.ge [sflag:s30], $0x2000  }
0x55: {  	[sflag:s30] =	ssyncset.done $0x0  }
0x56: {  	s7 =	sadd.s32 $0x2900, s19;
	[sflag:s30] =	ssyncadd.s32 $0xFFFFE000  }
0x57: {  	[spmem:s2] =	stream.indirect.scatter.add.f32 [tilespmem:s17], [sflag:$0x9], $0x40, s7, s13, $0xb8;
	[tilespmem:$0x1F000] =	vst v63  }
0x58: {  	_ =	swait.ge [sflag:s11], $0x2000  }
0x59: {  	[sflag:s11] =	ssyncset.done $0x0  }
0x5a: {  	s6 =	simm.s32 @p0 $0x4;
	[sflag:s11] =	ssyncadd.s32 $0xFFFFE000  }
0x5b: {  	_ =	swait.ge @p0 [sflag:s6], $0x2000  }
0x5c: {  	[sflag:s6] =	ssyncset.done @p0 $0x0  }
0x5d: {  	s7 =	simm.s32 @p0 $0xB000;
	[sflag:s6] =	ssyncadd.s32 @p0 $0xFFFFE000;
	s6 =	sadd.s32 @p0 $0x2980, s23  }
0x5e: {  	[spmem:s2] =	stream.indirect.scatter.add.f32 @p0 [tilespmem:s7], [sflag:$0x9], $0x40, s6, s24, $0xb8;
	[tilespmem:$0x1F000] =	vst v63  }
0x5f: {  	_ =	swait.ge @p0 [sflag:s26], $0x2000  }
0x60: {  	[sflag:s26] =	ssyncset.done @p0 $0x0  }
0x61: {  	s6 =	sadd.s32 @!p0 $0x500, s20;
	s7 =	simm.s32 @!p0 $0x9000;
	[sflag:s26] =	ssyncadd.s32 @p0 $0xFFFFE000  }
0x62: {  	[tilespmem:s7], [sflag:$0x3] =	stream.indirect.gather @!p0 [hbm4b:s4+s22], $0x40, s6, s22, $0xb8;
	[tilespmem:$0x1F000] =	vst v63  }
0x63: {  	s6 =	simm.s32 @!p0 $0x4  }
0x64: {  	_ =	swait.ge @!p0 [sflag:s6], $0x2000  }
0x65: {  	[sflag:s6] =	ssyncset.done @!p0 $0x0  }
0x66: {  	s7 =	simm.s32 @!p0 $0xB000;
	[sflag:s6] =	ssyncadd.s32 @!p0 $0xFFFFE000;
	s6 =	sadd.s32 @!p0 $0x2980, s20  }
0x67: {  	[spmem:s2] =	stream.indirect.scatter.add.f32 @!p0 [tilespmem:s7], [sflag:$0x9], $0x40, s6, s22, $0xb8;
	[tilespmem:$0x1F000] =	vst v63  }
0x68: {  	_ =	swait.ge @!p0 [sflag:s5], $0x2000  }
0x69: {  	[sflag:s5] =	ssyncset.done @!p0 $0x0  }
0x6a: {  	s6 =	sadd.s32 @!p0 $0x580, s20;
	[sflag:s5] =	ssyncadd.s32 @!p0 $0xFFFFE000  }
0x6b: {  	[tilespmem:s7], [sflag:$0x4] =	stream.indirect.gather @!p0 [hbm4b:s4+s22], $0x40, s6, s22, $0xb8;
	[tilespmem:$0x1F000] =	vst v63  }
0x6c: {  	_ =	swait.ge [sflag:s31], $0x2000  }
0x6d: {  	[sflag:s31] =	ssyncset.done $0x0  }
0x6e: {  	s7 =	sadd.s32 $0x2A00, s19;
	[sflag:s31] =	ssyncadd.s32 $0xFFFFE000  }
0x6f: {  	[spmem:s2] =	stream.indirect.scatter.add.f32 [tilespmem:s21], [sflag:$0x9], $0x40, s7, s13, $0xb8;
	[tilespmem:$0x1F000] =	vst v63  }
0x70: {  	_ =	swait.ge [sflag:s11], $0x2000  }
0x71: {  	[sflag:s11] =	ssyncset.done $0x0  }
0x72: {  	s6 =	simm.s32 @p0 $0x6;
	[sflag:s11] =	ssyncadd.s32 $0xFFFFE000  }
0x73: {  	_ =	swait.ge @p0 [sflag:s6], $0x2000  }
0x74: {  	[sflag:s6] =	ssyncset.done @p0 $0x0  }
0x75: {  	s7 =	simm.s32 @p0 $0xF000;
	[sflag:s6] =	ssyncadd.s32 @p0 $0xFFFFE000;
	s6 =	sadd.s32 @p0 $0x2A80, s23  }
0x76: {  	[spmem:s2] =	stream.indirect.scatter.add.f32 @p0 [tilespmem:s7], [sflag:$0x9], $0x40, s6, s24, $0xb8;
	[tilespmem:$0x1F000] =	vst v63  }
0x77: {  	_ =	swait.ge @p0 [sflag:s26], $0x2000  }
0x78: {  	[sflag:s26] =	ssyncset.done @p0 $0x0  }
0x79: {  	s6 =	sadd.s32 @!p0 $0x600, s20;
	s7 =	simm.s32 @!p0 $0xD000;
	[sflag:s26] =	ssyncadd.s32 @p0 $0xFFFFE000  }
0x7a: {  	[tilespmem:s7], [sflag:$0x5] =	stream.indirect.gather @!p0 [hbm4b:s4+s22], $0x40, s6, s22, $0xb8;
	[tilespmem:$0x1F000] =	vst v63  }
0x7b: {  	s6 =	simm.s32 @!p0 $0x6  }
0x7c: {  	_ =	swait.ge @!p0 [sflag:s6], $0x2000  }
0x7d: {  	[sflag:s6] =	ssyncset.done @!p0 $0x0  }
0x7e: {  	s7 =	simm.s32 @!p0 $0xF000;
	[sflag:s6] =	ssyncadd.s32 @!p0 $0xFFFFE000;
	s6 =	sadd.s32 @!p0 $0x2A80, s20  }
0x7f: {  	[spmem:s2] =	stream.indirect.scatter.add.f32 @!p0 [tilespmem:s7], [sflag:$0x9], $0x40, s6, s22, $0xb8;
	[tilespmem:$0x1F000] =	vst v63  }
0x80: {  	_ =	swait.ge @!p0 [sflag:s5], $0x2000  }
0x81: {  	[sflag:s5] =	ssyncset.done @!p0 $0x0  }
0x82: {  	[sflag:s5] =	ssyncadd.s32 @!p0 $0xFFFFE000;
	s5 =	sadd.s32 @!p0 $0x680, s20  }
0x83: {  	[tilespmem:s7], [sflag:$0x6] =	stream.indirect.gather @!p0 [hbm4b:s4+s22], $0x40, s5, s22, $0xb8;
	[tilespmem:$0x1F000] =	vst v63  }
0x84: {  	_ =	swait.ge [sflag:s1], $0x2000  }
0x85: {  	[sflag:s1] =	ssyncset.done $0x0  }
.Ltmp2:
0x86: {  	s26 =	sadd.s32 $0x2B00, s19;
	[sflag:s1] =	ssyncadd.s32 $0xFFFFE000;
	(pc) =	sbr.rel @p0 .LBB2_4-.Ltmp2, $4  }
0x87: {  	[spmem:s2] =	stream.indirect.scatter.add.f32 [tilespmem:s25], [sflag:$0x9], $0x40, s26, s13, $0xb8;
	[tilespmem:$0x1F000] =	vst v63  }
0x88: {  	_ =	swait.ge [sflag:s11], $0x2000  }
0x89: {  	[sflag:s11] =	ssyncset.done $0x0  }
0x8a: {  	s5 =	sadd.s32 $0x2B80, s19;
	[sflag:s11] =	ssyncadd.s32 $0xFFFFE000  }
0x8b: {  	s6 =	sadd.s32 $0x700, s19  }
0x8c: {  	[tilespmem:s25], [sflag:$0x7] =	stream.indirect.gather [hbm4b:s4+s13], $0x40, s6, s13, $0xb8;
	[tilespmem:$0x1F000] =	vst v63  }
0x8d: {  	_ =	swait.ge [sflag:s0], $0x2000  }
0x8e: {  	[sflag:s0] =	ssyncset.done $0x0  }
0x8f: {  	[sflag:s0] =	ssyncadd.s32 $0xFFFFE000  }
0x90: {  	[spmem:s2] =	stream.indirect.scatter.add.f32 [tilespmem:s28], [sflag:$0x9], $0x40, s5, s13, $0xb8;
	[tilespmem:$0x1F000] =	vst v63  }
.Ltmp3:
0x91: {  	_ = 	snop;
	(pc) =	sbr.rel .LBB2_2-.Ltmp3, $4  }
0x92: {  	_ =	swait.ge [sflag:s11], $0x2000  }
0x93: {  	[sflag:s11] =	ssyncset.done $0x0  }
0x94: {  	s26 =	sadd.s32 $0x780, s19;
	s18 =	sadd.s32 $0x1000, s18;
	[sflag:s11] =	ssyncadd.s32 $0xFFFFE000  }
0x95: {  	[tilespmem:s28], [sflag:$0x8] =	stream.indirect.gather [hbm4b:s4+s13], $0x40, s26, s13, $0xb8;
	[tilespmem:$0x1F000] =	vst v63  }
.LBB2_5:
0x96: {  	_ =	sfence.sel $0x180000  }
0x97: {  	[bflag:$0x0] =	sbarrier.arrive $0xFFFF  }
0x98: {  	_ =	strace $0x9000004A  }
0x99: {  	s0 =	stileid.u32;
	[bflag:$0x2] =	sbarrier.arrive $0xFFFF  }
0x9a: {  	p0 =	sne.s32 s0, $0x0;
	s0 =	rddreg [dreg:$0x2]  }
0x9b: {  	s0 =	sadd.s32 @!p0 $0x100000, s0  }
0x9c: {  	[sflag:s0] =	ssyncadd.tile.s32 @!p0 $0x1;
	_ =	shalt  }
.Lfunc_end2:
_tile_overlayer_lowered:
.L_overlay_start_2:
0x9d: {  	(tag) =	ssettag $0x2  }
0x9e: {  	s0 =	rddreg [dreg:$0x0];
	s2 =	stileid.u32  }
0x9f: {  	s1 =	rddreg [dreg:$0x1];
	p0 =	sne.s32 s2, $0x0  }
0xa0: {  	s3 =	rddreg [dreg:$0x2];
	[bflag:$0x3] =	sbarrier.arrive $0xFFFF;
	s2 =	simm.s32 @!p0 $0x1C09  }
0xa1: {  	[timem:s3], [sflag:s2] =	dma.local @!p0 [hbm:s0], s1  }
0xa2: {  	s0 =	simm.s32 @!p0 $0x9  }
0xa3: {  	_ =	swait.ge @!p0 [sflag:s0], s1  }
0xa4: {  	s1 =	ssub.s32 @!p0 $0x0, s1;
	[sflag:s0] =	ssyncset.done @!p0 $0x0  }
0xa5: {  	[sflag:s0] =	ssyncadd.s32 @!p0 s1  }
0xa6: {  	[bflag:$0x3] =	sbarrier.arrive $0xFFFF  }
0xa7: {  	_ =	shalt  }

// kernel: kernel.14.cloned.1.call-start
scs
__scs_entry_jumppad:
0x0: {  	(pc) =	sbr.rel $0x88, $3  }
0x1: {  	(tag) =	ssettag $0x0;
	lr =	simm.s32 $0x1  }
0x2: {  	[smem:$0x3F98] =	sst lr;
	_ =	strace $0xD0000000  }
0x3: {  	_ = 	snop  }
0x4: {  	_ = 	snop  }
0x5: {  	_ = 	snop  }
0x6: {  	_ = 	snop  }
0x7: {  	_ = 	snop  }
__scs_overlays_trampoline_lowered:
0x8: {  	[smem:$0x3FA7] =	sst s0  }
0x9: {  	[smem:$0x3FA8] =	sst s1  }
0xa: {  	[smem:$0x3FA9] =	sst s2  }
0xb: {  	[smem:$0x3FAA] =	sst s3  }
0xc: {  	[smem:$0x3FAB] =	sst s4  }
0xd: {  	[smem:$0x3FAC] =	sst s5  }
0xe: {  	[smem:$0x3FAD] =	sst s6  }
0xf: {  	[smem:$0x3FAE] =	sst s7  }
0x10: {  	[smem:$0x3FAF] =	sst s8  }
0x11: {  	[smem:$0x3FB0] =	sst s9;
	s0 =	simm.s32 @!p0 $0x0  }
0x12: {  	s1 =	sld [smem:$0x3F96];
	s0 =	simm.s32 @p0 $0x1  }
0x13: {  	[smem:$0x3FB1] =	sst s0;
	s0 =	simm.s32 @!p1 $0x0  }
0x14: {  	s2 =	sld [smem:$0x3F95];
	s0 =	simm.s32 @p1 $0x1  }
0x15: {  	[smem:$0x3FB2] =	sst s0;
	s0 =	simm.s32 @!p2 $0x0  }
0x16: {  	s3 =	sld [smem:$0x3FDB];
	s0 =	simm.s32 @p2 $0x1  }
0x17: {  	s4 =	simm.s32 $0x1BF5;
	[smem:$0x3FB4] =	sst s0  }
0x18: {  	s0 =	sld [smem:$0x3F97];
	_ =	swait.ge [sflag:s4], $0x0  }
0x19: {  	s7 =	sld [smem:$0x3F98]  }
0x1a: {  	s8 =	sadd.s32 $0xFFFFE003, lr  }
0x1b: {  	s9 =	sadd.s32 $0xFFFFFEF7, lr;
	s5 =	simm.s32 $0xFFFFFFFF;
	p2 =	slt.u32 s8, $0xFFFFF086  }
0x1c: {  	p1 =	slt.u32 s9, $0xF7A;
	s5 =	simm.s32 @!p2 $0x0  }
0x1d: {  	s5 =	simm.s32 @p1 $0x1;
	p0 =	seq.s32 s7, s2  }
0x1e: {  	s7 =	smul.u32 @!p0 $0xF7A, s2;
	p2 =	seq.s32 @!p0 s5, $0x0  }
0x1f: {  	s9 =	smul.u32 $0xF7A, s1;
	s8 =	simm.s32 @!p0 $0x1BF5;
	p2 =	por !p2, p0  }
0x20: {  	[sflag:s8] =	ssyncset.s32 @!p0 $0xFFFFF086;
	s6 =	sadd.s32 @!p0 s3, s7;
	s7 =	simm.s32 @!p0 $0x108  }
0x21: {  	s3 =	sadd.s32 s3, s9;
	s6 =	sadd.s32 @!p0 $0x88, s6;
	s7 =	simm.s32 @p2 $0x1082  }
0x22: {  	[simem:s7], [sflag:s8] =	dma.local @!p0 [hbm:s6], $0xF7A  }
0x23: {  	s9 =	sor.u32 $0xD0000000, s2;
	s6 =	simm.s32 $0x108;
	_ =	swait.ge @!p0 [sflag:s8], $0x0  }
0x24: {  	s3 =	sadd.s32 $0x88, s3;
	s6 =	simm.s32 @!p1 $0x1082;
	[sflag:s4] =	ssyncset.s32 $0xFFFFF086  }
0x25: {  	[simem:s6], [sflag:s4] =	dma.local [hbm:s3], $0xF7A  }
0x26: {  	[smem:$0x3F98] =	sst s1;
	(tag) =	ssettag s2;
	_ =	strace s9  }
0x27: {  	s1 =	sld [smem:$0x3FA8]  }
0x28: {  	s2 =	sld [smem:$0x3FA9]  }
0x29: {  	s4 =	sld [smem:$0x3FAB]  }
0x2a: {  	p0 =	seq.s32 s5, $0x0;
	s5 =	sld [smem:$0x3FAC]  }
0x2b: {  	s6 =	sld [smem:$0x3FAD]  }
0x2c: {  	s7 =	sld [smem:$0x3FAE]  }
0x2d: {  	s3 =	simm.s32 $0x108;
	s8 =	sld [smem:$0x3FAF]  }
0x2e: {  	s3 =	simm.s32 @!p0 $0x1082;
	s9 =	sld [smem:$0x3FB0]  }
0x2f: {  	lr =	sadd.s32 s0, s3;
	s0 =	sld [smem:$0x3FA7]  }
0x30: {  	s3 =	sld [smem:$0x3FAA]  }
0x31: {  	[smem:$0x3FB3] =	sst s10  }
0x32: {  	s10 =	sld [smem:$0x3FB1];
	_ =	sdelay $0x3  }
0x33: {  	p0 =	seq.s32 s10, $0x1;
	s10 =	sld [smem:$0x3FB3];
	_ =	sdelay $0x3  }
0x34: {  	[smem:$0x3FB3] =	sst s10  }
0x35: {  	s10 =	sld [smem:$0x3FB2];
	_ =	sdelay $0x3  }
0x36: {  	p1 =	seq.s32 s10, $0x1;
	s10 =	sld [smem:$0x3FB3];
	_ =	sdelay $0x3  }
0x37: {  	[smem:$0x3FB3] =	sst s10  }
0x38: {  	s10 =	sld [smem:$0x3FB4]  }
0x39: {  	_ = 	snop;
	(pc) =	sbr.ind lr, $3  }
0x3a: {  	_ = 	snop  }
0x3b: {  	_ = 	snop  }
0x3c: {  	p2 =	seq.s32 s10, $0x1;
	s10 =	sld [smem:$0x3FB3]  }
0x3d: {  	_ =	shalt  }
0x3e: {  	_ =	shalt  }
0x3f: {  	_ =	shalt  }
0x40: {  	_ =	shalt  }
0x41: {  	_ =	shalt  }
0x42: {  	_ =	shalt  }
0x43: {  	_ =	shalt  }
0x44: {  	_ =	shalt  }
0x45: {  	_ =	shalt  }
0x46: {  	_ =	shalt  }
0x47: {  	_ =	shalt  }
0x48: {  	_ =	shalt  }
0x49: {  	_ =	shalt  }
0x4a: {  	_ =	shalt  }
0x4b: {  	_ =	shalt  }
0x4c: {  	_ =	shalt  }
0x4d: {  	_ =	shalt  }
0x4e: {  	_ =	shalt  }
0x4f: {  	_ =	shalt  }
0x50: {  	_ =	shalt  }
0x51: {  	_ =	shalt  }
0x52: {  	_ =	shalt  }
0x53: {  	_ =	shalt  }
0x54: {  	_ =	shalt  }
0x55: {  	_ =	shalt  }
0x56: {  	_ =	shalt  }
0x57: {  	_ =	shalt  }
0x58: {  	_ =	shalt  }
0x59: {  	_ =	shalt  }
0x5a: {  	_ =	shalt  }
0x5b: {  	_ =	shalt  }
0x5c: {  	_ =	shalt  }
0x5d: {  	_ =	shalt  }
0x5e: {  	_ =	shalt  }
0x5f: {  	_ =	shalt  }
0x60: {  	_ =	shalt  }
0x61: {  	_ =	shalt  }
0x62: {  	_ =	shalt  }
0x63: {  	_ =	shalt  }
0x64: {  	_ =	shalt  }
0x65: {  	_ =	shalt  }
0x66: {  	_ =	shalt  }
0x67: {  	_ =	shalt  }
0x68: {  	_ =	shalt  }
0x69: {  	_ =	shalt  }
0x6a: {  	_ =	shalt  }
0x6b: {  	_ =	shalt  }
0x6c: {  	_ =	shalt  }
0x6d: {  	_ =	shalt  }
0x6e: {  	_ =	shalt  }
0x6f: {  	_ =	shalt  }
0x70: {  	_ =	shalt  }
0x71: {  	_ =	shalt  }
0x72: {  	_ =	shalt  }
0x73: {  	_ =	shalt  }
0x74: {  	_ =	shalt  }
0x75: {  	_ =	shalt  }
0x76: {  	_ =	shalt  }
0x77: {  	_ =	shalt  }
0x78: {  	_ =	shalt  }
0x79: {  	_ =	shalt  }
0x7a: {  	_ =	shalt  }
0x7b: {  	_ =	shalt  }
0x7c: {  	_ =	shalt  }
0x7d: {  	_ =	shalt  }
0x7e: {  	_ =	shalt  }
0x7f: {  	_ =	shalt  }
0x80: {  	_ =	shalt  }
0x81: {  	_ =	shalt  }
0x82: {  	_ =	shalt  }
0x83: {  	_ =	shalt  }
0x84: {  	_ =	shalt  }
0x85: {  	_ =	shalt  }
0x86: {  	_ =	shalt  }
0x87: {  	_ =	shalt  }
.Lfunc_end0:
.L_simem_size_0:
called_computation.2_lowered:
.L_overlay_start_0:
0x88: {  	s2 =	sld [smem:$0x3FD9]  }
0x89: {  	s3 =	sld [smem:$0x3FFE];
	_ =	sdelay $0x1  }
0x8a: {  	s1 =	srdreg.scid  }
0x8b: {  	s0 =	sand.u32 $0x1, s1  }
0x8c: {  	s16 =	sshll.u32 s0, $0xA;
	s2 =	sadd.s32 s3, s2  }
0x8d: {  	s2 =	sadd.s32 s2, s16  }
0x8e: {  	[smem:$0x3FBF] =	sst s2  }
0x8f: {  	_ = 	snop  }
0x90: {  	(tm) =	ssettm $0x1  }
0x91: {  	s17 =	sld [smem:$0x3FFB];
	_ =	sdelay $0x3  }
0x92: {  	_ =	strace s17  }
0x93: {  	s2 =	sld [smem:$0x3FFC];
	_ =	sdelay $0x3  }
0x94: {  	_ =	strace s2  }
0x95: {  	s2 =	sld [smem:$0x3FFD];
	_ =	sdelay $0x3  }
0x96: {  	_ =	strace s2  }
0x97: {  	_ =	strace $0x8FFFFFFF  }
0x98: {  	s18 =	sld [smem:$0x3FDB];
	_ =	sdelay $0x1  }
0x99: {  	s19 =	simm.s32 $_scs_section_size  }
0x9a: {  	s4 =	simm.s32 $_size__tile_overlayer_lowered;
	s5 =	simm.s32 $_tile_overlayer_lowered  }
0x9b: {  	s22 =	simm.s32 $0x1BFF;
	s21 =	sshll.u32 s5, $0x1;
	s2 =	sadd.s32 s19, s18  }
0x9c: {  	s6 =	simm.s32 $0x0;
	s20 =	sshll.u32 s4, $0x1;
	s4 =	sadd.s32 s21, s2  }
0x9d: {  	[timem:s6], [sflag:s22] =	dma.local [hbm:s4], s20  }
0x9e: {  	_ =	swait.ge [sflag:s22], s20  }
0x9f: {  	s3 =	ssub.s32 $0x0, s20;
	[sflag:s22] =	ssyncset.done $0x0  }
0xa0: {  	[sflag:s22] =	ssyncadd.s32 s3;
	_ =	sdelay $0x1  }
0xa1: {  	s23 =	simm.s32 $0x1B8B  }
0xa2: {  	_ =	swait.ge [sflag:s23], $0x1  }
0xa3: {  	[sflag:s23] =	ssyncset.done $0x0  }
0xa4: {  	s25 =	simm.s32 $0x1B8E;
	s24 =	sld [smem:$0x3FFE];
	[sflag:s23] =	ssyncadd.s32 $0xFFFFFFFF  }
0xa5: {  	s26 =	simm.s32 $execute0_lowered;
	[smem:$0x3FD2] =	sst s25  }
0xa6: {  	s4 =	sshll.u32 s26, $0x1;
	_ =	strace $0x8000004C;
	[dreg:$0x1] =	wrdreg $0xFFFFFFFF  }
0xa7: {  	s28 =	simm.s32 $_size_execute0_lowered;
	s2 =	sadd.s32 s2, s4;
	[dreg:$0x0] =	wrdreg $0x0  }
0xa8: {  	s4 =	sshll.u32 s28, $0x1;
	[dreg:$0x2] =	wrdreg s2  }
0xa9: {  	[dreg:$0x3] =	wrdreg s4  }
0xaa: {  	[dreg:$0x4] =	wrdreg $0xC0  }
0xab: {  	_ =	task [dreg:s6], $0x5FFFF  }
0xac: {  	[dreg:$0x1] =	wrdreg $0xFFFFFFFF  }
0xad: {  	[dreg:$0x0] =	wrdreg $0x60  }
0xae: {  	[dreg:$0x2] =	wrdreg s24  }
0xaf: {  	[dreg:$0x3] =	wrdreg $0xD0000  }
0xb0: {  	[dreg:$0x4] =	wrdreg $0x9  }
0xb1: {  	_ =	task.clear_ibuf [dreg:s6], $0x5FFFF;
	_ =	strace $0x9000004C  }
0xb2: {  	s29 =	simm.s32 $0x9;
	_ =	strace $0x8000004E  }
0xb3: {  	_ =	swait.ge [sflag:s29], $0x1  }
0xb4: {  	[sflag:s29] =	ssyncadd.s32 $0xFFFFFFFF  }
0xb5: {  	_ =	strace $0x9000004E  }
0xb6: {  	_ =	sfence  }
0xb7: {  	s30 =	sld [smem:$0x0];
	_ =	sdelay $0x2  }
0xb8: {  	s31 =	sshll.u32 s1, $0xD;
	s1 =	sshrl.u32 s1, $0x2  }
0xb9: {  	s3 =	sand.u32 $0x4000, s31;
	s1 =	sadd.s32 s1, s30  }
0xba: {  	s0 =	sor.u32 s3, s0;
	s1 =	sshll.u32 s1, $0x11  }
0xbb: {  	s0 =	sor.u32 s1, s0  }
0xbc: {  	s0 =	sadd.s32 $0x8F2B, s0  }
0xbd: {  	[sflag:s0] =	ssyncadd.remote.s32 $0x1  }
0xbe: {  	_ =	sfence.sel $0xFFFF  }
0xbf: {  	[dreg:$0x0] =	wrdreg $0xFFFFFFFF;
	(pc) =	sbr.abs _section_cstart, $3  }
0xc0: {  	[dreg:$0x1] =	wrdreg $0xFFFFFFFF  }
0xc1: {  	_ =	task.clear_ibuf [dreg:s6], $0x2FFFF;
	_ =	strace $0x9FFFFFFF  }
0xc2: {  	(tm) =	ssettm $0x7FFFFFFF  }
0xc3: {  	_ =	shalt  }
tec
execute0_lowered:
.L_overlay_start_1:
0x0: {  	(tag) =	ssettag $0x1  }
0x1: {  	s0 =	srdreg.scid;
	s1 =	rddreg [dreg:$0x0]  }
0x2: {  	s11 =	stileid.u32;
	s2 =	rddreg [dreg:$0x1];
	s3 =	simm.s32 $0x0  }
0x3: {  	s13 =	simm.s32 $0x80;
	s14 =	simm.s32 $0x5000;
	s17 =	simm.s32 $0x7000  }
0x4: {  	s21 =	simm.s32 $0x9000;
	s25 =	simm.s32 $0xB000;
	s5 =	smul.u32 $0x2800, s11  }
0x5: {  	s28 =	simm.s32 $0xC000;
	s29 =	simm.s32 $0x1;
	s7 =	smul.u32 $0x5000, s11  }
0x6: {  	s30 =	simm.s32 $0x3;
	s0 =	sand.u32 $0x1, s0;
	s11 =	smul.u32 $0xA00, s11  }
0x7: {  	s31 =	simm.s32 $0x5;
	s12 =	simm.s32 $0x0;
	s4 =	smul.u32 $0x28000, s0  }
0x8: {  	[smem:$0x7FF] =	sst s3;
	s8 =	smul.u32 $0x50000, s0;
	s9 =	ssub.s32 $0x2, s0  }
0x9: {  	_ =	strace $0x8000004D;
	s0 =	smul.u32 $0xA000, s0;
	s10 =	sshrl.u32 s9, $0x1  }
0xa: {  	s26 =	sadd.s32 s7, s2;
	s4 =	sadd.s32 s5, s4;
	s5 =	sshrl.u32 s5, $0x3  }
0xb: {  	s8 =	sadd.s32 s7, s8;
	s10 =	ssub.s32 s9, s10;
	s0 =	sadd.s32 s11, s0  }
0xc: {  	[dreg:$0x5] =	wrdreg s26;
	s11 =	simm.s32 $0x9;
	s6 =	sshrl.u32 s4, $0x3  }
.Ltmp0:
0xd: {  	s4 =	sadd.s32 $0x6400, s1;
	s8 =	sshrl.u32 s8, $0x3;
	(pc) =	sbr.rel .LBB2_1-.Ltmp0, $4  }
0xe: {  	s5 =	sadd.s32 s5, s1;
	s10 =	smax.u32 s10, $0x1;
	s6 =	sadd.s32 s6, s1  }
0xf: {  	s1 =	sadd.s32 s8, s1;
	s5 =	sadd.s32 $0x1400, s5;
	s8 =	sadd.s32 s4, s0  }
0x10: {  	s0 =	simm.s32 $0x8;
	s6 =	sadd.s32 $0x88400, s6;
	[dreg:$0x4] =	wrdreg s5  }
0x11: {  	s9 =	sadd.s32 $0x1A400, s1;
	s1 =	simm.s32 $0x7;
	[dreg:$0x3] =	wrdreg s6  }
.LBB2_4:
0x12: {  	_ =	swait.ge [sflag:s0], $0x1000  }
0x13: {  	[sflag:s0] =	ssyncset.done $0x0  }
0x14: {  	[sflag:s0] =	ssyncadd.s32 $0xFFFFF000  }
0x15: {  	[spmem:s2] =	stream.indirect.scatter.add.f32 [tilespmem:s28], [sflag:$0x9], $0x20, s5, s13, $0xb8;
	[tilespmem:$0x12000] =	vst v63  }
0x16: {  	_ =	swait.ge [sflag:s11], $0x1000  }
0x17: {  	s12 =	sadd.s32 $0x1, s12;
	[sflag:s11] =	ssyncset.done $0x0  }
0x18: {  	p0 =	sne.s32 s12, s10;
	[sflag:s11] =	ssyncadd.s32 $0xFFFFF000  }
.Ltmp1:
0x19: {  	[bflag:$0x0] =	sbarrier.arrive $0xFFFF;
	(pc) =	sbr.rel @!p0 .LBB2_5-.Ltmp1, $4  }
0x1a: {  	[hbm:s9], [sflag:s15] =	dma.local [spmem:s16], $0xA00  }
0x1b: {  	_ =	swait.ge [sflag:s11], $0xA00  }
0x1c: {  	[sflag:s11] =	ssyncset.done $0x0  }
0x1d: {  	[sflag:s11] =	ssyncadd.s32 $0xFFFFF600  }
.LBB2_1:
0x1e: {  	s5 =	rddreg [dreg:$0x3]  }
0x1f: {  	[tilespmem:s3], [sflag:$0x9] =	stream.linear.gather [hbm4b:s5+s3], $0x2800, $0x38;
	[tilespmem:$0x12000] =	vst v63  }
0x20: {  	_ =	swait.ge [sflag:s11], $0x2800  }
0x21: {  	[sflag:s11] =	ssyncset.done $0x0  }
0x22: {  	s6 =	simm.s32 $0x2800;
	s26 =	rddreg [dreg:$0x4];
	[sflag:s11] =	ssyncadd.s32 $0xFFFFD800  }
0x23: {  	[tilespmem:s6], [sflag:$0x9] =	stream.linear.gather [hbm4b:s26+s3], $0x2800, $0x38;
	[tilespmem:$0x12000] =	vst v63  }
0x24: {  	_ =	swait.ge [sflag:s11], $0x2800  }
0x25: {  	[sflag:s11] =	ssyncset.done $0x0  }
0x26: {  	[sflag:s11] =	ssyncadd.s32 $0xFFFFD800  }
0x27: {  	[tilespmem:s14], [sflag:$0x1] =	stream.indirect.gather [hbm4b:s4+s13], $0x20, s3, s13, $0xb8;
	[tilespmem:$0x12000] =	vst v63  }
0x28: {  	s6 =	simm.s32 $0x6000  }
0x29: {  	[tilespmem:s6], [sflag:$0x2] =	stream.indirect.gather [hbm4b:s4+s13], $0x20, s13, s13, $0xb8;
	[tilespmem:$0x12000] =	vst v63  }
0x2a: {  	s7 =	simm.s32 $0x100  }
0x2b: {  	[tilespmem:s17], [sflag:$0x3] =	stream.indirect.gather [hbm4b:s4+s13], $0x20, s7, s13, $0xb8;
	[tilespmem:$0x12000] =	vst v63  }
0x2c: {  	s15 =	simm.s32 $0x180;
	s16 =	simm.s32 $0x8000  }
0x2d: {  	[tilespmem:s16], [sflag:$0x4] =	stream.indirect.gather [hbm4b:s4+s13], $0x20, s15, s13, $0xb8;
	[tilespmem:$0x12000] =	vst v63  }
0x2e: {  	s18 =	simm.s32 $0x200  }
0x2f: {  	[tilespmem:s21], [sflag:$0x5] =	stream.indirect.gather [hbm4b:s4+s13], $0x20, s18, s13, $0xb8;
	[tilespmem:$0x12000] =	vst v63  }
0x30: {  	s19 =	simm.s32 $0x280;
	s20 =	simm.s32 $0xA000;
	s24 =	stileid.u32  }
0x31: {  	[tilespmem:s20], [sflag:$0x6] =	stream.indirect.gather [hbm4b:s4+s13], $0x20, s19, s13, $0xb8;
	[tilespmem:$0x12000] =	vst v63  }
0x32: {  	s22 =	simm.s32 $0x300;
	s5 =	sshll.u32 s24, $0x6;
	s26 =	rddreg [dreg:$0x5]  }
0x33: {  	[tilespmem:s25], [sflag:$0x7] =	stream.indirect.gather [hbm4b:s4+s13], $0x20, s22, s13, $0xb8;
	[tilespmem:$0x12000] =	vst v63  }
0x34: {  	s23 =	simm.s32 $0x380;
	s15 =	sor.u32 $0x1C09, s5;
	s16 =	sshrl.u32 s26, $0x3  }
0x35: {  	[tilespmem:s28], [sflag:$0x8] =	stream.indirect.gather [hbm4b:s4+s13], $0x20, s23, s13, $0xb8;
	[tilespmem:$0x12000] =	vst v63  }
0x36: {  	[spmem:s16], [sflag:s15] =	dma.local [hbm:s8], $0xA00  }
0x37: {  	_ =	swait.ge [sflag:s11], $0xA00  }
0x38: {  	[sflag:s11] =	ssyncset.done $0x0  }
0x39: {  	[sflag:s11] =	ssyncadd.s32 $0xFFFFF600  }
0x3a: {  	s18 =	simm.s32 $0x0;
	[bflag:$0x0] =	sbarrier.arrive $0xFFFF  }
.LBB2_2:
0x3b: {  	_ =	swait.ge [sflag:s29], $0x1000  }
0x3c: {  	s19 =	sshra.s32 s18, $0x2;
	[sflag:s29] =	ssyncset.done $0x0  }
0x3d: {  	s5 =	sadd.s32 $0x2800, s19;
	[sflag:s29] =	ssyncadd.s32 $0xFFFFF000  }
0x3e: {  	[spmem:s2] =	stream.indirect.scatter.add.f32 [tilespmem:s14], [sflag:$0x9], $0x20, s5, s13, $0xb8;
	[tilespmem:$0x12000] =	vst v63  }
0x3f: {  	_ =	swait.ge [sflag:s11], $0x1000  }
0x40: {  	p0 =	seq.s32 s18, $0x9000;
	[sflag:s11] =	ssyncset.done $0x0  }
0x41: {  	s5 =	simm.s32 @p0 $0x2;
	[sflag:s11] =	ssyncadd.s32 $0xFFFFF000  }
0x42: {  	s23 =	sshra.s32 @p0 s18, $0x2;
	_ =	swait.ge @p0 [sflag:s5], $0x1000  }
0x43: {  	s24 =	simm.s32 @p0 $0x80;
	s20 =	simm.s32 @p0 $0x6000;
	[sflag:s5] =	ssyncset.done @p0 $0x0  }
0x44: {  	s26 =	simm.s32 @p0 $0x9;
	[sflag:s5] =	ssyncadd.s32 @p0 $0xFFFFF000;
	s5 =	sadd.s32 @p0 $0x2880, s23  }
0x45: {  	[spmem:s2] =	stream.indirect.scatter.add.f32 @p0 [tilespmem:s20], [sflag:$0x9], $0x20, s5, s24, $0xb8;
	[tilespmem:$0x12000] =	vst v63  }
0x46: {  	_ =	swait.ge @p0 [sflag:s26], $0x1000  }
0x47: {  	s22 =	simm.s32 @!p0 $0x80;
	s20 =	sshra.s32 @!p0 s18, $0x2;
	[sflag:s26] =	ssyncset.done @p0 $0x0  }
0x48: {  	s6 =	simm.s32 @!p0 $0x5000;
	s5 =	sadd.s32 @!p0 $0x400, s20;
	[sflag:s26] =	ssyncadd.s32 @p0 $0xFFFFF000  }
0x49: {  	[tilespmem:s6], [sflag:$0x1] =	stream.indirect.gather @!p0 [hbm4b:s4+s22], $0x20, s5, s22, $0xb8;
	[tilespmem:$0x12000] =	vst v63  }
0x4a: {  	s5 =	simm.s32 @!p0 $0x2  }
0x4b: {  	_ =	swait.ge @!p0 [sflag:s5], $0x1000  }
0x4c: {  	[sflag:s5] =	ssyncset.done @!p0 $0x0  }
0x4d: {  	s6 =	simm.s32 @!p0 $0x6000;
	[sflag:s5] =	ssyncadd.s32 @!p0 $0xFFFFF000;
	s5 =	sadd.s32 @!p0 $0x2880, s20  }
0x4e: {  	[spmem:s2] =	stream.indirect.scatter.add.f32 @!p0 [tilespmem:s6], [sflag:$0x9], $0x20, s5, s22, $0xb8;
	[tilespmem:$0x12000] =	vst v63  }
0x4f: {  	s5 =	simm.s32 @!p0 $0x9  }
0x50: {  	_ =	swait.ge @!p0 [sflag:s5], $0x1000  }
0x51: {  	[sflag:s5] =	ssyncset.done @!p0 $0x0  }
0x52: {  	s7 =	sadd.s32 @!p0 $0x480, s20;
	[sflag:s5] =	ssyncadd.s32 @!p0 $0xFFFFF000  }
0x53: {  	[tilespmem:s6], [sflag:$0x2] =	stream.indirect.gather @!p0 [hbm4b:s4+s22], $0x20, s7, s22, $0xb8;
	[tilespmem:$0x12000] =	vst v63  }
0x54: {  	_ =	swait.ge [sflag:s30], $0x1000  }
0x55: {  	[sflag:s30] =	ssyncset.done $0x0  }
0x56: {  	s7 =	sadd.s32 $0x2900, s19;
	[sflag:s30] =	ssyncadd.s32 $0xFFFFF000  }
0x57: {  	[spmem:s2] =	stream.indirect.scatter.add.f32 [tilespmem:s17], [sflag:$0x9], $0x20, s7, s13, $0xb8;
	[tilespmem:$0x12000] =	vst v63  }
0x58: {  	_ =	swait.ge [sflag:s11], $0x1000  }
0x59: {  	[sflag:s11] =	ssyncset.done $0x0  }
0x5a: {  	s6 =	simm.s32 @p0 $0x4;
	[sflag:s11] =	ssyncadd.s32 $0xFFFFF000  }
0x5b: {  	_ =	swait.ge @p0 [sflag:s6], $0x1000  }
0x5c: {  	[sflag:s6] =	ssyncset.done @p0 $0x0  }
0x5d: {  	s7 =	simm.s32 @p0 $0x8000;
	[sflag:s6] =	ssyncadd.s32 @p0 $0xFFFFF000;
	s6 =	sadd.s32 @p0 $0x2980, s23  }
0x5e: {  	[spmem:s2] =	stream.indirect.scatter.add.f32 @p0 [tilespmem:s7], [sflag:$0x9], $0x20, s6, s24, $0xb8;
	[tilespmem:$0x12000] =	vst v63  }
0x5f: {  	_ =	swait.ge @p0 [sflag:s26], $0x1000  }
0x60: {  	[sflag:s26] =	ssyncset.done @p0 $0x0  }
0x61: {  	s6 =	sadd.s32 @!p0 $0x500, s20;
	s7 =	simm.s32 @!p0 $0x7000;
	[sflag:s26] =	ssyncadd.s32 @p0 $0xFFFFF000  }
0x62: {  	[tilespmem:s7], [sflag:$0x3] =	stream.indirect.gather @!p0 [hbm4b:s4+s22], $0x20, s6, s22, $0xb8;
	[tilespmem:$0x12000] =	vst v63  }
0x63: {  	s6 =	simm.s32 @!p0 $0x4  }
0x64: {  	_ =	swait.ge @!p0 [sflag:s6], $0x1000  }
0x65: {  	[sflag:s6] =	ssyncset.done @!p0 $0x0  }
0x66: {  	s7 =	simm.s32 @!p0 $0x8000;
	[sflag:s6] =	ssyncadd.s32 @!p0 $0xFFFFF000;
	s6 =	sadd.s32 @!p0 $0x2980, s20  }
0x67: {  	[spmem:s2] =	stream.indirect.scatter.add.f32 @!p0 [tilespmem:s7], [sflag:$0x9], $0x20, s6, s22, $0xb8;
	[tilespmem:$0x12000] =	vst v63  }
0x68: {  	_ =	swait.ge @!p0 [sflag:s5], $0x1000  }
0x69: {  	[sflag:s5] =	ssyncset.done @!p0 $0x0  }
0x6a: {  	s6 =	sadd.s32 @!p0 $0x580, s20;
	[sflag:s5] =	ssyncadd.s32 @!p0 $0xFFFFF000  }
0x6b: {  	[tilespmem:s7], [sflag:$0x4] =	stream.indirect.gather @!p0 [hbm4b:s4+s22], $0x20, s6, s22, $0xb8;
	[tilespmem:$0x12000] =	vst v63  }
0x6c: {  	_ =	swait.ge [sflag:s31], $0x1000  }
0x6d: {  	[sflag:s31] =	ssyncset.done $0x0  }
0x6e: {  	s7 =	sadd.s32 $0x2A00, s19;
	[sflag:s31] =	ssyncadd.s32 $0xFFFFF000  }
0x6f: {  	[spmem:s2] =	stream.indirect.scatter.add.f32 [tilespmem:s21], [sflag:$0x9], $0x20, s7, s13, $0xb8;
	[tilespmem:$0x12000] =	vst v63  }
0x70: {  	_ =	swait.ge [sflag:s11], $0x1000  }
0x71: {  	[sflag:s11] =	ssyncset.done $0x0  }
0x72: {  	s6 =	simm.s32 @p0 $0x6;
	[sflag:s11] =	ssyncadd.s32 $0xFFFFF000  }
0x73: {  	_ =	swait.ge @p0 [sflag:s6], $0x1000  }
0x74: {  	[sflag:s6] =	ssyncset.done @p0 $0x0  }
0x75: {  	s7 =	simm.s32 @p0 $0xA000;
	[sflag:s6] =	ssyncadd.s32 @p0 $0xFFFFF000;
	s6 =	sadd.s32 @p0 $0x2A80, s23  }
0x76: {  	[spmem:s2] =	stream.indirect.scatter.add.f32 @p0 [tilespmem:s7], [sflag:$0x9], $0x20, s6, s24, $0xb8;
	[tilespmem:$0x12000] =	vst v63  }
0x77: {  	_ =	swait.ge @p0 [sflag:s26], $0x1000  }
0x78: {  	[sflag:s26] =	ssyncset.done @p0 $0x0  }
0x79: {  	s6 =	sadd.s32 @!p0 $0x600, s20;
	s7 =	simm.s32 @!p0 $0x9000;
	[sflag:s26] =	ssyncadd.s32 @p0 $0xFFFFF000  }
0x7a: {  	[tilespmem:s7], [sflag:$0x5] =	stream.indirect.gather @!p0 [hbm4b:s4+s22], $0x20, s6, s22, $0xb8;
	[tilespmem:$0x12000] =	vst v63  }
0x7b: {  	s6 =	simm.s32 @!p0 $0x6  }
0x7c: {  	_ =	swait.ge @!p0 [sflag:s6], $0x1000  }
0x7d: {  	[sflag:s6] =	ssyncset.done @!p0 $0x0  }
0x7e: {  	s7 =	simm.s32 @!p0 $0xA000;
	[sflag:s6] =	ssyncadd.s32 @!p0 $0xFFFFF000;
	s6 =	sadd.s32 @!p0 $0x2A80, s20  }
0x7f: {  	[spmem:s2] =	stream.indirect.scatter.add.f32 @!p0 [tilespmem:s7], [sflag:$0x9], $0x20, s6, s22, $0xb8;
	[tilespmem:$0x12000] =	vst v63  }
0x80: {  	_ =	swait.ge @!p0 [sflag:s5], $0x1000  }
0x81: {  	[sflag:s5] =	ssyncset.done @!p0 $0x0  }
0x82: {  	[sflag:s5] =	ssyncadd.s32 @!p0 $0xFFFFF000;
	s5 =	sadd.s32 @!p0 $0x680, s20  }
0x83: {  	[tilespmem:s7], [sflag:$0x6] =	stream.indirect.gather @!p0 [hbm4b:s4+s22], $0x20, s5, s22, $0xb8;
	[tilespmem:$0x12000] =	vst v63  }
0x84: {  	_ =	swait.ge [sflag:s1], $0x1000  }
0x85: {  	[sflag:s1] =	ssyncset.done $0x0  }
.Ltmp2:
0x86: {  	s26 =	sadd.s32 $0x2B00, s19;
	[sflag:s1] =	ssyncadd.s32 $0xFFFFF000;
	(pc) =	sbr.rel @p0 .LBB2_4-.Ltmp2, $4  }
0x87: {  	[spmem:s2] =	stream.indirect.scatter.add.f32 [tilespmem:s25], [sflag:$0x9], $0x20, s26, s13, $0xb8;
	[tilespmem:$0x12000] =	vst v63  }
0x88: {  	_ =	swait.ge [sflag:s11], $0x1000  }
0x89: {  	[sflag:s11] =	ssyncset.done $0x0  }
0x8a: {  	s5 =	sadd.s32 $0x2B80, s19;
	[sflag:s11] =	ssyncadd.s32 $0xFFFFF000  }
0x8b: {  	s6 =	sadd.s32 $0x700, s19  }
0x8c: {  	[tilespmem:s25], [sflag:$0x7] =	stream.indirect.gather [hbm4b:s4+s13], $0x20, s6, s13, $0xb8;
	[tilespmem:$0x12000] =	vst v63  }
0x8d: {  	_ =	swait.ge [sflag:s0], $0x1000  }
0x8e: {  	[sflag:s0] =	ssyncset.done $0x0  }
0x8f: {  	[sflag:s0] =	ssyncadd.s32 $0xFFFFF000  }
0x90: {  	[spmem:s2] =	stream.indirect.scatter.add.f32 [tilespmem:s28], [sflag:$0x9], $0x20, s5, s13, $0xb8;
	[tilespmem:$0x12000] =	vst v63  }
.Ltmp3:
0x91: {  	_ = 	snop;
	(pc) =	sbr.rel .LBB2_2-.Ltmp3, $4  }
0x92: {  	_ =	swait.ge [sflag:s11], $0x1000  }
0x93: {  	[sflag:s11] =	ssyncset.done $0x0  }
0x94: {  	s26 =	sadd.s32 $0x780, s19;
	s18 =	sadd.s32 $0x1000, s18;
	[sflag:s11] =	ssyncadd.s32 $0xFFFFF000  }
0x95: {  	[tilespmem:s28], [sflag:$0x8] =	stream.indirect.gather [hbm4b:s4+s13], $0x20, s26, s13, $0xb8;
	[tilespmem:$0x12000] =	vst v63  }
.LBB2_5:
0x96: {  	_ =	sfence.sel $0x180000  }
0x97: {  	[bflag:$0x0] =	sbarrier.arrive $0xFFFF  }
0x98: {  	_ =	strace $0x9000004D  }
0x99: {  	s0 =	stileid.u32;
	[bflag:$0x2] =	sbarrier.arrive $0xFFFF  }
0x9a: {  	p0 =	sne.s32 s0, $0x0;
	s0 =	rddreg [dreg:$0x2]  }
0x9b: {  	s0 =	sadd.s32 @!p0 $0x100000, s0  }
0x9c: {  	[sflag:s0] =	ssyncadd.tile.s32 @!p0 $0x1;
	_ =	shalt  }
.Lfunc_end2:
_tile_overlayer_lowered:
.L_overlay_start_2:
0x9d: {  	(tag) =	ssettag $0x2  }
0x9e: {  	s0 =	rddreg [dreg:$0x0];
	s2 =	stileid.u32  }
0x9f: {  	s1 =	rddreg [dreg:$0x1];
	p0 =	sne.s32 s2, $0x0  }
0xa0: {  	s3 =	rddreg [dreg:$0x2];
	[bflag:$0x3] =	sbarrier.arrive $0xFFFF;
	s2 =	simm.s32 @!p0 $0x1C09  }
0xa1: {  	[timem:s3], [sflag:s2] =	dma.local @!p0 [hbm:s0], s1  }
0xa2: {  	s0 =	simm.s32 @!p0 $0x9  }
0xa3: {  	_ =	swait.ge @!p0 [sflag:s0], s1  }
0xa4: {  	s1 =	ssub.s32 @!p0 $0x0, s1;
	[sflag:s0] =	ssyncset.done @!p0 $0x0  }
0xa5: {  	[sflag:s0] =	ssyncadd.s32 @!p0 s1  }
0xa6: {  	[bflag:$0x3] =	sbarrier.arrive $0xFFFF  }
0xa7: {  	_ =	shalt  }

// kernel: kernel.8.cloned.1.call-start
scs
__scs_entry_jumppad:
0x0: {  	(pc) =	sbr.rel $0x88, $3  }
0x1: {  	(tag) =	ssettag $0x0;
	lr =	simm.s32 $0x1  }
0x2: {  	[smem:$0x3F98] =	sst lr;
	_ =	strace $0xD0000000  }
0x3: {  	_ = 	snop  }
0x4: {  	_ = 	snop  }
0x5: {  	_ = 	snop  }
0x6: {  	_ = 	snop  }
0x7: {  	_ = 	snop  }
__scs_overlays_trampoline_lowered:
0x8: {  	[smem:$0x3FA7] =	sst s0  }
0x9: {  	[smem:$0x3FA8] =	sst s1  }
0xa: {  	[smem:$0x3FA9] =	sst s2  }
0xb: {  	[smem:$0x3FAA] =	sst s3  }
0xc: {  	[smem:$0x3FAB] =	sst s4  }
0xd: {  	[smem:$0x3FAC] =	sst s5  }
0xe: {  	[smem:$0x3FAD] =	sst s6  }
0xf: {  	[smem:$0x3FAE] =	sst s7  }
0x10: {  	[smem:$0x3FAF] =	sst s8  }
0x11: {  	[smem:$0x3FB0] =	sst s9;
	s0 =	simm.s32 @!p0 $0x0  }
0x12: {  	s1 =	sld [smem:$0x3F96];
	s0 =	simm.s32 @p0 $0x1  }
0x13: {  	[smem:$0x3FB1] =	sst s0;
	s0 =	simm.s32 @!p1 $0x0  }
0x14: {  	s2 =	sld [smem:$0x3F95];
	s0 =	simm.s32 @p1 $0x1  }
0x15: {  	[smem:$0x3FB2] =	sst s0;
	s0 =	simm.s32 @!p2 $0x0  }
0x16: {  	s3 =	sld [smem:$0x3FDB];
	s0 =	simm.s32 @p2 $0x1  }
0x17: {  	s4 =	simm.s32 $0x1BF5;
	[smem:$0x3FB4] =	sst s0  }
0x18: {  	s0 =	sld [smem:$0x3F97];
	_ =	swait.ge [sflag:s4], $0x0  }
0x19: {  	s7 =	sld [smem:$0x3F98]  }
0x1a: {  	s8 =	sadd.s32 $0xFFFFE003, lr  }
0x1b: {  	s9 =	sadd.s32 $0xFFFFFEF7, lr;
	s5 =	simm.s32 $0xFFFFFFFF;
	p2 =	slt.u32 s8, $0xFFFFF086  }
0x1c: {  	p1 =	slt.u32 s9, $0xF7A;
	s5 =	simm.s32 @!p2 $0x0  }
0x1d: {  	s5 =	simm.s32 @p1 $0x1;
	p0 =	seq.s32 s7, s2  }
0x1e: {  	s7 =	smul.u32 @!p0 $0xF7A, s2;
	p2 =	seq.s32 @!p0 s5, $0x0  }
0x1f: {  	s9 =	smul.u32 $0xF7A, s1;
	s8 =	simm.s32 @!p0 $0x1BF5;
	p2 =	por !p2, p0  }
0x20: {  	[sflag:s8] =	ssyncset.s32 @!p0 $0xFFFFF086;
	s6 =	sadd.s32 @!p0 s3, s7;
	s7 =	simm.s32 @!p0 $0x108  }
0x21: {  	s3 =	sadd.s32 s3, s9;
	s6 =	sadd.s32 @!p0 $0x88, s6;
	s7 =	simm.s32 @p2 $0x1082  }
0x22: {  	[simem:s7], [sflag:s8] =	dma.local @!p0 [hbm:s6], $0xF7A  }
0x23: {  	s9 =	sor.u32 $0xD0000000, s2;
	s6 =	simm.s32 $0x108;
	_ =	swait.ge @!p0 [sflag:s8], $0x0  }
0x24: {  	s3 =	sadd.s32 $0x88, s3;
	s6 =	simm.s32 @!p1 $0x1082;
	[sflag:s4] =	ssyncset.s32 $0xFFFFF086  }
0x25: {  	[simem:s6], [sflag:s4] =	dma.local [hbm:s3], $0xF7A  }
0x26: {  	[smem:$0x3F98] =	sst s1;
	(tag) =	ssettag s2;
	_ =	strace s9  }
0x27: {  	s1 =	sld [smem:$0x3FA8]  }
0x28: {  	s2 =	sld [smem:$0x3FA9]  }
0x29: {  	s4 =	sld [smem:$0x3FAB]  }
0x2a: {  	p0 =	seq.s32 s5, $0x0;
	s5 =	sld [smem:$0x3FAC]  }
0x2b: {  	s6 =	sld [smem:$0x3FAD]  }
0x2c: {  	s7 =	sld [smem:$0x3FAE]  }
0x2d: {  	s3 =	simm.s32 $0x108;
	s8 =	sld [smem:$0x3FAF]  }
0x2e: {  	s3 =	simm.s32 @!p0 $0x1082;
	s9 =	sld [smem:$0x3FB0]  }
0x2f: {  	lr =	sadd.s32 s0, s3;
	s0 =	sld [smem:$0x3FA7]  }
0x30: {  	s3 =	sld [smem:$0x3FAA]  }
0x31: {  	[smem:$0x3FB3] =	sst s10  }
0x32: {  	s10 =	sld [smem:$0x3FB1];
	_ =	sdelay $0x3  }
0x33: {  	p0 =	seq.s32 s10, $0x1;
	s10 =	sld [smem:$0x3FB3];
	_ =	sdelay $0x3  }
0x34: {  	[smem:$0x3FB3] =	sst s10  }
0x35: {  	s10 =	sld [smem:$0x3FB2];
	_ =	sdelay $0x3  }
0x36: {  	p1 =	seq.s32 s10, $0x1;
	s10 =	sld [smem:$0x3FB3];
	_ =	sdelay $0x3  }
0x37: {  	[smem:$0x3FB3] =	sst s10  }
0x38: {  	s10 =	sld [smem:$0x3FB4]  }
0x39: {  	_ = 	snop;
	(pc) =	sbr.ind lr, $3  }
0x3a: {  	_ = 	snop  }
0x3b: {  	_ = 	snop  }
0x3c: {  	p2 =	seq.s32 s10, $0x1;
	s10 =	sld [smem:$0x3FB3]  }
0x3d: {  	_ =	shalt  }
0x3e: {  	_ =	shalt  }
0x3f: {  	_ =	shalt  }
0x40: {  	_ =	shalt  }
0x41: {  	_ =	shalt  }
0x42: {  	_ =	shalt  }
0x43: {  	_ =	shalt  }
0x44: {  	_ =	shalt  }
0x45: {  	_ =	shalt  }
0x46: {  	_ =	shalt  }
0x47: {  	_ =	shalt  }
0x48: {  	_ =	shalt  }
0x49: {  	_ =	shalt  }
0x4a: {  	_ =	shalt  }
0x4b: {  	_ =	shalt  }
0x4c: {  	_ =	shalt  }
0x4d: {  	_ =	shalt  }
0x4e: {  	_ =	shalt  }
0x4f: {  	_ =	shalt  }
0x50: {  	_ =	shalt  }
0x51: {  	_ =	shalt  }
0x52: {  	_ =	shalt  }
0x53: {  	_ =	shalt  }
0x54: {  	_ =	shalt  }
0x55: {  	_ =	shalt  }
0x56: {  	_ =	shalt  }
0x57: {  	_ =	shalt  }
0x58: {  	_ =	shalt  }
0x59: {  	_ =	shalt  }
0x5a: {  	_ =	shalt  }
0x5b: {  	_ =	shalt  }
0x5c: {  	_ =	shalt  }
0x5d: {  	_ =	shalt  }
0x5e: {  	_ =	shalt  }
0x5f: {  	_ =	shalt  }
0x60: {  	_ =	shalt  }
0x61: {  	_ =	shalt  }
0x62: {  	_ =	shalt  }
0x63: {  	_ =	shalt  }
0x64: {  	_ =	shalt  }
0x65: {  	_ =	shalt  }
0x66: {  	_ =	shalt  }
0x67: {  	_ =	shalt  }
0x68: {  	_ =	shalt  }
0x69: {  	_ =	shalt  }
0x6a: {  	_ =	shalt  }
0x6b: {  	_ =	shalt  }
0x6c: {  	_ =	shalt  }
0x6d: {  	_ =	shalt  }
0x6e: {  	_ =	shalt  }
0x6f: {  	_ =	shalt  }
0x70: {  	_ =	shalt  }
0x71: {  	_ =	shalt  }
0x72: {  	_ =	shalt  }
0x73: {  	_ =	shalt  }
0x74: {  	_ =	shalt  }
0x75: {  	_ =	shalt  }
0x76: {  	_ =	shalt  }
0x77: {  	_ =	shalt  }
0x78: {  	_ =	shalt  }
0x79: {  	_ =	shalt  }
0x7a: {  	_ =	shalt  }
0x7b: {  	_ =	shalt  }
0x7c: {  	_ =	shalt  }
0x7d: {  	_ =	shalt  }
0x7e: {  	_ =	shalt  }
0x7f: {  	_ =	shalt  }
0x80: {  	_ =	shalt  }
0x81: {  	_ =	shalt  }
0x82: {  	_ =	shalt  }
0x83: {  	_ =	shalt  }
0x84: {  	_ =	shalt  }
0x85: {  	_ =	shalt  }
0x86: {  	_ =	shalt  }
0x87: {  	_ =	shalt  }
.Lfunc_end0:
.L_simem_size_0:
called_computation_lowered:
.L_overlay_start_0:
0x88: {  	s2 =	sld [smem:$0x3FD9]  }
0x89: {  	s3 =	sld [smem:$0x3FFE];
	_ =	sdelay $0x1  }
0x8a: {  	s1 =	srdreg.scid  }
0x8b: {  	s0 =	sand.u32 $0x1, s1  }
0x8c: {  	s16 =	sshll.u32 s0, $0xA;
	s2 =	sadd.s32 s3, s2  }
0x8d: {  	s2 =	sadd.s32 s2, s16  }
0x8e: {  	[smem:$0x3FBF] =	sst s2  }
0x8f: {  	_ = 	snop  }
0x90: {  	(tm) =	ssettm $0x1  }
0x91: {  	s17 =	sld [smem:$0x3FFB];
	_ =	sdelay $0x3  }
0x92: {  	_ =	strace s17  }
0x93: {  	s2 =	sld [smem:$0x3FFC];
	_ =	sdelay $0x3  }
0x94: {  	_ =	strace s2  }
0x95: {  	s2 =	sld [smem:$0x3FFD];
	_ =	sdelay $0x3  }
0x96: {  	_ =	strace s2  }
0x97: {  	_ =	strace $0x8FFFFFFF  }
0x98: {  	s18 =	sld [smem:$0x3FDB];
	_ =	sdelay $0x1  }
0x99: {  	s19 =	simm.s32 $_scs_section_size  }
0x9a: {  	s4 =	simm.s32 $_size__tile_overlayer_lowered;
	s5 =	simm.s32 $_tile_overlayer_lowered  }
0x9b: {  	s22 =	simm.s32 $0x1BFF;
	s21 =	sshll.u32 s5, $0x1;
	s2 =	sadd.s32 s19, s18  }
0x9c: {  	s6 =	simm.s32 $0x0;
	s20 =	sshll.u32 s4, $0x1;
	s4 =	sadd.s32 s21, s2  }
0x9d: {  	[timem:s6], [sflag:s22] =	dma.local [hbm:s4], s20  }
0x9e: {  	_ =	swait.ge [sflag:s22], s20  }
0x9f: {  	s3 =	ssub.s32 $0x0, s20;
	[sflag:s22] =	ssyncset.done $0x0  }
0xa0: {  	[sflag:s22] =	ssyncadd.s32 s3;
	_ =	sdelay $0x1  }
0xa1: {  	s23 =	simm.s32 $0x1B8B  }
0xa2: {  	_ =	swait.ge [sflag:s23], $0x1  }
0xa3: {  	[sflag:s23] =	ssyncset.done $0x0  }
0xa4: {  	s25 =	simm.s32 $0x1B8E;
	s24 =	sld [smem:$0x3FFE];
	[sflag:s23] =	ssyncadd.s32 $0xFFFFFFFF  }
0xa5: {  	s26 =	simm.s32 $execute0_lowered;
	[smem:$0x3FD2] =	sst s25  }
0xa6: {  	s4 =	sshll.u32 s26, $0x1;
	_ =	strace $0x80000046;
	[dreg:$0x1] =	wrdreg $0xFFFFFFFF  }
0xa7: {  	s28 =	simm.s32 $_size_execute0_lowered;
	s2 =	sadd.s32 s2, s4;
	[dreg:$0x0] =	wrdreg $0x0  }
0xa8: {  	s4 =	sshll.u32 s28, $0x1;
	[dreg:$0x2] =	wrdreg s2  }
0xa9: {  	[dreg:$0x3] =	wrdreg s4  }
0xaa: {  	[dreg:$0x4] =	wrdreg $0xC0  }
0xab: {  	_ =	task [dreg:s6], $0x5FFFF  }
0xac: {  	[dreg:$0x1] =	wrdreg $0xFFFFFFFF  }
0xad: {  	[dreg:$0x0] =	wrdreg $0x60  }
0xae: {  	[dreg:$0x2] =	wrdreg s24  }
0xaf: {  	[dreg:$0x3] =	wrdreg $0x9  }
0xb0: {  	_ =	task.clear_ibuf [dreg:s6], $0x4FFFF;
	_ =	strace $0x90000046  }
0xb1: {  	s29 =	simm.s32 $0x9;
	_ =	strace $0x80000048  }
0xb2: {  	_ =	swait.ge [sflag:s29], $0x1  }
0xb3: {  	[sflag:s29] =	ssyncadd.s32 $0xFFFFFFFF  }
0xb4: {  	_ =	strace $0x90000048  }
0xb5: {  	_ =	sfence  }
0xb6: {  	s30 =	sld [smem:$0x0];
	_ =	sdelay $0x2  }
0xb7: {  	s31 =	sshll.u32 s1, $0xD;
	s1 =	sshrl.u32 s1, $0x2  }
0xb8: {  	s3 =	sand.u32 $0x4000, s31;
	s1 =	sadd.s32 s1, s30  }
0xb9: {  	s0 =	sor.u32 s3, s0;
	s1 =	sshll.u32 s1, $0x11  }
0xba: {  	s0 =	sor.u32 s1, s0  }
0xbb: {  	s0 =	sadd.s32 $0x8F2B, s0  }
0xbc: {  	[sflag:s0] =	ssyncadd.remote.s32 $0x1  }
0xbd: {  	_ =	sfence.sel $0xFFFF  }
0xbe: {  	[dreg:$0x0] =	wrdreg $0xFFFFFFFF;
	(pc) =	sbr.abs _section_cstart, $3  }
0xbf: {  	[dreg:$0x1] =	wrdreg $0xFFFFFFFF  }
0xc0: {  	_ =	task.clear_ibuf [dreg:s6], $0x2FFFF;
	_ =	strace $0x9FFFFFFF  }
0xc1: {  	(tm) =	ssettm $0x7FFFFFFF  }
tec
execute0_lowered:
.L_overlay_start_1:
0x0: {  	(tag) =	ssettag $0x1  }
0x1: {  	s0 =	srdreg.scid  }
0x2: {  	s3 =	sand.u32 $0x1, s0  }
0x3: {  	s4 =	rddreg [dreg:$0x0];
	s0 =	stileid.u32;
	s1 =	sshll.u32 s3, $0x4  }
0x4: {  	s2 =	simm.s32 $0x0;
	s8 =	simm.s32 $0x80;
	s5 =	sor.u32 s0, s1  }
0x5: {  	s9 =	simm.s32 $0x400;
	[smem:$0x7FF] =	sst s2;
	s6 =	sshrl.u32 s5, $0x3  }
0x6: {  	s7 =	sshll.u32 s0, $0x7;
	s3 =	ssub.s32 $0x2, s3;
	s6 =	smul.u32 $0x14000, s6  }
0x7: {  	s1 =	rddreg [dreg:$0x1];
	s7 =	sand.u32 $0x380, s7;
	s5 =	smul.u32 $0x280, s5  }
0x8: {  	_ =	strace $0x80000047;
	s30 =	sshrl.u32 s3, $0x1;
	s6 =	sor.u32 s7, s6  }
0x9: {  	s31 =	ssub.s32 s3, s30;
	s5 =	sadd.s32 s5, s4;
	s6 =	sshrl.u32 s6, $0x3  }
0xa: {  	s3 =	sadd.s32 $0x1400, s5;
	s5 =	smax.u32 s31, $0x1;
	s4 =	sadd.s32 s6, s4  }
0xb: {  	v0 =	vimm.f32 $0.0e+00;
	v1 =	vimm.f32 $1.000000000e+00;
	s7 =	simm.s32 $0x1400;
	s6 =	simm.s32 $0x1;
	s4 =	sadd.s32 $0x6400, s4  }
.LBB2_1:
0xc: {  	s10 =	simm.s32 $0x40;
	s11 =	simm.s32 $0x0  }
.LBB2_2:
0xd: {  	p0 =	sne.s32 s10, $0x9FC0;
	[tilespmem:s11+$0x1400] =	vst v0;
	s11 =	smov.u32 s10;
	s10 =	sadd.s32 $0x40, s10  }
.Ltmp0:
0xe: {  	(pc) =	sbr.rel @p0 .LBB2_2-.Ltmp0, $2  }
0xf: {  	_ =	sdelay $0x2  }
0x10: {  	s11 =	sshra.s32 s11, $0x2  }
0x11: {  	[tilespmem:s11+$0x1400] =	vst v0;
	s10 =	simm.s32 $0x0  }
0x12: {  	[tilespmem:s10], [sflag:$0x1] =	stream.linear.gather [hbm4b:s3+s10], $0x1400, $0x38;
	[tilespmem:$0x3C00] =	vst v63  }
0x13: {  	_ =	swait.ge [sflag:s6], $0x1400  }
0x14: {  	[sflag:s6] =	ssyncset.done $0x0  }
0x15: {  	s11 =	simm.s32 $0x0;
	s10 =	simm.s32 $0x40;
	[sflag:s6] =	ssyncadd.s32 $0xFFFFEC00  }
.LBB2_4:
0x16: {  	p0 =	sne.s32 s10, $0x4FC0;
	v2 =	vld [tilespmem:s11+$0x0];
	_ =	sdelay $0x3  }
.Ltmp1:
0x17: {  	(pc) =	sbr.rel @p0 .LBB2_4-.Ltmp1, $2  }
0x18: {  	_ =	sdelay $0x2  }
0x19: {  	s11 =	sshra.s32 s10, $0x2;
	s10 =	sadd.s32 $0x40, s10;
	[tilespmem:v2+s7+$0x0] =	vst.idx.add.f32.msk $0xffff, v1  }
0x1a: {  	v2 =	vld [tilespmem:s11+$0x0];
	_ =	sdelay $0x5  }
0x1b: {  	s2 =	sadd.s32 $0x1, s2  }
0x1c: {  	p0 =	sne.s32 s2, s5  }
.Ltmp2:
0x1d: {  	[tilespmem:v2+s7+$0x0] =	vst.idx.add.f32.msk $0xffff, v1;
	(pc) =	sbr.rel @p0 .LBB2_1-.Ltmp2, $4  }
0x1e: {  	[hbm4b:s4+s8] =	stream.strided.scatter [tilespmem:s7], [sflag:$0x1], $0x2800, s9, s8, $0x38;
	[tilespmem:$0x3C00] =	vst v63  }
0x1f: {  	_ =	swait.ge [sflag:s6], $0x2800  }
0x20: {  	[sflag:s6] =	ssyncset.done $0x0  }
0x21: {  	[sflag:s6] =	ssyncadd.s32 $0xFFFFD800  }
0x22: {  	_ =	sfence.sel $0x180000  }
0x23: {  	[bflag:$0x0] =	sbarrier.arrive $0xFFFF  }
0x24: {  	p0 =	sne.s32 s0, $0x0;
	_ =	strace $0x90000047  }
0x25: {  	s0 =	sadd.s32 @!p0 $0x100000, s1;
	[bflag:$0x2] =	sbarrier.arrive $0xFFFF  }
0x26: {  	[sflag:s0] =	ssyncadd.tile.s32 @!p0 $0x1;
	_ =	shalt  }
.Lfunc_end2:
_tile_overlayer_lowered:
.L_overlay_start_2:
0x27: {  	(tag) =	ssettag $0x2  }
0x28: {  	s0 =	rddreg [dreg:$0x0];
	s2 =	stileid.u32  }
0x29: {  	s1 =	rddreg [dreg:$0x1];
	p0 =	sne.s32 s2, $0x0  }
0x2a: {  	s3 =	rddreg [dreg:$0x2];
	[bflag:$0x3] =	sbarrier.arrive $0xFFFF;
	s2 =	simm.s32 @!p0 $0x1C01  }
0x2b: {  	[timem:s3], [sflag:s2] =	dma.local @!p0 [hbm:s0], s1  }
0x2c: {  	s0 =	simm.s32 @!p0 $0x1  }
0x2d: {  	_ =	swait.ge @!p0 [sflag:s0], s1  }
0x2e: {  	s1 =	ssub.s32 @!p0 $0x0, s1;
	[sflag:s0] =	ssyncset.done @!p0 $0x0  }
0x2f: {  	[sflag:s0] =	ssyncadd.s32 @!p0 s1  }
0x30: {  	[bflag:$0x3] =	sbarrier.arrive $0xFFFF  }
0x31: {  	_ =	shalt  }

</sc_bundles>
